<compile_context>
chip_gen: v7x
topology: tpu7x:2x2x1
jax: 0.10.2.dev20260603
libtpu: 0.0.44.dev20260713+nightly
codegen_flags: <defaults>
</compile_context>

<pallas_src>
import functools

import jax
import jax.numpy as jnp
from jax import lax
from jax.experimental import pallas as pl
from jax.experimental.pallas import tpu as pltpu
from jax.experimental.pallas import tpu_sc as plsc

N = 10000
E = 320000
D_IN = 128
HID = 16
D_OUT = 64

NC = 2
NS = 16
NW = NC * NS
L = 16

EB = 128
RPW = 80
NBUF = 8
NGRP = RPW // NBUF
NPAD = 10240
NPT = NPAD // NS

_MESH = plsc.VectorSubcoreMesh(core_axis_name="c", subcore_axis_name="s")


def _sc_degree(dst3d):

    @functools.partial(
        pl.kernel,
        out_type=jax.ShapeDtypeStruct((NC, NPAD, HID), jnp.float32),
        mesh=_MESH,
        compiler_params=pltpu.CompilerParams(use_tc_tiling_on_sc=False),
        scratch_types=[
            pltpu.VMEM((EB, HID), jnp.float32),
            pltpu.VMEM((RPW, EB), jnp.int32),
            pltpu.VMEM((NPT, HID), jnp.float32),
            pltpu.VMEM_SHARED((NPAD, HID), jnp.float32),
            pltpu.SemaphoreType.DMA,
        ],
    )
    def k(dst_hbm, deg_hbm, ones_v, didx_v, zbuf_v, deg_s, sem):
        c = lax.axis_index("c")
        s = lax.axis_index("s")
        w = c * NS + s
        one = jnp.ones((L,), jnp.float32)
        zero = jnp.zeros((L,), jnp.float32)

        def fill(i, _):
            ones_v[i, :] = one
            zbuf_v[i, :] = zero
            return 0

        lax.fori_loop(0, EB, fill, 0)

        def zfill(i, _):
            zbuf_v[i, :] = zero
            return 0

        lax.fori_loop(EB, NPT, zfill, 0)
        pltpu.sync_copy(zbuf_v, deg_s.at[pl.ds(s * NPT, NPT)])
        pltpu.sync_copy(dst_hbm.at[w], didx_v)
        plsc.subcore_barrier()

        def body(j, _):
            pltpu.async_copy(ones_v, deg_s.at[didx_v.at[j]], sem, add=True)
            return 0

        lax.fori_loop(0, RPW, body, 0)

        def drain(j, _):
            pltpu.make_async_copy(ones_v, deg_s.at[didx_v.at[j]], sem).wait()
            return 0

        lax.fori_loop(0, RPW, drain, 0)
        plsc.subcore_barrier()
        pltpu.sync_copy(deg_s.at[pl.ds(s * NPT, NPT)],
                        deg_hbm.at[c].at[pl.ds(s * NPT, NPT)])

    return k(dst3d)


def _sc_aggregate(g, src3d, dst3d):

    @functools.partial(
        pl.kernel,
        out_type=jax.ShapeDtypeStruct((NC, NPAD, HID), jnp.float32),
        mesh=_MESH,
        compiler_params=pltpu.CompilerParams(use_tc_tiling_on_sc=False),
        scratch_types=[
            pltpu.VMEM((RPW, EB), jnp.int32),
            pltpu.VMEM((RPW, EB), jnp.int32),
            pltpu.VMEM((NBUF, EB, HID), jnp.float32),
            pltpu.VMEM((NPT, HID), jnp.float32),
            pltpu.VMEM_SHARED((NPAD, HID), jnp.float32),
            pltpu.SemaphoreType.DMA((NBUF,)),
            pltpu.SemaphoreType.DMA((NBUF,)),
        ],
    )
    def k(g_hbm, src_hbm, dst_hbm, out_hbm, sidx_v, didx_v, rows_v, zbuf_v,
          agg_s, gsem, ssem):
        c = lax.axis_index("c")
        s = lax.axis_index("s")
        w = c * NS + s
        zero = jnp.zeros((L,), jnp.float32)

        def zfill(i, _):
            zbuf_v[i, :] = zero
            return 0

        lax.fori_loop(0, NPT, zfill, 0)
        pltpu.sync_copy(zbuf_v, agg_s.at[pl.ds(s * NPT, NPT)])
        pltpu.sync_copy(src_hbm.at[w], sidx_v)
        pltpu.sync_copy(dst_hbm.at[w], didx_v)
        plsc.subcore_barrier()

        for b in range(NBUF):
            pltpu.async_copy(g_hbm.at[sidx_v.at[b]], rows_v.at[b], gsem.at[b])

        def group(g, _):
            sdescs = []
            for b in range(NBUF):
                j = g * NBUF + b
                pltpu.make_async_copy(g_hbm.at[sidx_v.at[j]], rows_v.at[b],
                                      gsem.at[b]).wait()
                sdescs.append(pltpu.async_copy(
                    rows_v.at[b], agg_s.at[didx_v.at[j]], ssem.at[b], add=True))
            for b in range(NBUF):
                sdescs[b].wait()

                @pl.when(g < NGRP - 1)
                def _(b=b):
                    jn = (g + 1) * NBUF + b
                    pltpu.async_copy(g_hbm.at[sidx_v.at[jn]], rows_v.at[b],
                                     gsem.at[b])

            return 0

        lax.fori_loop(0, NGRP, group, 0)
        plsc.subcore_barrier()
        pltpu.sync_copy(agg_s.at[pl.ds(s * NPT, NPT)],
                        out_hbm.at[c].at[pl.ds(s * NPT, NPT)])

    return k(g, src3d, dst3d)


PK = 128 // HID
NPR = NPAD // PK



def _tc_matmul1(x, W1):

    def body(x_ref, w_ref, h_ref):
        h_ref[pl.ds(0, N), :] = jnp.dot(x_ref[...], w_ref[...],
                                        preferred_element_type=jnp.float32)
        h_ref[pl.ds(N, NPAD - N), :] = jnp.zeros((NPAD - N, HID), jnp.float32)

    return pl.pallas_call(
        body,
        out_shape=jax.ShapeDtypeStruct((NPAD, HID), jnp.float32),
    )(x, W1)


def _pack(h_ref):
    rowf = lax.broadcasted_iota(jnp.int32, (HID, 128), 0)
    colf = lax.broadcasted_iota(jnp.int32, (HID, 128), 1)
    hp = jnp.zeros((NPR, 128), jnp.float32)
    for j in range(PK):
        ej = (colf == rowf + HID * j).astype(jnp.float32)
        hp = hp + jnp.dot(h_ref[pl.ds(j * NPR, NPR), :], ej,
                          preferred_element_type=jnp.float32)
    return hp


def _tc_scale1(h1, deg2p):

    def body(h_ref, deg_ref, g_ref, dinv_ref, sl_ref):
        deg = deg_ref[0] + deg_ref[1] + 1.0
        dinv = lax.rsqrt(deg)
        hp = _pack(h_ref)
        g_ref[...] = dinv * hp
        dinv_ref[...] = dinv
        sl_ref[...] = dinv * dinv * hp

    return pl.pallas_call(
        body,
        out_shape=[
            jax.ShapeDtypeStruct((NPR, 128), jnp.float32),
            jax.ShapeDtypeStruct((NPR, 128), jnp.float32),
            jax.ShapeDtypeStruct((NPR, 128), jnp.float32),
        ],
    )(h1, deg2p)


def _tc_layer2_prep(agg1p, dinvp, sl1p, b1p):

    def body(agg_ref, dinv_ref, sl_ref, b_ref, g_ref, sl2_ref):
        dinv = dinv_ref[...]
        t = dinv * (agg_ref[0] + agg_ref[1]) + sl_ref[...] + b_ref[...]
        z = jnp.maximum(t, 0.0)
        g_ref[...] = dinv * z
        sl2_ref[...] = dinv * dinv * z

    return pl.pallas_call(
        body,
        out_shape=[
            jax.ShapeDtypeStruct((NPR, 128), jnp.float32),
            jax.ShapeDtypeStruct((NPR, 128), jnp.float32),
        ],
    )(agg1p, dinvp, sl1p, b1p)


def _tc_final(agg2p, dinvp, sl2p, W2t, b2):

    def body(agg_ref, dinv_ref, sl_ref, w_ref, b_ref, out_ref):
        up = dinv_ref[...] * (agg_ref[0] + agg_ref[1]) + sl_ref[...]
        blk = lax.broadcasted_iota(jnp.int32, (128, D_OUT), 0) // HID
        w = w_ref[...]
        for j in range(PK):
            mj = jnp.where(blk == j, w, 0.0)
            o = jnp.dot(up, mj, preferred_element_type=jnp.float32) + b_ref[...]
            m = jnp.max(o, axis=1, keepdims=True)
            lse = m + jnp.log(jnp.sum(jnp.exp(o - m), axis=1, keepdims=True))
            rows = min(NPR, N - j * NPR)
            out_ref[pl.ds(j * NPR, rows), :] = (o - lse)[:rows, :]

    return pl.pallas_call(
        body,
        out_shape=jax.ShapeDtypeStruct((N, D_OUT), jnp.float32),
    )(agg2p, dinvp, sl2p, W2t, b2)


def kernel(x, edge_index, W1, b1, W2, b2):
    npadded = NW * RPW * EB - E
    psrc = (edge_index[0] % NPR) * PK + edge_index[0] // NPR
    pdst = (edge_index[1] % NPR) * PK + edge_index[1] // NPR
    src3d = jnp.pad(psrc, (0, npadded),
                    constant_values=NPAD - 1).reshape(NW, RPW, EB)
    dst3d = jnp.pad(pdst, (0, npadded),
                    constant_values=NPAD - 1).reshape(NW, RPW, EB)
    deg2 = _sc_degree(dst3d)
    h1 = _tc_matmul1(x, W1)
    g1p, dinvp, sl1p = _tc_scale1(h1, deg2.reshape(NC, NPR, 128))
    agg1 = _sc_aggregate(g1p.reshape(NPAD, HID), src3d, dst3d)
    b1p = jnp.tile(b1, PK).reshape(1, 128)
    g2p, sl2p = _tc_layer2_prep(agg1.reshape(NC, NPR, 128), dinvp, sl1p, b1p)
    agg2 = _sc_aggregate(g2p.reshape(NPAD, HID), src3d, dst3d)
    W2t = jnp.tile(W2, (PK, 1))
    return _tc_final(agg2.reshape(NC, NPR, 128), dinvp, sl2p, W2t,
                     b2.reshape(1, D_OUT))

# --- scband reference (transcript-rebuilt; emitter-appended) ---
"""Pipeline reference for scband-gcnnet-17995912970440 (READ-ONLY COPY).

The authoritative reference and input builder live on the scoring server;
editing this copy changes nothing except your own understanding.
"""

import jax, jax.numpy as jnp
import numpy as np

N = 10000
E = 320000
D_IN = 128
HID = 16
D_OUT = 64


def setup_inputs(seed: int = 0) -> dict:
    key = jax.random.key(seed)
    k1, k2, k3, k4, k5, k6 = jax.random.split(key, 6)
    x = jax.random.normal(k1, (N, D_IN), dtype=jnp.float32)
    edge_index = jax.random.randint(k2, (2, E), 0, N, dtype=jnp.int32)
    # GCNConv weights (glorot-style scaling)
    W1 = jax.random.normal(k3, (D_IN, HID), dtype=jnp.float32) * (1.0 / np.sqrt(D_IN))
    b1 = jnp.zeros((HID,), dtype=jnp.float32)
    W2 = jax.random.normal(k4, (HID, D_OUT), dtype=jnp.float32) * (1.0 / np.sqrt(HID))
    b2 = jnp.zeros((D_OUT,), dtype=jnp.float32)
    return {"x": x, "edge_index": edge_index, "W1": W1, "b1": b1, "W2": W2, "b2": b2}


def _gcn_conv(x, edge_index, W, b):
    # x' = D^{-1/2} (A + I) D^{-1/2} (x W) + b  (symmetric-normalized GCNConv)
    h = x @ W
    loop = jnp.arange(N, dtype=edge_index.dtype)
    src = jnp.concatenate([edge_index[0], loop])
    dst = jnp.concatenate([edge_index[1], loop])
    ones = jnp.ones(src.shape[0], dtype=x.dtype)
    deg = jax.ops.segment_sum(ones, dst, num_segments=N)
    dinv = jnp.where(deg > 0, deg ** -0.5, 0.0)
    norm = dinv[src] * dinv[dst]
    msg = h[src] * norm[:, None]
    out = jax.ops.segment_sum(msg, dst, num_segments=N)
    return out + b


def reference(x, edge_index, W1, b1, W2, b2):
    h = _gcn_conv(x, edge_index, W1, b1)
    h = jax.nn.relu(h)
    # F.dropout is treated as identity (deterministic eval-mode reference)
    h = _gcn_conv(h, edge_index, W2, b2)
    return jax.nn.log_softmax(h, axis=1)

if __name__ == "__main__":
    import jax
    _d = setup_inputs()
    print(jax.jit(kernel)(*tuple(_d.values())))

</pallas_src>

<mosaic_0001>
#map = affine_map<(d0, d1) -> (0, 0)>
#map1 = affine_map<(d0, d1) -> (0, 0, 0)>
module attributes {stable_mosaic.version = 14 : i64} {
  func.func @k(%arg0: i32, %arg1: i32, %arg2: memref<10240x16xf32, #tpu.memory_space<hbm>>, %arg3: memref<32x80x128xi32, #tpu.memory_space<hbm>>, %arg4: memref<32x80x128xi32, #tpu.memory_space<hbm>>, %arg5: memref<2x10240x16xf32, #tpu.memory_space<hbm>>, %arg6: memref<80x128xi32, #tpu.memory_space<vmem>>, %arg7: memref<80x128xi32, #tpu.memory_space<vmem>>, %arg8: memref<8x128x16xf32, #tpu.memory_space<vmem>>, %arg9: memref<640x16xf32, #tpu.memory_space<vmem>>, %arg10: memref<10240x16xf32, #tpu.memory_space<vmem_shared>>, %arg11: memref<8x!tpu.dma_semaphore, #tpu.memory_space<semaphore_mem>>, %arg12: memref<8x!tpu.dma_semaphore, #tpu.memory_space<semaphore_mem>>) attributes {dimension_semantics = [#tpu.dimension_semantics<core_parallel>, #tpu.dimension_semantics<subcore_parallel>], iteration_bounds = array<i64: 2, 16>, scalar_prefetch = 0 : i64, scratch_operands = 7 : i64, tpu.core_type = #tpu.core_type<sc_vector_subcore>, window_params = [{transform_indices = #map}, {transform_indices = #map1}, {transform_indices = #map1}, {transform_indices = #map1}]} {
    %mul3A = arith.constant 16 : i32
    %mul3A_0 = arith.muli %arg0, %mul3A : i32
    %add3A = arith.addi %mul3A_0, %arg1 : i32
    %broadcast_in_dim3A = arith.constant 0.000000e+00 : f32
    %broadcast_in_dim3A_1 = vector.broadcast %broadcast_in_dim3A : f32 to vector<16xf32>
    %scan3A = arith.constant 0 : i32
    %scan3A_2 = arith.constant 0 : i32
    %scan3A_3 = arith.constant 640 : i32
    %scan3A_4 = arith.addi %scan3A_2, %scan3A_3 : i32
    %scan3A_5 = arith.constant 1 : i32
    %scan3A_6 = scf.for %scan3A_141 = %scan3A_2 to %scan3A_4 step %scan3A_5 iter_args(%scan3A_142 = %scan3A) -> (i32)  : i32 {
      %swap3A = arith.index_cast %scan3A_141 : i32 to index
      %swap3A_143 = arith.constant 0 : index
      %swap3A_144 = tpu.vector_load %arg9[%swap3A, %swap3A_143] {strides = array<i32>} : memref<640x16xf32, #tpu.memory_space<vmem>>, vector<1x16xf32>,
      %swap3A_145 = vector.shape_cast %swap3A_144 : vector<1x16xf32> to vector<16xf32>
      %swap3A_146 = vector.shape_cast %broadcast_in_dim3A_1 : vector<16xf32> to vector<1x16xf32>
      tpu.vector_store %arg9[%swap3A, %swap3A_143], %swap3A_146 {strides = array<i32>} : memref<640x16xf32, #tpu.memory_space<vmem>>, vector<1x16xf32>,
      %scan3A_147 = arith.constant 0 : i32
      scf.yield %scan3A_147 : i32
    }
    %scan3A_7 = arith.constant 640 : i32
    %mul3A_8 = arith.constant 640 : i32
    %mul3A_9 = arith.muli %arg1, %mul3A_8 : i32
    "tpu.region"() ({
      %run_scoped3A = tpu.sem_alloc : memref<!tpu.dma_semaphore, #tpu.memory_space<semaphore_mem>>
      %dma_start3A_141 = arith.constant 0 : i32
      %dma_start3A_142 = tpu.memref_slice %arg10[%mul3A_9, %dma_start3A_141] : memref<10240x16xf32, #tpu.memory_space<vmem_shared>> -> memref<640x16xf32, #tpu.memory_space<vmem_shared>>
      %dma_start3A_143 = arith.constant 0 : i32
      %dma_start3A_144 = tpu.memref_slice %arg10[%mul3A_9, %dma_start3A_143] : memref<10240x16xf32, #tpu.memory_space<vmem_shared>> -> memref<640x16xf32, #tpu.memory_space<vmem_shared>>
      tpu.enqueue_dma source(%arg9 : memref<640x16xf32, #tpu.memory_space<vmem>>) target(%dma_start3A_144 : memref<640x16xf32, #tpu.memory_space<vmem_shared>>) target_semaphore(%run_scoped3A : memref<!tpu.dma_semaphore, #tpu.memory_space<semaphore_mem>>)
      %dma_wait3A = arith.constant 0 : i32
      %dma_wait3A_145 = tpu.memref_slice %arg10[%mul3A_9, %dma_wait3A] : memref<10240x16xf32, #tpu.memory_space<vmem_shared>> -> memref<640x16xf32, #tpu.memory_space<vmem_shared>>
      %dma_wait3A_146 = arith.constant 0 : i32
      %dma_wait3A_147 = tpu.memref_slice %arg10[%mul3A_9, %dma_wait3A_146] : memref<10240x16xf32, #tpu.memory_space<vmem_shared>> -> memref<640x16xf32, #tpu.memory_space<vmem_shared>>
      tpu.wait_dma2 semaphore(%run_scoped3A : memref<!tpu.dma_semaphore, #tpu.memory_space<semaphore_mem>>) src(%arg9 : memref<640x16xf32, #tpu.memory_space<vmem>>) dst(%dma_wait3A_147 : memref<640x16xf32, #tpu.memory_space<vmem_shared>>)
      tpu.yield
    }) : () -> ()
    "tpu.region"() ({
      %run_scoped3A = tpu.sem_alloc : memref<!tpu.dma_semaphore, #tpu.memory_space<semaphore_mem>>
      %dma_start3A_141 = arith.constant 0 : i32
      %dma_start3A_142 = arith.constant 0 : i32
      %dma_start3A_143 = tpu.memref_slice %arg3[%add3A, %dma_start3A_141, %dma_start3A_142] : memref<32x80x128xi32, #tpu.memory_space<hbm>> -> memref<1x80x128xi32, #tpu.memory_space<hbm>>
      %dma_start3A_144 = tpu.memref_squeeze %dma_start3A_143 : memref<1x80x128xi32, #tpu.memory_space<hbm>> -> memref<80x128xi32, #tpu.memory_space<hbm>>
      %dma_start3A_145 = arith.constant 0 : i32
      %dma_start3A_146 = arith.constant 0 : i32
      %dma_start3A_147 = tpu.memref_slice %arg3[%add3A, %dma_start3A_145, %dma_start3A_146] : memref<32x80x128xi32, #tpu.memory_space<hbm>> -> memref<1x80x128xi32, #tpu.memory_space<hbm>>
      %dma_start3A_148 = tpu.memref_squeeze %dma_start3A_147 : memref<1x80x128xi32, #tpu.memory_space<hbm>> -> memref<80x128xi32, #tpu.memory_space<hbm>>
      tpu.enqueue_dma source(%dma_start3A_148 : memref<80x128xi32, #tpu.memory_space<hbm>>) target(%arg6 : memref<80x128xi32, #tpu.memory_space<vmem>>) target_semaphore(%run_scoped3A : memref<!tpu.dma_semaphore, #tpu.memory_space<semaphore_mem>>)
      %dma_wait3A = arith.constant 0 : i32
      %dma_wait3A_149 = arith.constant 0 : i32
      %dma_wait3A_150 = tpu.memref_slice %arg3[%add3A, %dma_wait3A, %dma_wait3A_149] : memref<32x80x128xi32, #tpu.memory_space<hbm>> -> memref<1x80x128xi32, #tpu.memory_space<hbm>>
      %dma_wait3A_151 = tpu.memref_squeeze %dma_wait3A_150 : memref<1x80x128xi32, #tpu.memory_space<hbm>> -> memref<80x128xi32, #tpu.memory_space<hbm>>
      %dma_wait3A_152 = arith.constant 0 : i32
      %dma_wait3A_153 = arith.constant 0 : i32
      %dma_wait3A_154 = tpu.memref_slice %arg3[%add3A, %dma_wait3A_152, %dma_wait3A_153] : memref<32x80x128xi32, #tpu.memory_space<hbm>> -> memref<1x80x128xi32, #tpu.memory_space<hbm>>
      %dma_wait3A_155 = tpu.memref_squeeze %dma_wait3A_154 : memref<1x80x128xi32, #tpu.memory_space<hbm>> -> memref<80x128xi32, #tpu.memory_space<hbm>>
      tpu.wait_dma2 semaphore(%run_scoped3A : memref<!tpu.dma_semaphore, #tpu.memory_space<semaphore_mem>>) src(%dma_wait3A_155 : memref<80x128xi32, #tpu.memory_space<hbm>>) dst(%arg6 : memref<80x128xi32, #tpu.memory_space<vmem>>)
      tpu.yield
    }) : () -> ()
    "tpu.region"() ({
      %run_scoped3A = tpu.sem_alloc : memref<!tpu.dma_semaphore, #tpu.memory_space<semaphore_mem>>
      %dma_start3A_141 = arith.constant 0 : i32
      %dma_start3A_142 = arith.constant 0 : i32
      %dma_start3A_143 = tpu.memref_slice %arg4[%add3A, %dma_start3A_141, %dma_start3A_142] : memref<32x80x128xi32, #tpu.memory_space<hbm>> -> memref<1x80x128xi32, #tpu.memory_space<hbm>>
      %dma_start3A_144 = tpu.memref_squeeze %dma_start3A_143 : memref<1x80x128xi32, #tpu.memory_space<hbm>> -> memref<80x128xi32, #tpu.memory_space<hbm>>
      %dma_start3A_145 = arith.constant 0 : i32
      %dma_start3A_146 = arith.constant 0 : i32
      %dma_start3A_147 = tpu.memref_slice %arg4[%add3A, %dma_start3A_145, %dma_start3A_146] : memref<32x80x128xi32, #tpu.memory_space<hbm>> -> memref<1x80x128xi32, #tpu.memory_space<hbm>>
      %dma_start3A_148 = tpu.memref_squeeze %dma_start3A_147 : memref<1x80x128xi32, #tpu.memory_space<hbm>> -> memref<80x128xi32, #tpu.memory_space<hbm>>
      tpu.enqueue_dma source(%dma_start3A_148 : memref<80x128xi32, #tpu.memory_space<hbm>>) target(%arg7 : memref<80x128xi32, #tpu.memory_space<vmem>>) target_semaphore(%run_scoped3A : memref<!tpu.dma_semaphore, #tpu.memory_space<semaphore_mem>>)
      %dma_wait3A = arith.constant 0 : i32
      %dma_wait3A_149 = arith.constant 0 : i32
      %dma_wait3A_150 = tpu.memref_slice %arg4[%add3A, %dma_wait3A, %dma_wait3A_149] : memref<32x80x128xi32, #tpu.memory_space<hbm>> -> memref<1x80x128xi32, #tpu.memory_space<hbm>>
      %dma_wait3A_151 = tpu.memref_squeeze %dma_wait3A_150 : memref<1x80x128xi32, #tpu.memory_space<hbm>> -> memref<80x128xi32, #tpu.memory_space<hbm>>
      %dma_wait3A_152 = arith.constant 0 : i32
      %dma_wait3A_153 = arith.constant 0 : i32
      %dma_wait3A_154 = tpu.memref_slice %arg4[%add3A, %dma_wait3A_152, %dma_wait3A_153] : memref<32x80x128xi32, #tpu.memory_space<hbm>> -> memref<1x80x128xi32, #tpu.memory_space<hbm>>
      %dma_wait3A_155 = tpu.memref_squeeze %dma_wait3A_154 : memref<1x80x128xi32, #tpu.memory_space<hbm>> -> memref<80x128xi32, #tpu.memory_space<hbm>>
      tpu.wait_dma2 semaphore(%run_scoped3A : memref<!tpu.dma_semaphore, #tpu.memory_space<semaphore_mem>>) src(%dma_wait3A_155 : memref<80x128xi32, #tpu.memory_space<hbm>>) dst(%arg7 : memref<80x128xi32, #tpu.memory_space<vmem>>)
      tpu.yield
    }) : () -> ()
    %barrier3A = arith.constant 0 : index
    tpu.barrier barrier_id(%barrier3A)
    %dma_start3A = arith.constant 0 : i32
    %dma_start3A_10 = arith.constant 0 : i32
    %dma_start3A_11 = arith.constant 0 : i32
    %dma_start3A_12 = arith.constant 0 : i32
    %dma_start3A_13 = arith.constant 0 : i32
    %dma_start3A_14 = tpu.memref_slice %arg8[%dma_start3A_10, %dma_start3A_12, %dma_start3A_13] : memref<8x128x16xf32, #tpu.memory_space<vmem>> -> memref<1x128x16xf32, #tpu.memory_space<vmem>>
    %dma_start3A_15 = tpu.memref_squeeze %dma_start3A_14 : memref<1x128x16xf32, #tpu.memory_space<vmem>> -> memref<128x16xf32, #tpu.memory_space<vmem>>
    %dma_start3A_16 = arith.constant 0 : i32
    %dma_start3A_17 = tpu.memref_slice %arg6[%dma_start3A, %dma_start3A_16] : memref<80x128xi32, #tpu.memory_space<vmem>> -> memref<1x128xi32, #tpu.memory_space<vmem>>
    %dma_start3A_18 = tpu.memref_squeeze %dma_start3A_17 : memref<1x128xi32, #tpu.memory_space<vmem>> -> memref<128xi32, #tpu.memory_space<vmem>>
    %dma_start3A_19 = arith.constant 0 : i32
    %dma_start3A_20 = arith.constant 0 : i32
    %dma_start3A_21 = tpu.memref_slice %arg2[%dma_start3A_19, %dma_start3A_20] : memref<10240x16xf32, #tpu.memory_space<hbm>> -> memref<10240x16xf32, #tpu.memory_space<hbm>>
    %dma_start3A_22 = tpu.memref_slice %arg11[%dma_start3A_11] : memref<8x!tpu.dma_semaphore, #tpu.memory_space<semaphore_mem>> -> memref<1x!tpu.dma_semaphore, #tpu.memory_space<semaphore_mem>>
    %dma_start3A_23 = tpu.memref_squeeze %dma_start3A_22 : memref<1x!tpu.dma_semaphore, #tpu.memory_space<semaphore_mem>> -> memref<!tpu.dma_semaphore, #tpu.memory_space<semaphore_mem>>
    tpu.enqueue_indirect_dma source(%dma_start3A_21 : memref<10240x16xf32, #tpu.memory_space<hbm>>) target(%dma_start3A_15 : memref<128x16xf32, #tpu.memory_space<vmem>>) offsets(%dma_start3A_18 : memref<128xi32, #tpu.memory_space<vmem>>) semaphore(%dma_start3A_23 : memref<!tpu.dma_semaphore, #tpu.memory_space<semaphore_mem>>)
    %dma_start3A_24 = arith.constant 1 : i32
    %dma_start3A_25 = arith.constant 1 : i32
    %dma_start3A_26 = arith.constant 1 : i32
    %dma_start3A_27 = arith.constant 0 : i32
    %dma_start3A_28 = arith.constant 0 : i32
    %dma_start3A_29 = tpu.memref_slice %arg8[%dma_start3A_25, %dma_start3A_27, %dma_start3A_28] : memref<8x128x16xf32, #tpu.memory_space<vmem>> -> memref<1x128x16xf32, #tpu.memory_space<vmem>>
    %dma_start3A_30 = tpu.memref_squeeze %dma_start3A_29 : memref<1x128x16xf32, #tpu.memory_space<vmem>> -> memref<128x16xf32, #tpu.memory_space<vmem>>
    %dma_start3A_31 = arith.constant 0 : i32
    %dma_start3A_32 = tpu.memref_slice %arg6[%dma_start3A_24, %dma_start3A_31] : memref<80x128xi32, #tpu.memory_space<vmem>> -> memref<1x128xi32, #tpu.memory_space<vmem>>
    %dma_start3A_33 = tpu.memref_squeeze %dma_start3A_32 : memref<1x128xi32, #tpu.memory_space<vmem>> -> memref<128xi32, #tpu.memory_space<vmem>>
    %dma_start3A_34 = arith.constant 0 : i32
    %dma_start3A_35 = arith.constant 0 : i32
    %dma_start3A_36 = tpu.memref_slice %arg2[%dma_start3A_34, %dma_start3A_35] : memref<10240x16xf32, #tpu.memory_space<hbm>> -> memref<10240x16xf32, #tpu.memory_space<hbm>>
    %dma_start3A_37 = tpu.memref_slice %arg11[%dma_start3A_26] : memref<8x!tpu.dma_semaphore, #tpu.memory_space<semaphore_mem>> -> memref<1x!tpu.dma_semaphore, #tpu.memory_space<semaphore_mem>>
    %dma_start3A_38 = tpu.memref_squeeze %dma_start3A_37 : memref<1x!tpu.dma_semaphore, #tpu.memory_space<semaphore_mem>> -> memref<!tpu.dma_semaphore, #tpu.memory_space<semaphore_mem>>
    tpu.enqueue_indirect_dma source(%dma_start3A_36 : memref<10240x16xf32, #tpu.memory_space<hbm>>) target(%dma_start3A_30 : memref<128x16xf32, #tpu.memory_space<vmem>>) offsets(%dma_start3A_33 : memref<128xi32, #tpu.memory_space<vmem>>) semaphore(%dma_start3A_38 : memref<!tpu.dma_semaphore, #tpu.memory_space<semaphore_mem>>)
    %dma_start3A_39 = arith.constant 2 : i32
    %dma_start3A_40 = arith.constant 2 : i32
    %dma_start3A_41 = arith.constant 2 : i32
    %dma_start3A_42 = arith.constant 0 : i32
    %dma_start3A_43 = arith.constant 0 : i32
    %dma_start3A_44 = tpu.memref_slice %arg8[%dma_start3A_40, %dma_start3A_42, %dma_start3A_43] : memref<8x128x16xf32, #tpu.memory_space<vmem>> -> memref<1x128x16xf32, #tpu.memory_space<vmem>>
    %dma_start3A_45 = tpu.memref_squeeze %dma_start3A_44 : memref<1x128x16xf32, #tpu.memory_space<vmem>> -> memref<128x16xf32, #tpu.memory_space<vmem>>
    %dma_start3A_46 = arith.constant 0 : i32
    %dma_start3A_47 = tpu.memref_slice %arg6[%dma_start3A_39, %dma_start3A_46] : memref<80x128xi32, #tpu.memory_space<vmem>> -> memref<1x128xi32, #tpu.memory_space<vmem>>
    %dma_start3A_48 = tpu.memref_squeeze %dma_start3A_47 : memref<1x128xi32, #tpu.memory_space<vmem>> -> memref<128xi32, #tpu.memory_space<vmem>>
    %dma_start3A_49 = arith.constant 0 : i32
    %dma_start3A_50 = arith.constant 0 : i32
    %dma_start3A_51 = tpu.memref_slice %arg2[%dma_start3A_49, %dma_start3A_50] : memref<10240x16xf32, #tpu.memory_space<hbm>> -> memref<10240x16xf32, #tpu.memory_space<hbm>>
    %dma_start3A_52 = tpu.memref_slice %arg11[%dma_start3A_41] : memref<8x!tpu.dma_semaphore, #tpu.memory_space<semaphore_mem>> -> memref<1x!tpu.dma_semaphore, #tpu.memory_space<semaphore_mem>>
    %dma_start3A_53 = tpu.memref_squeeze %dma_start3A_52 : memref<1x!tpu.dma_semaphore, #tpu.memory_space<semaphore_mem>> -> memref<!tpu.dma_semaphore, #tpu.memory_space<semaphore_mem>>
    tpu.enqueue_indirect_dma source(%dma_start3A_51 : memref<10240x16xf32, #tpu.memory_space<hbm>>) target(%dma_start3A_45 : memref<128x16xf32, #tpu.memory_space<vmem>>) offsets(%dma_start3A_48 : memref<128xi32, #tpu.memory_space<vmem>>) semaphore(%dma_start3A_53 : memref<!tpu.dma_semaphore, #tpu.memory_space<semaphore_mem>>)
    %dma_start3A_54 = arith.constant 3 : i32
    %dma_start3A_55 = arith.constant 3 : i32
    %dma_start3A_56 = arith.constant 3 : i32
    %dma_start3A_57 = arith.constant 0 : i32
    %dma_start3A_58 = arith.constant 0 : i32
    %dma_start3A_59 = tpu.memref_slice %arg8[%dma_start3A_55, %dma_start3A_57, %dma_start3A_58] : memref<8x128x16xf32, #tpu.memory_space<vmem>> -> memref<1x128x16xf32, #tpu.memory_space<vmem>>
    %dma_start3A_60 = tpu.memref_squeeze %dma_start3A_59 : memref<1x128x16xf32, #tpu.memory_space<vmem>> -> memref<128x16xf32, #tpu.memory_space<vmem>>
    %dma_start3A_61 = arith.constant 0 : i32
    %dma_start3A_62 = tpu.memref_slice %arg6[%dma_start3A_54, %dma_start3A_61] : memref<80x128xi32, #tpu.memory_space<vmem>> -> memref<1x128xi32, #tpu.memory_space<vmem>>
    %dma_start3A_63 = tpu.memref_squeeze %dma_start3A_62 : memref<1x128xi32, #tpu.memory_space<vmem>> -> memref<128xi32, #tpu.memory_space<vmem>>
    %dma_start3A_64 = arith.constant 0 : i32
    %dma_start3A_65 = arith.constant 0 : i32
    %dma_start3A_66 = tpu.memref_slice %arg2[%dma_start3A_64, %dma_start3A_65] : memref<10240x16xf32, #tpu.memory_space<hbm>> -> memref<10240x16xf32, #tpu.memory_space<hbm>>
    %dma_start3A_67 = tpu.memref_slice %arg11[%dma_start3A_56] : memref<8x!tpu.dma_semaphore, #tpu.memory_space<semaphore_mem>> -> memref<1x!tpu.dma_semaphore, #tpu.memory_space<semaphore_mem>>
    %dma_start3A_68 = tpu.memref_squeeze %dma_start3A_67 : memref<1x!tpu.dma_semaphore, #tpu.memory_space<semaphore_mem>> -> memref<!tpu.dma_semaphore, #tpu.memory_space<semaphore_mem>>
    tpu.enqueue_indirect_dma source(%dma_start3A_66 : memref<10240x16xf32, #tpu.memory_space<hbm>>) target(%dma_start3A_60 : memref<128x16xf32, #tpu.memory_space<vmem>>) offsets(%dma_start3A_63 : memref<128xi32, #tpu.memory_space<vmem>>) semaphore(%dma_start3A_68 : memref<!tpu.dma_semaphore, #tpu.memory_space<semaphore_mem>>)
    %dma_start3A_69 = arith.constant 4 : i32
    %dma_start3A_70 = arith.constant 4 : i32
    %dma_start3A_71 = arith.constant 4 : i32
    %dma_start3A_72 = arith.constant 0 : i32
    %dma_start3A_73 = arith.constant 0 : i32
    %dma_start3A_74 = tpu.memref_slice %arg8[%dma_start3A_70, %dma_start3A_72, %dma_start3A_73] : memref<8x128x16xf32, #tpu.memory_space<vmem>> -> memref<1x128x16xf32, #tpu.memory_space<vmem>>
    %dma_start3A_75 = tpu.memref_squeeze %dma_start3A_74 : memref<1x128x16xf32, #tpu.memory_space<vmem>> -> memref<128x16xf32, #tpu.memory_space<vmem>>
    %dma_start3A_76 = arith.constant 0 : i32
    %dma_start3A_77 = tpu.memref_slice %arg6[%dma_start3A_69, %dma_start3A_76] : memref<80x128xi32, #tpu.memory_space<vmem>> -> memref<1x128xi32, #tpu.memory_space<vmem>>
    %dma_start3A_78 = tpu.memref_squeeze %dma_start3A_77 : memref<1x128xi32, #tpu.memory_space<vmem>> -> memref<128xi32, #tpu.memory_space<vmem>>
    %dma_start3A_79 = arith.constant 0 : i32
    %dma_start3A_80 = arith.constant 0 : i32
    %dma_start3A_81 = tpu.memref_slice %arg2[%dma_start3A_79, %dma_start3A_80] : memref<10240x16xf32, #tpu.memory_space<hbm>> -> memref<10240x16xf32, #tpu.memory_space<hbm>>
    %dma_start3A_82 = tpu.memref_slice %arg11[%dma_start3A_71] : memref<8x!tpu.dma_semaphore, #tpu.memory_space<semaphore_mem>> -> memref<1x!tpu.dma_semaphore, #tpu.memory_space<semaphore_mem>>
    %dma_start3A_83 = tpu.memref_squeeze %dma_start3A_82 : memref<1x!tpu.dma_semaphore, #tpu.memory_space<semaphore_mem>> -> memref<!tpu.dma_semaphore, #tpu.memory_space<semaphore_mem>>
    tpu.enqueue_indirect_dma source(%dma_start3A_81 : memref<10240x16xf32, #tpu.memory_space<hbm>>) target(%dma_start3A_75 : memref<128x16xf32, #tpu.memory_space<vmem>>) offsets(%dma_start3A_78 : memref<128xi32, #tpu.memory_space<vmem>>) semaphore(%dma_start3A_83 : memref<!tpu.dma_semaphore, #tpu.memory_space<semaphore_mem>>)
    %dma_start3A_84 = arith.constant 5 : i32
    %dma_start3A_85 = arith.constant 5 : i32
    %dma_start3A_86 = arith.constant 5 : i32
    %dma_start3A_87 = arith.constant 0 : i32
    %dma_start3A_88 = arith.constant 0 : i32
    %dma_start3A_89 = tpu.memref_slice %arg8[%dma_start3A_85, %dma_start3A_87, %dma_start3A_88] : memref<8x128x16xf32, #tpu.memory_space<vmem>> -> memref<1x128x16xf32, #tpu.memory_space<vmem>>
    %dma_start3A_90 = tpu.memref_squeeze %dma_start3A_89 : memref<1x128x16xf32, #tpu.memory_space<vmem>> -> memref<128x16xf32, #tpu.memory_space<vmem>>
    %dma_start3A_91 = arith.constant 0 : i32
    %dma_start3A_92 = tpu.memref_slice %arg6[%dma_start3A_84, %dma_start3A_91] : memref<80x128xi32, #tpu.memory_space<vmem>> -> memref<1x128xi32, #tpu.memory_space<vmem>>
    %dma_start3A_93 = tpu.memref_squeeze %dma_start3A_92 : memref<1x128xi32, #tpu.memory_space<vmem>> -> memref<128xi32, #tpu.memory_space<vmem>>
    %dma_start3A_94 = arith.constant 0 : i32
    %dma_start3A_95 = arith.constant 0 : i32
    %dma_start3A_96 = tpu.memref_slice %arg2[%dma_start3A_94, %dma_start3A_95] : memref<10240x16xf32, #tpu.memory_space<hbm>> -> memref<10240x16xf32, #tpu.memory_space<hbm>>
    %dma_start3A_97 = tpu.memref_slice %arg11[%dma_start3A_86] : memref<8x!tpu.dma_semaphore, #tpu.memory_space<semaphore_mem>> -> memref<1x!tpu.dma_semaphore, #tpu.memory_space<semaphore_mem>>
    %dma_start3A_98 = tpu.memref_squeeze %dma_start3A_97 : memref<1x!tpu.dma_semaphore, #tpu.memory_space<semaphore_mem>> -> memref<!tpu.dma_semaphore, #tpu.memory_space<semaphore_mem>>
    tpu.enqueue_indirect_dma source(%dma_start3A_96 : memref<10240x16xf32, #tpu.memory_space<hbm>>) target(%dma_start3A_90 : memref<128x16xf32, #tpu.memory_space<vmem>>) offsets(%dma_start3A_93 : memref<128xi32, #tpu.memory_space<vmem>>) semaphore(%dma_start3A_98 : memref<!tpu.dma_semaphore, #tpu.memory_space<semaphore_mem>>)
    %dma_start3A_99 = arith.constant 6 : i32
    %dma_start3A_100 = arith.constant 6 : i32
    %dma_start3A_101 = arith.constant 6 : i32
    %dma_start3A_102 = arith.constant 0 : i32
    %dma_start3A_103 = arith.constant 0 : i32
    %dma_start3A_104 = tpu.memref_slice %arg8[%dma_start3A_100, %dma_start3A_102, %dma_start3A_103] : memref<8x128x16xf32, #tpu.memory_space<vmem>> -> memref<1x128x16xf32, #tpu.memory_space<vmem>>
    %dma_start3A_105 = tpu.memref_squeeze %dma_start3A_104 : memref<1x128x16xf32, #tpu.memory_space<vmem>> -> memref<128x16xf32, #tpu.memory_space<vmem>>
    %dma_start3A_106 = arith.constant 0 : i32
    %dma_start3A_107 = tpu.memref_slice %arg6[%dma_start3A_99, %dma_start3A_106] : memref<80x128xi32, #tpu.memory_space<vmem>> -> memref<1x128xi32, #tpu.memory_space<vmem>>
    %dma_start3A_108 = tpu.memref_squeeze %dma_start3A_107 : memref<1x128xi32, #tpu.memory_space<vmem>> -> memref<128xi32, #tpu.memory_space<vmem>>
    %dma_start3A_109 = arith.constant 0 : i32
    %dma_start3A_110 = arith.constant 0 : i32
    %dma_start3A_111 = tpu.memref_slice %arg2[%dma_start3A_109, %dma_start3A_110] : memref<10240x16xf32, #tpu.memory_space<hbm>> -> memref<10240x16xf32, #tpu.memory_space<hbm>>
    %dma_start3A_112 = tpu.memref_slice %arg11[%dma_start3A_101] : memref<8x!tpu.dma_semaphore, #tpu.memory_space<semaphore_mem>> -> memref<1x!tpu.dma_semaphore, #tpu.memory_space<semaphore_mem>>
    %dma_start3A_113 = tpu.memref_squeeze %dma_start3A_112 : memref<1x!tpu.dma_semaphore, #tpu.memory_space<semaphore_mem>> -> memref<!tpu.dma_semaphore, #tpu.memory_space<semaphore_mem>>
    tpu.enqueue_indirect_dma source(%dma_start3A_111 : memref<10240x16xf32, #tpu.memory_space<hbm>>) target(%dma_start3A_105 : memref<128x16xf32, #tpu.memory_space<vmem>>) offsets(%dma_start3A_108 : memref<128xi32, #tpu.memory_space<vmem>>) semaphore(%dma_start3A_113 : memref<!tpu.dma_semaphore, #tpu.memory_space<semaphore_mem>>)
    %dma_start3A_114 = arith.constant 7 : i32
    %dma_start3A_115 = arith.constant 7 : i32
    %dma_start3A_116 = arith.constant 7 : i32
    %dma_start3A_117 = arith.constant 0 : i32
    %dma_start3A_118 = arith.constant 0 : i32
    %dma_start3A_119 = tpu.memref_slice %arg8[%dma_start3A_115, %dma_start3A_117, %dma_start3A_118] : memref<8x128x16xf32, #tpu.memory_space<vmem>> -> memref<1x128x16xf32, #tpu.memory_space<vmem>>
    %dma_start3A_120 = tpu.memref_squeeze %dma_start3A_119 : memref<1x128x16xf32, #tpu.memory_space<vmem>> -> memref<128x16xf32, #tpu.memory_space<vmem>>
    %dma_start3A_121 = arith.constant 0 : i32
    %dma_start3A_122 = tpu.memref_slice %arg6[%dma_start3A_114, %dma_start3A_121] : memref<80x128xi32, #tpu.memory_space<vmem>> -> memref<1x128xi32, #tpu.memory_space<vmem>>
    %dma_start3A_123 = tpu.memref_squeeze %dma_start3A_122 : memref<1x128xi32, #tpu.memory_space<vmem>> -> memref<128xi32, #tpu.memory_space<vmem>>
    %dma_start3A_124 = arith.constant 0 : i32
    %dma_start3A_125 = arith.constant 0 : i32
    %dma_start3A_126 = tpu.memref_slice %arg2[%dma_start3A_124, %dma_start3A_125] : memref<10240x16xf32, #tpu.memory_space<hbm>> -> memref<10240x16xf32, #tpu.memory_space<hbm>>
    %dma_start3A_127 = tpu.memref_slice %arg11[%dma_start3A_116] : memref<8x!tpu.dma_semaphore, #tpu.memory_space<semaphore_mem>> -> memref<1x!tpu.dma_semaphore, #tpu.memory_space<semaphore_mem>>
    %dma_start3A_128 = tpu.memref_squeeze %dma_start3A_127 : memref<1x!tpu.dma_semaphore, #tpu.memory_space<semaphore_mem>> -> memref<!tpu.dma_semaphore, #tpu.memory_space<semaphore_mem>>
    tpu.enqueue_indirect_dma source(%dma_start3A_126 : memref<10240x16xf32, #tpu.memory_space<hbm>>) target(%dma_start3A_120 : memref<128x16xf32, #tpu.memory_space<vmem>>) offsets(%dma_start3A_123 : memref<128xi32, #tpu.memory_space<vmem>>) semaphore(%dma_start3A_128 : memref<!tpu.dma_semaphore, #tpu.memory_space<semaphore_mem>>)
    %scan3A_129 = arith.constant 0 : i32
    %scan3A_130 = arith.constant 0 : i32
    %scan3A_131 = arith.constant 10 : i32
    %scan3A_132 = arith.addi %scan3A_130, %scan3A_131 : i32
    %scan3A_133 = arith.constant 1 : i32
    %scan3A_134 = scf.for %scan3A_141 = %scan3A_130 to %scan3A_132 step %scan3A_133 iter_args(%scan3A_142 = %scan3A_129) -> (i32)  : i32 {
      %mul3A_143 = arith.constant 8 : i32
      %mul3A_144 = arith.muli %scan3A_141, %mul3A_143 : i32
      %add3A_145 = arith.constant 0 : i32
      %add3A_146 = arith.addi %mul3A_144, %add3A_145 : i32
      %dma_wait3A = arith.constant 0 : i32
      %dma_wait3A_147 = arith.constant 0 : i32
      %dma_wait3A_148 = arith.constant 0 : i32
      %dma_wait3A_149 = arith.constant 0 : i32
      %dma_wait3A_150 = tpu.memref_slice %arg8[%dma_wait3A, %dma_wait3A_148, %dma_wait3A_149] : memref<8x128x16xf32, #tpu.memory_space<vmem>> -> memref<1x128x16xf32, #tpu.memory_space<vmem>>
      %dma_wait3A_151 = tpu.memref_squeeze %dma_wait3A_150 : memref<1x128x16xf32, #tpu.memory_space<vmem>> -> memref<128x16xf32, #tpu.memory_space<vmem>>
      %dma_wait3A_152 = arith.constant 0 : i32
      %dma_wait3A_153 = tpu.memref_slice %arg6[%add3A_146, %dma_wait3A_152] : memref<80x128xi32, #tpu.memory_space<vmem>> -> memref<1x128xi32, #tpu.memory_space<vmem>>
      %dma_wait3A_154 = tpu.memref_squeeze %dma_wait3A_153 : memref<1x128xi32, #tpu.memory_space<vmem>> -> memref<128xi32, #tpu.memory_space<vmem>>
      %dma_wait3A_155 = arith.constant 0 : i32
      %dma_wait3A_156 = arith.constant 0 : i32
      %dma_wait3A_157 = tpu.memref_slice %arg2[%dma_wait3A_155, %dma_wait3A_156] : memref<10240x16xf32, #tpu.memory_space<hbm>> -> memref<10240x16xf32, #tpu.memory_space<hbm>>
      %dma_wait3A_158 = tpu.memref_slice %arg11[%dma_wait3A_147] : memref<8x!tpu.dma_semaphore, #tpu.memory_space<semaphore_mem>> -> memref<1x!tpu.dma_semaphore, #tpu.memory_space<semaphore_mem>>
      %dma_wait3A_159 = tpu.memref_squeeze %dma_wait3A_158 : memref<1x!tpu.dma_semaphore, #tpu.memory_space<semaphore_mem>> -> memref<!tpu.dma_semaphore, #tpu.memory_space<semaphore_mem>>
      tpu.wait_indirect_dma semaphore(%dma_wait3A_159 : memref<!tpu.dma_semaphore, #tpu.memory_space<semaphore_mem>>) src(%dma_wait3A_157 : memref<10240x16xf32, #tpu.memory_space<hbm>>) dst(%dma_wait3A_151 : memref<128x16xf32, #tpu.memory_space<vmem>>)
      %dma_start3A_160 = arith.constant 0 : i32
      %dma_start3A_161 = arith.constant 0 : i32
      %dma_start3A_162 = arith.constant 0 : i32
      %dma_start3A_163 = arith.constant 0 : i32
      %dma_start3A_164 = tpu.memref_slice %arg8[%dma_start3A_160, %dma_start3A_162, %dma_start3A_163] : memref<8x128x16xf32, #tpu.memory_space<vmem>> -> memref<1x128x16xf32, #tpu.memory_space<vmem>>
      %dma_start3A_165 = tpu.memref_squeeze %dma_start3A_164 : memref<1x128x16xf32, #tpu.memory_space<vmem>> -> memref<128x16xf32, #tpu.memory_space<vmem>>
      %dma_start3A_166 = arith.constant 0 : i32
      %dma_start3A_167 = tpu.memref_slice %arg7[%add3A_146, %dma_start3A_166] : memref<80x128xi32, #tpu.memory_space<vmem>> -> memref<1x128xi32, #tpu.memory_space<vmem>>
      %dma_start3A_168 = tpu.memref_squeeze %dma_start3A_167 : memref<1x128xi32, #tpu.memory_space<vmem>> -> memref<128xi32, #tpu.memory_space<vmem>>
      %dma_start3A_169 = arith.constant 0 : i32
      %dma_start3A_170 = arith.constant 0 : i32
      %dma_start3A_171 = tpu.memref_slice %arg10[%dma_start3A_169, %dma_start3A_170] : memref<10240x16xf32, #tpu.memory_space<vmem_shared>> -> memref<10240x16xf32, #tpu.memory_space<vmem_shared>>
      %dma_start3A_172 = tpu.memref_slice %arg12[%dma_start3A_161] : memref<8x!tpu.dma_semaphore, #tpu.memory_space<semaphore_mem>> -> memref<1x!tpu.dma_semaphore, #tpu.memory_space<semaphore_mem>>
      %dma_start3A_173 = tpu.memref_squeeze %dma_start3A_172 : memref<1x!tpu.dma_semaphore, #tpu.memory_space<semaphore_mem>> -> memref<!tpu.dma_semaphore, #tpu.memory_space<semaphore_mem>>
      tpu.enqueue_indirect_dma source(%dma_start3A_165 : memref<128x16xf32, #tpu.memory_space<vmem>>) target(%dma_start3A_171 : memref<10240x16xf32, #tpu.memory_space<vmem_shared>>) offsets(%dma_start3A_168 : memref<128xi32, #tpu.memory_space<vmem>>) semaphore(%dma_start3A_173 : memref<!tpu.dma_semaphore, #tpu.memory_space<semaphore_mem>>) {add = true}
      %mul3A_174 = arith.constant 8 : i32
      %mul3A_175 = arith.muli %scan3A_141, %mul3A_174 : i32
      %add3A_176 = arith.constant 1 : i32
      %add3A_177 = arith.addi %mul3A_175, %add3A_176 : i32
      %dma_wait3A_178 = arith.constant 1 : i32
      %dma_wait3A_179 = arith.constant 1 : i32
      %dma_wait3A_180 = arith.constant 0 : i32
      %dma_wait3A_181 = arith.constant 0 : i32
      %dma_wait3A_182 = tpu.memref_slice %arg8[%dma_wait3A_178, %dma_wait3A_180, %dma_wait3A_181] : memref<8x128x16xf32, #tpu.memory_space<vmem>> -> memref<1x128x16xf32, #tpu.memory_space<vmem>>
      %dma_wait3A_183 = tpu.memref_squeeze %dma_wait3A_182 : memref<1x128x16xf32, #tpu.memory_space<vmem>> -> memref<128x16xf32, #tpu.memory_space<vmem>>
      %dma_wait3A_184 = arith.constant 0 : i32
      %dma_wait3A_185 = tpu.memref_slice %arg6[%add3A_177, %dma_wait3A_184] : memref<80x128xi32, #tpu.memory_space<vmem>> -> memref<1x128xi32, #tpu.memory_space<vmem>>
      %dma_wait3A_186 = tpu.memref_squeeze %dma_wait3A_185 : memref<1x128xi32, #tpu.memory_space<vmem>> -> memref<128xi32, #tpu.memory_space<vmem>>
      %dma_wait3A_187 = arith.constant 0 : i32
      %dma_wait3A_188 = arith.constant 0 : i32
      %dma_wait3A_189 = tpu.memref_slice %arg2[%dma_wait3A_187, %dma_wait3A_188] : memref<10240x16xf32, #tpu.memory_space<hbm>> -> memref<10240x16xf32, #tpu.memory_space<hbm>>
      %dma_wait3A_190 = tpu.memref_slice %arg11[%dma_wait3A_179] : memref<8x!tpu.dma_semaphore, #tpu.memory_space<semaphore_mem>> -> memref<1x!tpu.dma_semaphore, #tpu.memory_space<semaphore_mem>>
      %dma_wait3A_191 = tpu.memref_squeeze %dma_wait3A_190 : memref<1x!tpu.dma_semaphore, #tpu.memory_space<semaphore_mem>> -> memref<!tpu.dma_semaphore, #tpu.memory_space<semaphore_mem>>
      tpu.wait_indirect_dma semaphore(%dma_wait3A_191 : memref<!tpu.dma_semaphore, #tpu.memory_space<semaphore_mem>>) src(%dma_wait3A_189 : memref<10240x16xf32, #tpu.memory_space<hbm>>) dst(%dma_wait3A_183 : memref<128x16xf32, #tpu.memory_space<vmem>>)
      %dma_start3A_192 = arith.constant 1 : i32
      %dma_start3A_193 = arith.constant 1 : i32
      %dma_start3A_194 = arith.constant 0 : i32
      %dma_start3A_195 = arith.constant 0 : i32
      %dma_start3A_196 = tpu.memref_slice %arg8[%dma_start3A_192, %dma_start3A_194, %dma_start3A_195] : memref<8x128x16xf32, #tpu.memory_space<vmem>> -> memref<1x128x16xf32, #tpu.memory_space<vmem>>
      %dma_start3A_197 = tpu.memref_squeeze %dma_start3A_196 : memref<1x128x16xf32, #tpu.memory_space<vmem>> -> memref<128x16xf32, #tpu.memory_space<vmem>>
      %dma_start3A_198 = arith.constant 0 : i32
      %dma_start3A_199 = tpu.memref_slice %arg7[%add3A_177, %dma_start3A_198] : memref<80x128xi32, #tpu.memory_space<vmem>> -> memref<1x128xi32, #tpu.memory_space<vmem>>
      %dma_start3A_200 = tpu.memref_squeeze %dma_start3A_199 : memref<1x128xi32, #tpu.memory_space<vmem>> -> memref<128xi32, #tpu.memory_space<vmem>>
      %dma_start3A_201 = arith.constant 0 : i32
      %dma_start3A_202 = arith.constant 0 : i32
      %dma_start3A_203 = tpu.memref_slice %arg10[%dma_start3A_201, %dma_start3A_202] : memref<10240x16xf32, #tpu.memory_space<vmem_shared>> -> memref<10240x16xf32, #tpu.memory_space<vmem_shared>>
      %dma_start3A_204 = tpu.memref_slice %arg12[%dma_start3A_193] : memref<8x!tpu.dma_semaphore, #tpu.memory_space<semaphore_mem>> -> memref<1x!tpu.dma_semaphore, #tpu.memory_space<semaphore_mem>>
      %dma_start3A_205 = tpu.memref_squeeze %dma_start3A_204 : memref<1x!tpu.dma_semaphore, #tpu.memory_space<semaphore_mem>> -> memref<!tpu.dma_semaphore, #tpu.memory_space<semaphore_mem>>
      tpu.enqueue_indirect_dma source(%dma_start3A_197 : memref<128x16xf32, #tpu.memory_space<vmem>>) target(%dma_start3A_203 : memref<10240x16xf32, #tpu.memory_space<vmem_shared>>) offsets(%dma_start3A_200 : memref<128xi32, #tpu.memory_space<vmem>>) semaphore(%dma_start3A_205 : memref<!tpu.dma_semaphore, #tpu.memory_space<semaphore_mem>>) {add = true}
      %mul3A_206 = arith.constant 8 : i32
      %mul3A_207 = arith.muli %scan3A_141, %mul3A_206 : i32
      %add3A_208 = arith.constant 2 : i32
      %add3A_209 = arith.addi %mul3A_207, %add3A_208 : i32
      %dma_wait3A_210 = arith.constant 2 : i32
      %dma_wait3A_211 = arith.constant 2 : i32
      %dma_wait3A_212 = arith.constant 0 : i32
      %dma_wait3A_213 = arith.constant 0 : i32
      %dma_wait3A_214 = tpu.memref_slice %arg8[%dma_wait3A_210, %dma_wait3A_212, %dma_wait3A_213] : memref<8x128x16xf32, #tpu.memory_space<vmem>> -> memref<1x128x16xf32, #tpu.memory_space<vmem>>
      %dma_wait3A_215 = tpu.memref_squeeze %dma_wait3A_214 : memref<1x128x16xf32, #tpu.memory_space<vmem>> -> memref<128x16xf32, #tpu.memory_space<vmem>>
      %dma_wait3A_216 = arith.constant 0 : i32
      %dma_wait3A_217 = tpu.memref_slice %arg6[%add3A_209, %dma_wait3A_216] : memref<80x128xi32, #tpu.memory_space<vmem>> -> memref<1x128xi32, #tpu.memory_space<vmem>>
      %dma_wait3A_218 = tpu.memref_squeeze %dma_wait3A_217 : memref<1x128xi32, #tpu.memory_space<vmem>> -> memref<128xi32, #tpu.memory_space<vmem>>
      %dma_wait3A_219 = arith.constant 0 : i32
      %dma_wait3A_220 = arith.constant 0 : i32
      %dma_wait3A_221 = tpu.memref_slice %arg2[%dma_wait3A_219, %dma_wait3A_220] : memref<10240x16xf32, #tpu.memory_space<hbm>> -> memref<10240x16xf32, #tpu.memory_space<hbm>>
      %dma_wait3A_222 = tpu.memref_slice %arg11[%dma_wait3A_211] : memref<8x!tpu.dma_semaphore, #tpu.memory_space<semaphore_mem>> -> memref<1x!tpu.dma_semaphore, #tpu.memory_space<semaphore_mem>>
      %dma_wait3A_223 = tpu.memref_squeeze %dma_wait3A_222 : memref<1x!tpu.dma_semaphore, #tpu.memory_space<semaphore_mem>> -> memref<!tpu.dma_semaphore, #tpu.memory_space<semaphore_mem>>
      tpu.wait_indirect_dma semaphore(%dma_wait3A_223 : memref<!tpu.dma_semaphore, #tpu.memory_space<semaphore_mem>>) src(%dma_wait3A_221 : memref<10240x16xf32, #tpu.memory_space<hbm>>) dst(%dma_wait3A_215 : memref<128x16xf32, #tpu.memory_space<vmem>>)
      %dma_start3A_224 = arith.constant 2 : i32
      %dma_start3A_225 = arith.constant 2 : i32
      %dma_start3A_226 = arith.constant 0 : i32
      %dma_start3A_227 = arith.constant 0 : i32
      %dma_start3A_228 = tpu.memref_slice %arg8[%dma_start3A_224, %dma_start3A_226, %dma_start3A_227] : memref<8x128x16xf32, #tpu.memory_space<vmem>> -> memref<1x128x16xf32, #tpu.memory_space<vmem>>
      %dma_start3A_229 = tpu.memref_squeeze %dma_start3A_228 : memref<1x128x16xf32, #tpu.memory_space<vmem>> -> memref<128x16xf32, #tpu.memory_space<vmem>>
      %dma_start3A_230 = arith.constant 0 : i32
      %dma_start3A_231 = tpu.memref_slice %arg7[%add3A_209, %dma_start3A_230] : memref<80x128xi32, #tpu.memory_space<vmem>> -> memref<1x128xi32, #tpu.memory_space<vmem>>
      %dma_start3A_232 = tpu.memref_squeeze %dma_start3A_231 : memref<1x128xi32, #tpu.memory_space<vmem>> -> memref<128xi32, #tpu.memory_space<vmem>>
      %dma_start3A_233 = arith.constant 0 : i32
      %dma_start3A_234 = arith.constant 0 : i32
      %dma_start3A_235 = tpu.memref_slice %arg10[%dma_start3A_233, %dma_start3A_234] : memref<10240x16xf32, #tpu.memory_space<vmem_shared>> -> memref<10240x16xf32, #tpu.memory_space<vmem_shared>>
      %dma_start3A_236 = tpu.memref_slice %arg12[%dma_start3A_225] : memref<8x!tpu.dma_semaphore, #tpu.memory_space<semaphore_mem>> -> memref<1x!tpu.dma_semaphore, #tpu.memory_space<semaphore_mem>>
      %dma_start3A_237 = tpu.memref_squeeze %dma_start3A_236 : memref<1x!tpu.dma_semaphore, #tpu.memory_space<semaphore_mem>> -> memref<!tpu.dma_semaphore, #tpu.memory_space<semaphore_mem>>
      tpu.enqueue_indirect_dma source(%dma_start3A_229 : memref<128x16xf32, #tpu.memory_space<vmem>>) target(%dma_start3A_235 : memref<10240x16xf32, #tpu.memory_space<vmem_shared>>) offsets(%dma_start3A_232 : memref<128xi32, #tpu.memory_space<vmem>>) semaphore(%dma_start3A_237 : memref<!tpu.dma_semaphore, #tpu.memory_space<semaphore_mem>>) {add = true}
      %mul3A_238 = arith.constant 8 : i32
      %mul3A_239 = arith.muli %scan3A_141, %mul3A_238 : i32
      %add3A_240 = arith.constant 3 : i32
      %add3A_241 = arith.addi %mul3A_239, %add3A_240 : i32
      %dma_wait3A_242 = arith.constant 3 : i32
      %dma_wait3A_243 = arith.constant 3 : i32
      %dma_wait3A_244 = arith.constant 0 : i32
      %dma_wait3A_245 = arith.constant 0 : i32
      %dma_wait3A_246 = tpu.memref_slice %arg8[%dma_wait3A_242, %dma_wait3A_244, %dma_wait3A_245] : memref<8x128x16xf32, #tpu.memory_space<vmem>> -> memref<1x128x16xf32, #tpu.memory_space<vmem>>
      %dma_wait3A_247 = tpu.memref_squeeze %dma_wait3A_246 : memref<1x128x16xf32, #tpu.memory_space<vmem>> -> memref<128x16xf32, #tpu.memory_space<vmem>>
      %dma_wait3A_248 = arith.constant 0 : i32
      %dma_wait3A_249 = tpu.memref_slice %arg6[%add3A_241, %dma_wait3A_248] : memref<80x128xi32, #tpu.memory_space<vmem>> -> memref<1x128xi32, #tpu.memory_space<vmem>>
      %dma_wait3A_250 = tpu.memref_squeeze %dma_wait3A_249 : memref<1x128xi32, #tpu.memory_space<vmem>> -> memref<128xi32, #tpu.memory_space<vmem>>
      %dma_wait3A_251 = arith.constant 0 : i32
      %dma_wait3A_252 = arith.constant 0 : i32
      %dma_wait3A_253 = tpu.memref_slice %arg2[%dma_wait3A_251, %dma_wait3A_252] : memref<10240x16xf32, #tpu.memory_space<hbm>> -> memref<10240x16xf32, #tpu.memory_space<hbm>>
      %dma_wait3A_254 = tpu.memref_slice %arg11[%dma_wait3A_243] : memref<8x!tpu.dma_semaphore, #tpu.memory_space<semaphore_mem>> -> memref<1x!tpu.dma_semaphore, #tpu.memory_space<semaphore_mem>>
      %dma_wait3A_255 = tpu.memref_squeeze %dma_wait3A_254 : memref<1x!tpu.dma_semaphore, #tpu.memory_space<semaphore_mem>> -> memref<!tpu.dma_semaphore, #tpu.memory_space<semaphore_mem>>
      tpu.wait_indirect_dma semaphore(%dma_wait3A_255 : memref<!tpu.dma_semaphore, #tpu.memory_space<semaphore_mem>>) src(%dma_wait3A_253 : memref<10240x16xf32, #tpu.memory_space<hbm>>) dst(%dma_wait3A_247 : memref<128x16xf32, #tpu.memory_space<vmem>>)
      %dma_start3A_256 = arith.constant 3 : i32
      %dma_start3A_257 = arith.constant 3 : i32
      %dma_start3A_258 = arith.constant 0 : i32
      %dma_start3A_259 = arith.constant 0 : i32
      %dma_start3A_260 = tpu.memref_slice %arg8[%dma_start3A_256, %dma_start3A_258, %dma_start3A_259] : memref<8x128x16xf32, #tpu.memory_space<vmem>> -> memref<1x128x16xf32, #tpu.memory_space<vmem>>
      %dma_start3A_261 = tpu.memref_squeeze %dma_start3A_260 : memref<1x128x16xf32, #tpu.memory_space<vmem>> -> memref<128x16xf32, #tpu.memory_space<vmem>>
      %dma_start3A_262 = arith.constant 0 : i32
      %dma_start3A_263 = tpu.memref_slice %arg7[%add3A_241, %dma_start3A_262] : memref<80x128xi32, #tpu.memory_space<vmem>> -> memref<1x128xi32, #tpu.memory_space<vmem>>
      %dma_start3A_264 = tpu.memref_squeeze %dma_start3A_263 : memref<1x128xi32, #tpu.memory_space<vmem>> -> memref<128xi32, #tpu.memory_space<vmem>>
      %dma_start3A_265 = arith.constant 0 : i32
      %dma_start3A_266 = arith.constant 0 : i32
      %dma_start3A_267 = tpu.memref_slice %arg10[%dma_start3A_265, %dma_start3A_266] : memref<10240x16xf32, #tpu.memory_space<vmem_shared>> -> memref<10240x16xf32, #tpu.memory_space<vmem_shared>>
      %dma_start3A_268 = tpu.memref_slice %arg12[%dma_start3A_257] : memref<8x!tpu.dma_semaphore, #tpu.memory_space<semaphore_mem>> -> memref<1x!tpu.dma_semaphore, #tpu.memory_space<semaphore_mem>>
      %dma_start3A_269 = tpu.memref_squeeze %dma_start3A_268 : memref<1x!tpu.dma_semaphore, #tpu.memory_space<semaphore_mem>> -> memref<!tpu.dma_semaphore, #tpu.memory_space<semaphore_mem>>
      tpu.enqueue_indirect_dma source(%dma_start3A_261 : memref<128x16xf32, #tpu.memory_space<vmem>>) target(%dma_start3A_267 : memref<10240x16xf32, #tpu.memory_space<vmem_shared>>) offsets(%dma_start3A_264 : memref<128xi32, #tpu.memory_space<vmem>>) semaphore(%dma_start3A_269 : memref<!tpu.dma_semaphore, #tpu.memory_space<semaphore_mem>>) {add = true}
      %mul3A_270 = arith.constant 8 : i32
      %mul3A_271 = arith.muli %scan3A_141, %mul3A_270 : i32
      %add3A_272 = arith.constant 4 : i32
      %add3A_273 = arith.addi %mul3A_271, %add3A_272 : i32
      %dma_wait3A_274 = arith.constant 4 : i32
      %dma_wait3A_275 = arith.constant 4 : i32
      %dma_wait3A_276 = arith.constant 0 : i32
      %dma_wait3A_277 = arith.constant 0 : i32
      %dma_wait3A_278 = tpu.memref_slice %arg8[%dma_wait3A_274, %dma_wait3A_276, %dma_wait3A_277] : memref<8x128x16xf32, #tpu.memory_space<vmem>> -> memref<1x128x16xf32, #tpu.memory_space<vmem>>
      %dma_wait3A_279 = tpu.memref_squeeze %dma_wait3A_278 : memref<1x128x16xf32, #tpu.memory_space<vmem>> -> memref<128x16xf32, #tpu.memory_space<vmem>>
      %dma_wait3A_280 = arith.constant 0 : i32
      %dma_wait3A_281 = tpu.memref_slice %arg6[%add3A_273, %dma_wait3A_280] : memref<80x128xi32, #tpu.memory_space<vmem>> -> memref<1x128xi32, #tpu.memory_space<vmem>>
      %dma_wait3A_282 = tpu.memref_squeeze %dma_wait3A_281 : memref<1x128xi32, #tpu.memory_space<vmem>> -> memref<128xi32, #tpu.memory_space<vmem>>
      %dma_wait3A_283 = arith.constant 0 : i32
      %dma_wait3A_284 = arith.constant 0 : i32
      %dma_wait3A_285 = tpu.memref_slice %arg2[%dma_wait3A_283, %dma_wait3A_284] : memref<10240x16xf32, #tpu.memory_space<hbm>> -> memref<10240x16xf32, #tpu.memory_space<hbm>>
      %dma_wait3A_286 = tpu.memref_slice %arg11[%dma_wait3A_275] : memref<8x!tpu.dma_semaphore, #tpu.memory_space<semaphore_mem>> -> memref<1x!tpu.dma_semaphore, #tpu.memory_space<semaphore_mem>>
      %dma_wait3A_287 = tpu.memref_squeeze %dma_wait3A_286 : memref<1x!tpu.dma_semaphore, #tpu.memory_space<semaphore_mem>> -> memref<!tpu.dma_semaphore, #tpu.memory_space<semaphore_mem>>
      tpu.wait_indirect_dma semaphore(%dma_wait3A_287 : memref<!tpu.dma_semaphore, #tpu.memory_space<semaphore_mem>>) src(%dma_wait3A_285 : memref<10240x16xf32, #tpu.memory_space<hbm>>) dst(%dma_wait3A_279 : memref<128x16xf32, #tpu.memory_space<vmem>>)
      %dma_start3A_288 = arith.constant 4 : i32
      %dma_start3A_289 = arith.constant 4 : i32
      %dma_start3A_290 = arith.constant 0 : i32
      %dma_start3A_291 = arith.constant 0 : i32
      %dma_start3A_292 = tpu.memref_slice %arg8[%dma_start3A_288, %dma_start3A_290, %dma_start3A_291] : memref<8x128x16xf32, #tpu.memory_space<vmem>> -> memref<1x128x16xf32, #tpu.memory_space<vmem>>
      %dma_start3A_293 = tpu.memref_squeeze %dma_start3A_292 : memref<1x128x16xf32, #tpu.memory_space<vmem>> -> memref<128x16xf32, #tpu.memory_space<vmem>>
      %dma_start3A_294 = arith.constant 0 : i32
      %dma_start3A_295 = tpu.memref_slice %arg7[%add3A_273, %dma_start3A_294] : memref<80x128xi32, #tpu.memory_space<vmem>> -> memref<1x128xi32, #tpu.memory_space<vmem>>
      %dma_start3A_296 = tpu.memref_squeeze %dma_start3A_295 : memref<1x128xi32, #tpu.memory_space<vmem>> -> memref<128xi32, #tpu.memory_space<vmem>>
      %dma_start3A_297 = arith.constant 0 : i32
      %dma_start3A_298 = arith.constant 0 : i32
      %dma_start3A_299 = tpu.memref_slice %arg10[%dma_start3A_297, %dma_start3A_298] : memref<10240x16xf32, #tpu.memory_space<vmem_shared>> -> memref<10240x16xf32, #tpu.memory_space<vmem_shared>>
      %dma_start3A_300 = tpu.memref_slice %arg12[%dma_start3A_289] : memref<8x!tpu.dma_semaphore, #tpu.memory_space<semaphore_mem>> -> memref<1x!tpu.dma_semaphore, #tpu.memory_space<semaphore_mem>>
      %dma_start3A_301 = tpu.memref_squeeze %dma_start3A_300 : memref<1x!tpu.dma_semaphore, #tpu.memory_space<semaphore_mem>> -> memref<!tpu.dma_semaphore, #tpu.memory_space<semaphore_mem>>
      tpu.enqueue_indirect_dma source(%dma_start3A_293 : memref<128x16xf32, #tpu.memory_space<vmem>>) target(%dma_start3A_299 : memref<10240x16xf32, #tpu.memory_space<vmem_shared>>) offsets(%dma_start3A_296 : memref<128xi32, #tpu.memory_space<vmem>>) semaphore(%dma_start3A_301 : memref<!tpu.dma_semaphore, #tpu.memory_space<semaphore_mem>>) {add = true}
      %mul3A_302 = arith.constant 8 : i32
      %mul3A_303 = arith.muli %scan3A_141, %mul3A_302 : i32
      %add3A_304 = arith.constant 5 : i32
      %add3A_305 = arith.addi %mul3A_303, %add3A_304 : i32
      %dma_wait3A_306 = arith.constant 5 : i32
      %dma_wait3A_307 = arith.constant 5 : i32
      %dma_wait3A_308 = arith.constant 0 : i32
      %dma_wait3A_309 = arith.constant 0 : i32
      %dma_wait3A_310 = tpu.memref_slice %arg8[%dma_wait3A_306, %dma_wait3A_308, %dma_wait3A_309] : memref<8x128x16xf32, #tpu.memory_space<vmem>> -> memref<1x128x16xf32, #tpu.memory_space<vmem>>
      %dma_wait3A_311 = tpu.memref_squeeze %dma_wait3A_310 : memref<1x128x16xf32, #tpu.memory_space<vmem>> -> memref<128x16xf32, #tpu.memory_space<vmem>>
      %dma_wait3A_312 = arith.constant 0 : i32
      %dma_wait3A_313 = tpu.memref_slice %arg6[%add3A_305, %dma_wait3A_312] : memref<80x128xi32, #tpu.memory_space<vmem>> -> memref<1x128xi32, #tpu.memory_space<vmem>>
      %dma_wait3A_314 = tpu.memref_squeeze %dma_wait3A_313 : memref<1x128xi32, #tpu.memory_space<vmem>> -> memref<128xi32, #tpu.memory_space<vmem>>
      %dma_wait3A_315 = arith.constant 0 : i32
      %dma_wait3A_316 = arith.constant 0 : i32
      %dma_wait3A_317 = tpu.memref_slice %arg2[%dma_wait3A_315, %dma_wait3A_316] : memref<10240x16xf32, #tpu.memory_space<hbm>> -> memref<10240x16xf32, #tpu.memory_space<hbm>>
      %dma_wait3A_318 = tpu.memref_slice %arg11[%dma_wait3A_307] : memref<8x!tpu.dma_semaphore, #tpu.memory_space<semaphore_mem>> -> memref<1x!tpu.dma_semaphore, #tpu.memory_space<semaphore_mem>>
      %dma_wait3A_319 = tpu.memref_squeeze %dma_wait3A_318 : memref<1x!tpu.dma_semaphore, #tpu.memory_space<semaphore_mem>> -> memref<!tpu.dma_semaphore, #tpu.memory_space<semaphore_mem>>
      tpu.wait_indirect_dma semaphore(%dma_wait3A_319 : memref<!tpu.dma_semaphore, #tpu.memory_space<semaphore_mem>>) src(%dma_wait3A_317 : memref<10240x16xf32, #tpu.memory_space<hbm>>) dst(%dma_wait3A_311 : memref<128x16xf32, #tpu.memory_space<vmem>>)
      %dma_start3A_320 = arith.constant 5 : i32
      %dma_start3A_321 = arith.constant 5 : i32
      %dma_start3A_322 = arith.constant 0 : i32
      %dma_start3A_323 = arith.constant 0 : i32
      %dma_start3A_324 = tpu.memref_slice %arg8[%dma_start3A_320, %dma_start3A_322, %dma_start3A_323] : memref<8x128x16xf32, #tpu.memory_space<vmem>> -> memref<1x128x16xf32, #tpu.memory_space<vmem>>
      %dma_start3A_325 = tpu.memref_squeeze %dma_start3A_324 : memref<1x128x16xf32, #tpu.memory_space<vmem>> -> memref<128x16xf32, #tpu.memory_space<vmem>>
      %dma_start3A_326 = arith.constant 0 : i32
      %dma_start3A_327 = tpu.memref_slice %arg7[%add3A_305, %dma_start3A_326] : memref<80x128xi32, #tpu.memory_space<vmem>> -> memref<1x128xi32, #tpu.memory_space<vmem>>
      %dma_start3A_328 = tpu.memref_squeeze %dma_start3A_327 : memref<1x128xi32, #tpu.memory_space<vmem>> -> memref<128xi32, #tpu.memory_space<vmem>>
      %dma_start3A_329 = arith.constant 0 : i32
      %dma_start3A_330 = arith.constant 0 : i32
      %dma_start3A_331 = tpu.memref_slice %arg10[%dma_start3A_329, %dma_start3A_330] : memref<10240x16xf32, #tpu.memory_space<vmem_shared>> -> memref<10240x16xf32, #tpu.memory_space<vmem_shared>>
      %dma_start3A_332 = tpu.memref_slice %arg12[%dma_start3A_321] : memref<8x!tpu.dma_semaphore, #tpu.memory_space<semaphore_mem>> -> memref<1x!tpu.dma_semaphore, #tpu.memory_space<semaphore_mem>>
      %dma_start3A_333 = tpu.memref_squeeze %dma_start3A_332 : memref<1x!tpu.dma_semaphore, #tpu.memory_space<semaphore_mem>> -> memref<!tpu.dma_semaphore, #tpu.memory_space<semaphore_mem>>
      tpu.enqueue_indirect_dma source(%dma_start3A_325 : memref<128x16xf32, #tpu.memory_space<vmem>>) target(%dma_start3A_331 : memref<10240x16xf32, #tpu.memory_space<vmem_shared>>) offsets(%dma_start3A_328 : memref<128xi32, #tpu.memory_space<vmem>>) semaphore(%dma_start3A_333 : memref<!tpu.dma_semaphore, #tpu.memory_space<semaphore_mem>>) {add = true}
      %mul3A_334 = arith.constant 8 : i32
      %mul3A_335 = arith.muli %scan3A_141, %mul3A_334 : i32
      %add3A_336 = arith.constant 6 : i32
      %add3A_337 = arith.addi %mul3A_335, %add3A_336 : i32
      %dma_wait3A_338 = arith.constant 6 : i32
      %dma_wait3A_339 = arith.constant 6 : i32
      %dma_wait3A_340 = arith.constant 0 : i32
      %dma_wait3A_341 = arith.constant 0 : i32
      %dma_wait3A_342 = tpu.memref_slice %arg8[%dma_wait3A_338, %dma_wait3A_340, %dma_wait3A_341] : memref<8x128x16xf32, #tpu.memory_space<vmem>> -> memref<1x128x16xf32, #tpu.memory_space<vmem>>
      %dma_wait3A_343 = tpu.memref_squeeze %dma_wait3A_342 : memref<1x128x16xf32, #tpu.memory_space<vmem>> -> memref<128x16xf32, #tpu.memory_space<vmem>>
      %dma_wait3A_344 = arith.constant 0 : i32
      %dma_wait3A_345 = tpu.memref_slice %arg6[%add3A_337, %dma_wait3A_344] : memref<80x128xi32, #tpu.memory_space<vmem>> -> memref<1x128xi32, #tpu.memory_space<vmem>>
      %dma_wait3A_346 = tpu.memref_squeeze %dma_wait3A_345 : memref<1x128xi32, #tpu.memory_space<vmem>> -> memref<128xi32, #tpu.memory_space<vmem>>
      %dma_wait3A_347 = arith.constant 0 : i32
      %dma_wait3A_348 = arith.constant 0 : i32
      %dma_wait3A_349 = tpu.memref_slice %arg2[%dma_wait3A_347, %dma_wait3A_348] : memref<10240x16xf32, #tpu.memory_space<hbm>> -> memref<10240x16xf32, #tpu.memory_space<hbm>>
      %dma_wait3A_350 = tpu.memref_slice %arg11[%dma_wait3A_339] : memref<8x!tpu.dma_semaphore, #tpu.memory_space<semaphore_mem>> -> memref<1x!tpu.dma_semaphore, #tpu.memory_space<semaphore_mem>>
      %dma_wait3A_351 = tpu.memref_squeeze %dma_wait3A_350 : memref<1x!tpu.dma_semaphore, #tpu.memory_space<semaphore_mem>> -> memref<!tpu.dma_semaphore, #tpu.memory_space<semaphore_mem>>
      tpu.wait_indirect_dma semaphore(%dma_wait3A_351 : memref<!tpu.dma_semaphore, #tpu.memory_space<semaphore_mem>>) src(%dma_wait3A_349 : memref<10240x16xf32, #tpu.memory_space<hbm>>) dst(%dma_wait3A_343 : memref<128x16xf32, #tpu.memory_space<vmem>>)
      %dma_start3A_352 = arith.constant 6 : i32
      %dma_start3A_353 = arith.constant 6 : i32
      %dma_start3A_354 = arith.constant 0 : i32
      %dma_start3A_355 = arith.constant 0 : i32
      %dma_start3A_356 = tpu.memref_slice %arg8[%dma_start3A_352, %dma_start3A_354, %dma_start3A_355] : memref<8x128x16xf32, #tpu.memory_space<vmem>> -> memref<1x128x16xf32, #tpu.memory_space<vmem>>
      %dma_start3A_357 = tpu.memref_squeeze %dma_start3A_356 : memref<1x128x16xf32, #tpu.memory_space<vmem>> -> memref<128x16xf32, #tpu.memory_space<vmem>>
      %dma_start3A_358 = arith.constant 0 : i32
      %dma_start3A_359 = tpu.memref_slice %arg7[%add3A_337, %dma_start3A_358] : memref<80x128xi32, #tpu.memory_space<vmem>> -> memref<1x128xi32, #tpu.memory_space<vmem>>
      %dma_start3A_360 = tpu.memref_squeeze %dma_start3A_359 : memref<1x128xi32, #tpu.memory_space<vmem>> -> memref<128xi32, #tpu.memory_space<vmem>>
      %dma_start3A_361 = arith.constant 0 : i32
      %dma_start3A_362 = arith.constant 0 : i32
      %dma_start3A_363 = tpu.memref_slice %arg10[%dma_start3A_361, %dma_start3A_362] : memref<10240x16xf32, #tpu.memory_space<vmem_shared>> -> memref<10240x16xf32, #tpu.memory_space<vmem_shared>>
      %dma_start3A_364 = tpu.memref_slice %arg12[%dma_start3A_353] : memref<8x!tpu.dma_semaphore, #tpu.memory_space<semaphore_mem>> -> memref<1x!tpu.dma_semaphore, #tpu.memory_space<semaphore_mem>>
      %dma_start3A_365 = tpu.memref_squeeze %dma_start3A_364 : memref<1x!tpu.dma_semaphore, #tpu.memory_space<semaphore_mem>> -> memref<!tpu.dma_semaphore, #tpu.memory_space<semaphore_mem>>
      tpu.enqueue_indirect_dma source(%dma_start3A_357 : memref<128x16xf32, #tpu.memory_space<vmem>>) target(%dma_start3A_363 : memref<10240x16xf32, #tpu.memory_space<vmem_shared>>) offsets(%dma_start3A_360 : memref<128xi32, #tpu.memory_space<vmem>>) semaphore(%dma_start3A_365 : memref<!tpu.dma_semaphore, #tpu.memory_space<semaphore_mem>>) {add = true}
      %mul3A_366 = arith.constant 8 : i32
      %mul3A_367 = arith.muli %scan3A_141, %mul3A_366 : i32
      %add3A_368 = arith.constant 7 : i32
      %add3A_369 = arith.addi %mul3A_367, %add3A_368 : i32
      %dma_wait3A_370 = arith.constant 7 : i32
      %dma_wait3A_371 = arith.constant 7 : i32
      %dma_wait3A_372 = arith.constant 0 : i32
      %dma_wait3A_373 = arith.constant 0 : i32
      %dma_wait3A_374 = tpu.memref_slice %arg8[%dma_wait3A_370, %dma_wait3A_372, %dma_wait3A_373] : memref<8x128x16xf32, #tpu.memory_space<vmem>> -> memref<1x128x16xf32, #tpu.memory_space<vmem>>
      %dma_wait3A_375 = tpu.memref_squeeze %dma_wait3A_374 : memref<1x128x16xf32, #tpu.memory_space<vmem>> -> memref<128x16xf32, #tpu.memory_space<vmem>>
      %dma_wait3A_376 = arith.constant 0 : i32
      %dma_wait3A_377 = tpu.memref_slice %arg6[%add3A_369, %dma_wait3A_376] : memref<80x128xi32, #tpu.memory_space<vmem>> -> memref<1x128xi32, #tpu.memory_space<vmem>>
      %dma_wait3A_378 = tpu.memref_squeeze %dma_wait3A_377 : memref<1x128xi32, #tpu.memory_space<vmem>> -> memref<128xi32, #tpu.memory_space<vmem>>
      %dma_wait3A_379 = arith.constant 0 : i32
      %dma_wait3A_380 = arith.constant 0 : i32
      %dma_wait3A_381 = tpu.memref_slice %arg2[%dma_wait3A_379, %dma_wait3A_380] : memref<10240x16xf32, #tpu.memory_space<hbm>> -> memref<10240x16xf32, #tpu.memory_space<hbm>>
      %dma_wait3A_382 = tpu.memref_slice %arg11[%dma_wait3A_371] : memref<8x!tpu.dma_semaphore, #tpu.memory_space<semaphore_mem>> -> memref<1x!tpu.dma_semaphore, #tpu.memory_space<semaphore_mem>>
      %dma_wait3A_383 = tpu.memref_squeeze %dma_wait3A_382 : memref<1x!tpu.dma_semaphore, #tpu.memory_space<semaphore_mem>> -> memref<!tpu.dma_semaphore, #tpu.memory_space<semaphore_mem>>
      tpu.wait_indirect_dma semaphore(%dma_wait3A_383 : memref<!tpu.dma_semaphore, #tpu.memory_space<semaphore_mem>>) src(%dma_wait3A_381 : memref<10240x16xf32, #tpu.memory_space<hbm>>) dst(%dma_wait3A_375 : memref<128x16xf32, #tpu.memory_space<vmem>>)
      %dma_start3A_384 = arith.constant 7 : i32
      %dma_start3A_385 = arith.constant 7 : i32
      %dma_start3A_386 = arith.constant 0 : i32
      %dma_start3A_387 = arith.constant 0 : i32
      %dma_start3A_388 = tpu.memref_slice %arg8[%dma_start3A_384, %dma_start3A_386, %dma_start3A_387] : memref<8x128x16xf32, #tpu.memory_space<vmem>> -> memref<1x128x16xf32, #tpu.memory_space<vmem>>
      %dma_start3A_389 = tpu.memref_squeeze %dma_start3A_388 : memref<1x128x16xf32, #tpu.memory_space<vmem>> -> memref<128x16xf32, #tpu.memory_space<vmem>>
      %dma_start3A_390 = arith.constant 0 : i32
      %dma_start3A_391 = tpu.memref_slice %arg7[%add3A_369, %dma_start3A_390] : memref<80x128xi32, #tpu.memory_space<vmem>> -> memref<1x128xi32, #tpu.memory_space<vmem>>
      %dma_start3A_392 = tpu.memref_squeeze %dma_start3A_391 : memref<1x128xi32, #tpu.memory_space<vmem>> -> memref<128xi32, #tpu.memory_space<vmem>>
      %dma_start3A_393 = arith.constant 0 : i32
      %dma_start3A_394 = arith.constant 0 : i32
      %dma_start3A_395 = tpu.memref_slice %arg10[%dma_start3A_393, %dma_start3A_394] : memref<10240x16xf32, #tpu.memory_space<vmem_shared>> -> memref<10240x16xf32, #tpu.memory_space<vmem_shared>>
      %dma_start3A_396 = tpu.memref_slice %arg12[%dma_start3A_385] : memref<8x!tpu.dma_semaphore, #tpu.memory_space<semaphore_mem>> -> memref<1x!tpu.dma_semaphore, #tpu.memory_space<semaphore_mem>>
      %dma_start3A_397 = tpu.memref_squeeze %dma_start3A_396 : memref<1x!tpu.dma_semaphore, #tpu.memory_space<semaphore_mem>> -> memref<!tpu.dma_semaphore, #tpu.memory_space<semaphore_mem>>
      tpu.enqueue_indirect_dma source(%dma_start3A_389 : memref<128x16xf32, #tpu.memory_space<vmem>>) target(%dma_start3A_395 : memref<10240x16xf32, #tpu.memory_space<vmem_shared>>) offsets(%dma_start3A_392 : memref<128xi32, #tpu.memory_space<vmem>>) semaphore(%dma_start3A_397 : memref<!tpu.dma_semaphore, #tpu.memory_space<semaphore_mem>>) {add = true}
      %dma_wait3A_398 = arith.constant 0 : i32
      %dma_wait3A_399 = arith.constant 0 : i32
      %dma_wait3A_400 = arith.constant 0 : i32
      %dma_wait3A_401 = arith.constant 0 : i32
      %dma_wait3A_402 = tpu.memref_slice %arg8[%dma_wait3A_398, %dma_wait3A_400, %dma_wait3A_401] : memref<8x128x16xf32, #tpu.memory_space<vmem>> -> memref<1x128x16xf32, #tpu.memory_space<vmem>>
      %dma_wait3A_403 = tpu.memref_squeeze %dma_wait3A_402 : memref<1x128x16xf32, #tpu.memory_space<vmem>> -> memref<128x16xf32, #tpu.memory_space<vmem>>
      %dma_wait3A_404 = arith.constant 0 : i32
      %dma_wait3A_405 = tpu.memref_slice %arg7[%add3A_146, %dma_wait3A_404] : memref<80x128xi32, #tpu.memory_space<vmem>> -> memref<1x128xi32, #tpu.memory_space<vmem>>
      %dma_wait3A_406 = tpu.memref_squeeze %dma_wait3A_405 : memref<1x128xi32, #tpu.memory_space<vmem>> -> memref<128xi32, #tpu.memory_space<vmem>>
      %dma_wait3A_407 = arith.constant 0 : i32
      %dma_wait3A_408 = arith.constant 0 : i32
      %dma_wait3A_409 = tpu.memref_slice %arg10[%dma_wait3A_407, %dma_wait3A_408] : memref<10240x16xf32, #tpu.memory_space<vmem_shared>> -> memref<10240x16xf32, #tpu.memory_space<vmem_shared>>
      %dma_wait3A_410 = tpu.memref_slice %arg12[%dma_wait3A_399] : memref<8x!tpu.dma_semaphore, #tpu.memory_space<semaphore_mem>> -> memref<1x!tpu.dma_semaphore, #tpu.memory_space<semaphore_mem>>
      %dma_wait3A_411 = tpu.memref_squeeze %dma_wait3A_410 : memref<1x!tpu.dma_semaphore, #tpu.memory_space<semaphore_mem>> -> memref<!tpu.dma_semaphore, #tpu.memory_space<semaphore_mem>>
      tpu.wait_indirect_dma semaphore(%dma_wait3A_411 : memref<!tpu.dma_semaphore, #tpu.memory_space<semaphore_mem>>) src(%dma_wait3A_403 : memref<128x16xf32, #tpu.memory_space<vmem>>) dst(%dma_wait3A_409 : memref<10240x16xf32, #tpu.memory_space<vmem_shared>>)
      %lt3A = arith.constant 9 : i32
      %lt3A_412 = arith.cmpi slt, %scan3A_141, %lt3A : i32
      %convert_element_type3A = arith.extui %lt3A_412 : i1 to i32
      %cond3A = arith.constant 0 : i32
      %cond3A_413 = arith.cmpi ne, %convert_element_type3A, %cond3A : i32
      scf.if %cond3A_413 {
        %add3A_548 = arith.constant 1 : i32
        %add3A_549 = arith.addi %scan3A_141, %add3A_548 : i32
        %mul3A_550 = arith.constant 8 : i32
        %mul3A_551 = arith.muli %add3A_549, %mul3A_550 : i32
        %add3A_552 = arith.constant 0 : i32
        %add3A_553 = arith.addi %mul3A_551, %add3A_552 : i32
        %dma_start3A_554 = arith.constant 0 : i32
        %dma_start3A_555 = arith.constant 0 : i32
        %dma_start3A_556 = arith.constant 0 : i32
        %dma_start3A_557 = arith.constant 0 : i32
        %dma_start3A_558 = tpu.memref_slice %arg8[%dma_start3A_554, %dma_start3A_556, %dma_start3A_557] : memref<8x128x16xf32, #tpu.memory_space<vmem>> -> memref<1x128x16xf32, #tpu.memory_space<vmem>>
        %dma_start3A_559 = tpu.memref_squeeze %dma_start3A_558 : memref<1x128x16xf32, #tpu.memory_space<vmem>> -> memref<128x16xf32, #tpu.memory_space<vmem>>
        %dma_start3A_560 = arith.constant 0 : i32
        %dma_start3A_561 = tpu.memref_slice %arg6[%add3A_553, %dma_start3A_560] : memref<80x128xi32, #tpu.memory_space<vmem>> -> memref<1x128xi32, #tpu.memory_space<vmem>>
        %dma_start3A_562 = tpu.memref_squeeze %dma_start3A_561 : memref<1x128xi32, #tpu.memory_space<vmem>> -> memref<128xi32, #tpu.memory_space<vmem>>
        %dma_start3A_563 = arith.constant 0 : i32
        %dma_start3A_564 = arith.constant 0 : i32
        %dma_start3A_565 = tpu.memref_slice %arg2[%dma_start3A_563, %dma_start3A_564] : memref<10240x16xf32, #tpu.memory_space<hbm>> -> memref<10240x16xf32, #tpu.memory_space<hbm>>
        %dma_start3A_566 = tpu.memref_slice %arg11[%dma_start3A_555] : memref<8x!tpu.dma_semaphore, #tpu.memory_space<semaphore_mem>> -> memref<1x!tpu.dma_semaphore, #tpu.memory_space<semaphore_mem>>
        %dma_start3A_567 = tpu.memref_squeeze %dma_start3A_566 : memref<1x!tpu.dma_semaphore, #tpu.memory_space<semaphore_mem>> -> memref<!tpu.dma_semaphore, #tpu.memory_space<semaphore_mem>>
        tpu.enqueue_indirect_dma source(%dma_start3A_565 : memref<10240x16xf32, #tpu.memory_space<hbm>>) target(%dma_start3A_559 : memref<128x16xf32, #tpu.memory_space<vmem>>) offsets(%dma_start3A_562 : memref<128xi32, #tpu.memory_space<vmem>>) semaphore(%dma_start3A_567 : memref<!tpu.dma_semaphore, #tpu.memory_space<semaphore_mem>>)
      } else {
      }
      %dma_wait3A_414 = arith.constant 1 : i32
      %dma_wait3A_415 = arith.constant 1 : i32
      %dma_wait3A_416 = arith.constant 0 : i32
      %dma_wait3A_417 = arith.constant 0 : i32
      %dma_wait3A_418 = tpu.memref_slice %arg8[%dma_wait3A_414, %dma_wait3A_416, %dma_wait3A_417] : memref<8x128x16xf32, #tpu.memory_space<vmem>> -> memref<1x128x16xf32, #tpu.memory_space<vmem>>
      %dma_wait3A_419 = tpu.memref_squeeze %dma_wait3A_418 : memref<1x128x16xf32, #tpu.memory_space<vmem>> -> memref<128x16xf32, #tpu.memory_space<vmem>>
      %dma_wait3A_420 = arith.constant 0 : i32
      %dma_wait3A_421 = tpu.memref_slice %arg7[%add3A_177, %dma_wait3A_420] : memref<80x128xi32, #tpu.memory_space<vmem>> -> memref<1x128xi32, #tpu.memory_space<vmem>>
      %dma_wait3A_422 = tpu.memref_squeeze %dma_wait3A_421 : memref<1x128xi32, #tpu.memory_space<vmem>> -> memref<128xi32, #tpu.memory_space<vmem>>
      %dma_wait3A_423 = arith.constant 0 : i32
      %dma_wait3A_424 = arith.constant 0 : i32
      %dma_wait3A_425 = tpu.memref_slice %arg10[%dma_wait3A_423, %dma_wait3A_424] : memref<10240x16xf32, #tpu.memory_space<vmem_shared>> -> memref<10240x16xf32, #tpu.memory_space<vmem_shared>>
      %dma_wait3A_426 = tpu.memref_slice %arg12[%dma_wait3A_415] : memref<8x!tpu.dma_semaphore, #tpu.memory_space<semaphore_mem>> -> memref<1x!tpu.dma_semaphore, #tpu.memory_space<semaphore_mem>>
      %dma_wait3A_427 = tpu.memref_squeeze %dma_wait3A_426 : memref<1x!tpu.dma_semaphore, #tpu.memory_space<semaphore_mem>> -> memref<!tpu.dma_semaphore, #tpu.memory_space<semaphore_mem>>
      tpu.wait_indirect_dma semaphore(%dma_wait3A_427 : memref<!tpu.dma_semaphore, #tpu.memory_space<semaphore_mem>>) src(%dma_wait3A_419 : memref<128x16xf32, #tpu.memory_space<vmem>>) dst(%dma_wait3A_425 : memref<10240x16xf32, #tpu.memory_space<vmem_shared>>)
      %lt3A_428 = arith.constant 9 : i32
      %lt3A_429 = arith.cmpi slt, %scan3A_141, %lt3A_428 : i32
      %convert_element_type3A_430 = arith.extui %lt3A_429 : i1 to i32
      %cond3A_431 = arith.constant 0 : i32
      %cond3A_432 = arith.cmpi ne, %convert_element_type3A_430, %cond3A_431 : i32
      scf.if %cond3A_432 {
        %add3A_548 = arith.constant 1 : i32
        %add3A_549 = arith.addi %scan3A_141, %add3A_548 : i32
        %mul3A_550 = arith.constant 8 : i32
        %mul3A_551 = arith.muli %add3A_549, %mul3A_550 : i32
        %add3A_552 = arith.constant 1 : i32
        %add3A_553 = arith.addi %mul3A_551, %add3A_552 : i32
        %dma_start3A_554 = arith.constant 1 : i32
        %dma_start3A_555 = arith.constant 1 : i32
        %dma_start3A_556 = arith.constant 0 : i32
        %dma_start3A_557 = arith.constant 0 : i32
        %dma_start3A_558 = tpu.memref_slice %arg8[%dma_start3A_554, %dma_start3A_556, %dma_start3A_557] : memref<8x128x16xf32, #tpu.memory_space<vmem>> -> memref<1x128x16xf32, #tpu.memory_space<vmem>>
        %dma_start3A_559 = tpu.memref_squeeze %dma_start3A_558 : memref<1x128x16xf32, #tpu.memory_space<vmem>> -> memref<128x16xf32, #tpu.memory_space<vmem>>
        %dma_start3A_560 = arith.constant 0 : i32
        %dma_start3A_561 = tpu.memref_slice %arg6[%add3A_553, %dma_start3A_560] : memref<80x128xi32, #tpu.memory_space<vmem>> -> memref<1x128xi32, #tpu.memory_space<vmem>>
        %dma_start3A_562 = tpu.memref_squeeze %dma_start3A_561 : memref<1x128xi32, #tpu.memory_space<vmem>> -> memref<128xi32, #tpu.memory_space<vmem>>
        %dma_start3A_563 = arith.constant 0 : i32
        %dma_start3A_564 = arith.constant 0 : i32
        %dma_start3A_565 = tpu.memref_slice %arg2[%dma_start3A_563, %dma_start3A_564] : memref<10240x16xf32, #tpu.memory_space<hbm>> -> memref<10240x16xf32, #tpu.memory_space<hbm>>
        %dma_start3A_566 = tpu.memref_slice %arg11[%dma_start3A_555] : memref<8x!tpu.dma_semaphore, #tpu.memory_space<semaphore_mem>> -> memref<1x!tpu.dma_semaphore, #tpu.memory_space<semaphore_mem>>
        %dma_start3A_567 = tpu.memref_squeeze %dma_start3A_566 : memref<1x!tpu.dma_semaphore, #tpu.memory_space<semaphore_mem>> -> memref<!tpu.dma_semaphore, #tpu.memory_space<semaphore_mem>>
        tpu.enqueue_indirect_dma source(%dma_start3A_565 : memref<10240x16xf32, #tpu.memory_space<hbm>>) target(%dma_start3A_559 : memref<128x16xf32, #tpu.memory_space<vmem>>) offsets(%dma_start3A_562 : memref<128xi32, #tpu.memory_space<vmem>>) semaphore(%dma_start3A_567 : memref<!tpu.dma_semaphore, #tpu.memory_space<semaphore_mem>>)
      } else {
      }
      %dma_wait3A_433 = arith.constant 2 : i32
      %dma_wait3A_434 = arith.constant 2 : i32
      %dma_wait3A_435 = arith.constant 0 : i32
      %dma_wait3A_436 = arith.constant 0 : i32
      %dma_wait3A_437 = tpu.memref_slice %arg8[%dma_wait3A_433, %dma_wait3A_435, %dma_wait3A_436] : memref<8x128x16xf32, #tpu.memory_space<vmem>> -> memref<1x128x16xf32, #tpu.memory_space<vmem>>
      %dma_wait3A_438 = tpu.memref_squeeze %dma_wait3A_437 : memref<1x128x16xf32, #tpu.memory_space<vmem>> -> memref<128x16xf32, #tpu.memory_space<vmem>>
      %dma_wait3A_439 = arith.constant 0 : i32
      %dma_wait3A_440 = tpu.memref_slice %arg7[%add3A_209, %dma_wait3A_439] : memref<80x128xi32, #tpu.memory_space<vmem>> -> memref<1x128xi32, #tpu.memory_space<vmem>>
      %dma_wait3A_441 = tpu.memref_squeeze %dma_wait3A_440 : memref<1x128xi32, #tpu.memory_space<vmem>> -> memref<128xi32, #tpu.memory_space<vmem>>
      %dma_wait3A_442 = arith.constant 0 : i32
      %dma_wait3A_443 = arith.constant 0 : i32
      %dma_wait3A_444 = tpu.memref_slice %arg10[%dma_wait3A_442, %dma_wait3A_443] : memref<10240x16xf32, #tpu.memory_space<vmem_shared>> -> memref<10240x16xf32, #tpu.memory_space<vmem_shared>>
      %dma_wait3A_445 = tpu.memref_slice %arg12[%dma_wait3A_434] : memref<8x!tpu.dma_semaphore, #tpu.memory_space<semaphore_mem>> -> memref<1x!tpu.dma_semaphore, #tpu.memory_space<semaphore_mem>>
      %dma_wait3A_446 = tpu.memref_squeeze %dma_wait3A_445 : memref<1x!tpu.dma_semaphore, #tpu.memory_space<semaphore_mem>> -> memref<!tpu.dma_semaphore, #tpu.memory_space<semaphore_mem>>
      tpu.wait_indirect_dma semaphore(%dma_wait3A_446 : memref<!tpu.dma_semaphore, #tpu.memory_space<semaphore_mem>>) src(%dma_wait3A_438 : memref<128x16xf32, #tpu.memory_space<vmem>>) dst(%dma_wait3A_444 : memref<10240x16xf32, #tpu.memory_space<vmem_shared>>)
      %lt3A_447 = arith.constant 9 : i32
      %lt3A_448 = arith.cmpi slt, %scan3A_141, %lt3A_447 : i32
      %convert_element_type3A_449 = arith.extui %lt3A_448 : i1 to i32
      %cond3A_450 = arith.constant 0 : i32
      %cond3A_451 = arith.cmpi ne, %convert_element_type3A_449, %cond3A_450 : i32
      scf.if %cond3A_451 {
        %add3A_548 = arith.constant 1 : i32
        %add3A_549 = arith.addi %scan3A_141, %add3A_548 : i32
        %mul3A_550 = arith.constant 8 : i32
        %mul3A_551 = arith.muli %add3A_549, %mul3A_550 : i32
        %add3A_552 = arith.constant 2 : i32
        %add3A_553 = arith.addi %mul3A_551, %add3A_552 : i32
        %dma_start3A_554 = arith.constant 2 : i32
        %dma_start3A_555 = arith.constant 2 : i32
        %dma_start3A_556 = arith.constant 0 : i32
        %dma_start3A_557 = arith.constant 0 : i32
        %dma_start3A_558 = tpu.memref_slice %arg8[%dma_start3A_554, %dma_start3A_556, %dma_start3A_557] : memref<8x128x16xf32, #tpu.memory_space<vmem>> -> memref<1x128x16xf32, #tpu.memory_space<vmem>>
        %dma_start3A_559 = tpu.memref_squeeze %dma_start3A_558 : memref<1x128x16xf32, #tpu.memory_space<vmem>> -> memref<128x16xf32, #tpu.memory_space<vmem>>
        %dma_start3A_560 = arith.constant 0 : i32
        %dma_start3A_561 = tpu.memref_slice %arg6[%add3A_553, %dma_start3A_560] : memref<80x128xi32, #tpu.memory_space<vmem>> -> memref<1x128xi32, #tpu.memory_space<vmem>>
        %dma_start3A_562 = tpu.memref_squeeze %dma_start3A_561 : memref<1x128xi32, #tpu.memory_space<vmem>> -> memref<128xi32, #tpu.memory_space<vmem>>
        %dma_start3A_563 = arith.constant 0 : i32
        %dma_start3A_564 = arith.constant 0 : i32
        %dma_start3A_565 = tpu.memref_slice %arg2[%dma_start3A_563, %dma_start3A_564] : memref<10240x16xf32, #tpu.memory_space<hbm>> -> memref<10240x16xf32, #tpu.memory_space<hbm>>
        %dma_start3A_566 = tpu.memref_slice %arg11[%dma_start3A_555] : memref<8x!tpu.dma_semaphore, #tpu.memory_space<semaphore_mem>> -> memref<1x!tpu.dma_semaphore, #tpu.memory_space<semaphore_mem>>
        %dma_start3A_567 = tpu.memref_squeeze %dma_start3A_566 : memref<1x!tpu.dma_semaphore, #tpu.memory_space<semaphore_mem>> -> memref<!tpu.dma_semaphore, #tpu.memory_space<semaphore_mem>>
        tpu.enqueue_indirect_dma source(%dma_start3A_565 : memref<10240x16xf32, #tpu.memory_space<hbm>>) target(%dma_start3A_559 : memref<128x16xf32, #tpu.memory_space<vmem>>) offsets(%dma_start3A_562 : memref<128xi32, #tpu.memory_space<vmem>>) semaphore(%dma_start3A_567 : memref<!tpu.dma_semaphore, #tpu.memory_space<semaphore_mem>>)
      } else {
      }
      %dma_wait3A_452 = arith.constant 3 : i32
      %dma_wait3A_453 = arith.constant 3 : i32
      %dma_wait3A_454 = arith.constant 0 : i32
      %dma_wait3A_455 = arith.constant 0 : i32
      %dma_wait3A_456 = tpu.memref_slice %arg8[%dma_wait3A_452, %dma_wait3A_454, %dma_wait3A_455] : memref<8x128x16xf32, #tpu.memory_space<vmem>> -> memref<1x128x16xf32, #tpu.memory_space<vmem>>
      %dma_wait3A_457 = tpu.memref_squeeze %dma_wait3A_456 : memref<1x128x16xf32, #tpu.memory_space<vmem>> -> memref<128x16xf32, #tpu.memory_space<vmem>>
      %dma_wait3A_458 = arith.constant 0 : i32
      %dma_wait3A_459 = tpu.memref_slice %arg7[%add3A_241, %dma_wait3A_458] : memref<80x128xi32, #tpu.memory_space<vmem>> -> memref<1x128xi32, #tpu.memory_space<vmem>>
      %dma_wait3A_460 = tpu.memref_squeeze %dma_wait3A_459 : memref<1x128xi32, #tpu.memory_space<vmem>> -> memref<128xi32, #tpu.memory_space<vmem>>
      %dma_wait3A_461 = arith.constant 0 : i32
      %dma_wait3A_462 = arith.constant 0 : i32
      %dma_wait3A_463 = tpu.memref_slice %arg10[%dma_wait3A_461, %dma_wait3A_462] : memref<10240x16xf32, #tpu.memory_space<vmem_shared>> -> memref<10240x16xf32, #tpu.memory_space<vmem_shared>>
      %dma_wait3A_464 = tpu.memref_slice %arg12[%dma_wait3A_453] : memref<8x!tpu.dma_semaphore, #tpu.memory_space<semaphore_mem>> -> memref<1x!tpu.dma_semaphore, #tpu.memory_space<semaphore_mem>>
      %dma_wait3A_465 = tpu.memref_squeeze %dma_wait3A_464 : memref<1x!tpu.dma_semaphore, #tpu.memory_space<semaphore_mem>> -> memref<!tpu.dma_semaphore, #tpu.memory_space<semaphore_mem>>
      tpu.wait_indirect_dma semaphore(%dma_wait3A_465 : memref<!tpu.dma_semaphore, #tpu.memory_space<semaphore_mem>>) src(%dma_wait3A_457 : memref<128x16xf32, #tpu.memory_space<vmem>>) dst(%dma_wait3A_463 : memref<10240x16xf32, #tpu.memory_space<vmem_shared>>)
      %lt3A_466 = arith.constant 9 : i32
      %lt3A_467 = arith.cmpi slt, %scan3A_141, %lt3A_466 : i32
      %convert_element_type3A_468 = arith.extui %lt3A_467 : i1 to i32
      %cond3A_469 = arith.constant 0 : i32
      %cond3A_470 = arith.cmpi ne, %convert_element_type3A_468, %cond3A_469 : i32
      scf.if %cond3A_470 {
        %add3A_548 = arith.constant 1 : i32
        %add3A_549 = arith.addi %scan3A_141, %add3A_548 : i32
        %mul3A_550 = arith.constant 8 : i32
        %mul3A_551 = arith.muli %add3A_549, %mul3A_550 : i32
        %add3A_552 = arith.constant 3 : i32
        %add3A_553 = arith.addi %mul3A_551, %add3A_552 : i32
        %dma_start3A_554 = arith.constant 3 : i32
        %dma_start3A_555 = arith.constant 3 : i32
        %dma_start3A_556 = arith.constant 0 : i32
        %dma_start3A_557 = arith.constant 0 : i32
        %dma_start3A_558 = tpu.memref_slice %arg8[%dma_start3A_554, %dma_start3A_556, %dma_start3A_557] : memref<8x128x16xf32, #tpu.memory_space<vmem>> -> memref<1x128x16xf32, #tpu.memory_space<vmem>>
        %dma_start3A_559 = tpu.memref_squeeze %dma_start3A_558 : memref<1x128x16xf32, #tpu.memory_space<vmem>> -> memref<128x16xf32, #tpu.memory_space<vmem>>
        %dma_start3A_560 = arith.constant 0 : i32
        %dma_start3A_561 = tpu.memref_slice %arg6[%add3A_553, %dma_start3A_560] : memref<80x128xi32, #tpu.memory_space<vmem>> -> memref<1x128xi32, #tpu.memory_space<vmem>>
        %dma_start3A_562 = tpu.memref_squeeze %dma_start3A_561 : memref<1x128xi32, #tpu.memory_space<vmem>> -> memref<128xi32, #tpu.memory_space<vmem>>
        %dma_start3A_563 = arith.constant 0 : i32
        %dma_start3A_564 = arith.constant 0 : i32
        %dma_start3A_565 = tpu.memref_slice %arg2[%dma_start3A_563, %dma_start3A_564] : memref<10240x16xf32, #tpu.memory_space<hbm>> -> memref<10240x16xf32, #tpu.memory_space<hbm>>
        %dma_start3A_566 = tpu.memref_slice %arg11[%dma_start3A_555] : memref<8x!tpu.dma_semaphore, #tpu.memory_space<semaphore_mem>> -> memref<1x!tpu.dma_semaphore, #tpu.memory_space<semaphore_mem>>
        %dma_start3A_567 = tpu.memref_squeeze %dma_start3A_566 : memref<1x!tpu.dma_semaphore, #tpu.memory_space<semaphore_mem>> -> memref<!tpu.dma_semaphore, #tpu.memory_space<semaphore_mem>>
        tpu.enqueue_indirect_dma source(%dma_start3A_565 : memref<10240x16xf32, #tpu.memory_space<hbm>>) target(%dma_start3A_559 : memref<128x16xf32, #tpu.memory_space<vmem>>) offsets(%dma_start3A_562 : memref<128xi32, #tpu.memory_space<vmem>>) semaphore(%dma_start3A_567 : memref<!tpu.dma_semaphore, #tpu.memory_space<semaphore_mem>>)
      } else {
      }
      %dma_wait3A_471 = arith.constant 4 : i32
      %dma_wait3A_472 = arith.constant 4 : i32
      %dma_wait3A_473 = arith.constant 0 : i32
      %dma_wait3A_474 = arith.constant 0 : i32
      %dma_wait3A_475 = tpu.memref_slice %arg8[%dma_wait3A_471, %dma_wait3A_473, %dma_wait3A_474] : memref<8x128x16xf32, #tpu.memory_space<vmem>> -> memref<1x128x16xf32, #tpu.memory_space<vmem>>
      %dma_wait3A_476 = tpu.memref_squeeze %dma_wait3A_475 : memref<1x128x16xf32, #tpu.memory_space<vmem>> -> memref<128x16xf32, #tpu.memory_space<vmem>>
      %dma_wait3A_477 = arith.constant 0 : i32
      %dma_wait3A_478 = tpu.memref_slice %arg7[%add3A_273, %dma_wait3A_477] : memref<80x128xi32, #tpu.memory_space<vmem>> -> memref<1x128xi32, #tpu.memory_space<vmem>>
      %dma_wait3A_479 = tpu.memref_squeeze %dma_wait3A_478 : memref<1x128xi32, #tpu.memory_space<vmem>> -> memref<128xi32, #tpu.memory_space<vmem>>
      %dma_wait3A_480 = arith.constant 0 : i32
      %dma_wait3A_481 = arith.constant 0 : i32
      %dma_wait3A_482 = tpu.memref_slice %arg10[%dma_wait3A_480, %dma_wait3A_481] : memref<10240x16xf32, #tpu.memory_space<vmem_shared>> -> memref<10240x16xf32, #tpu.memory_space<vmem_shared>>
      %dma_wait3A_483 = tpu.memref_slice %arg12[%dma_wait3A_472] : memref<8x!tpu.dma_semaphore, #tpu.memory_space<semaphore_mem>> -> memref<1x!tpu.dma_semaphore, #tpu.memory_space<semaphore_mem>>
      %dma_wait3A_484 = tpu.memref_squeeze %dma_wait3A_483 : memref<1x!tpu.dma_semaphore, #tpu.memory_space<semaphore_mem>> -> memref<!tpu.dma_semaphore, #tpu.memory_space<semaphore_mem>>
      tpu.wait_indirect_dma semaphore(%dma_wait3A_484 : memref<!tpu.dma_semaphore, #tpu.memory_space<semaphore_mem>>) src(%dma_wait3A_476 : memref<128x16xf32, #tpu.memory_space<vmem>>) dst(%dma_wait3A_482 : memref<10240x16xf32, #tpu.memory_space<vmem_shared>>)
      %lt3A_485 = arith.constant 9 : i32
      %lt3A_486 = arith.cmpi slt, %scan3A_141, %lt3A_485 : i32
      %convert_element_type3A_487 = arith.extui %lt3A_486 : i1 to i32
      %cond3A_488 = arith.constant 0 : i32
      %cond3A_489 = arith.cmpi ne, %convert_element_type3A_487, %cond3A_488 : i32
      scf.if %cond3A_489 {
        %add3A_548 = arith.constant 1 : i32
        %add3A_549 = arith.addi %scan3A_141, %add3A_548 : i32
        %mul3A_550 = arith.constant 8 : i32
        %mul3A_551 = arith.muli %add3A_549, %mul3A_550 : i32
        %add3A_552 = arith.constant 4 : i32
        %add3A_553 = arith.addi %mul3A_551, %add3A_552 : i32
        %dma_start3A_554 = arith.constant 4 : i32
        %dma_start3A_555 = arith.constant 4 : i32
        %dma_start3A_556 = arith.constant 0 : i32
        %dma_start3A_557 = arith.constant 0 : i32
        %dma_start3A_558 = tpu.memref_slice %arg8[%dma_start3A_554, %dma_start3A_556, %dma_start3A_557] : memref<8x128x16xf32, #tpu.memory_space<vmem>> -> memref<1x128x16xf32, #tpu.memory_space<vmem>>
        %dma_start3A_559 = tpu.memref_squeeze %dma_start3A_558 : memref<1x128x16xf32, #tpu.memory_space<vmem>> -> memref<128x16xf32, #tpu.memory_space<vmem>>
        %dma_start3A_560 = arith.constant 0 : i32
        %dma_start3A_561 = tpu.memref_slice %arg6[%add3A_553, %dma_start3A_560] : memref<80x128xi32, #tpu.memory_space<vmem>> -> memref<1x128xi32, #tpu.memory_space<vmem>>
        %dma_start3A_562 = tpu.memref_squeeze %dma_start3A_561 : memref<1x128xi32, #tpu.memory_space<vmem>> -> memref<128xi32, #tpu.memory_space<vmem>>
        %dma_start3A_563 = arith.constant 0 : i32
        %dma_start3A_564 = arith.constant 0 : i32
        %dma_start3A_565 = tpu.memref_slice %arg2[%dma_start3A_563, %dma_start3A_564] : memref<10240x16xf32, #tpu.memory_space<hbm>> -> memref<10240x16xf32, #tpu.memory_space<hbm>>
        %dma_start3A_566 = tpu.memref_slice %arg11[%dma_start3A_555] : memref<8x!tpu.dma_semaphore, #tpu.memory_space<semaphore_mem>> -> memref<1x!tpu.dma_semaphore, #tpu.memory_space<semaphore_mem>>
        %dma_start3A_567 = tpu.memref_squeeze %dma_start3A_566 : memref<1x!tpu.dma_semaphore, #tpu.memory_space<semaphore_mem>> -> memref<!tpu.dma_semaphore, #tpu.memory_space<semaphore_mem>>
        tpu.enqueue_indirect_dma source(%dma_start3A_565 : memref<10240x16xf32, #tpu.memory_space<hbm>>) target(%dma_start3A_559 : memref<128x16xf32, #tpu.memory_space<vmem>>) offsets(%dma_start3A_562 : memref<128xi32, #tpu.memory_space<vmem>>) semaphore(%dma_start3A_567 : memref<!tpu.dma_semaphore, #tpu.memory_space<semaphore_mem>>)
      } else {
      }
      %dma_wait3A_490 = arith.constant 5 : i32
      %dma_wait3A_491 = arith.constant 5 : i32
      %dma_wait3A_492 = arith.constant 0 : i32
      %dma_wait3A_493 = arith.constant 0 : i32
      %dma_wait3A_494 = tpu.memref_slice %arg8[%dma_wait3A_490, %dma_wait3A_492, %dma_wait3A_493] : memref<8x128x16xf32, #tpu.memory_space<vmem>> -> memref<1x128x16xf32, #tpu.memory_space<vmem>>
      %dma_wait3A_495 = tpu.memref_squeeze %dma_wait3A_494 : memref<1x128x16xf32, #tpu.memory_space<vmem>> -> memref<128x16xf32, #tpu.memory_space<vmem>>
      %dma_wait3A_496 = arith.constant 0 : i32
      %dma_wait3A_497 = tpu.memref_slice %arg7[%add3A_305, %dma_wait3A_496] : memref<80x128xi32, #tpu.memory_space<vmem>> -> memref<1x128xi32, #tpu.memory_space<vmem>>
      %dma_wait3A_498 = tpu.memref_squeeze %dma_wait3A_497 : memref<1x128xi32, #tpu.memory_space<vmem>> -> memref<128xi32, #tpu.memory_space<vmem>>
      %dma_wait3A_499 = arith.constant 0 : i32
      %dma_wait3A_500 = arith.constant 0 : i32
      %dma_wait3A_501 = tpu.memref_slice %arg10[%dma_wait3A_499, %dma_wait3A_500] : memref<10240x16xf32, #tpu.memory_space<vmem_shared>> -> memref<10240x16xf32, #tpu.memory_space<vmem_shared>>
      %dma_wait3A_502 = tpu.memref_slice %arg12[%dma_wait3A_491] : memref<8x!tpu.dma_semaphore, #tpu.memory_space<semaphore_mem>> -> memref<1x!tpu.dma_semaphore, #tpu.memory_space<semaphore_mem>>
      %dma_wait3A_503 = tpu.memref_squeeze %dma_wait3A_502 : memref<1x!tpu.dma_semaphore, #tpu.memory_space<semaphore_mem>> -> memref<!tpu.dma_semaphore, #tpu.memory_space<semaphore_mem>>
      tpu.wait_indirect_dma semaphore(%dma_wait3A_503 : memref<!tpu.dma_semaphore, #tpu.memory_space<semaphore_mem>>) src(%dma_wait3A_495 : memref<128x16xf32, #tpu.memory_space<vmem>>) dst(%dma_wait3A_501 : memref<10240x16xf32, #tpu.memory_space<vmem_shared>>)
      %lt3A_504 = arith.constant 9 : i32
      %lt3A_505 = arith.cmpi slt, %scan3A_141, %lt3A_504 : i32
      %convert_element_type3A_506 = arith.extui %lt3A_505 : i1 to i32
      %cond3A_507 = arith.constant 0 : i32
      %cond3A_508 = arith.cmpi ne, %convert_element_type3A_506, %cond3A_507 : i32
      scf.if %cond3A_508 {
        %add3A_548 = arith.constant 1 : i32
        %add3A_549 = arith.addi %scan3A_141, %add3A_548 : i32
        %mul3A_550 = arith.constant 8 : i32
        %mul3A_551 = arith.muli %add3A_549, %mul3A_550 : i32
        %add3A_552 = arith.constant 5 : i32
        %add3A_553 = arith.addi %mul3A_551, %add3A_552 : i32
        %dma_start3A_554 = arith.constant 5 : i32
        %dma_start3A_555 = arith.constant 5 : i32
        %dma_start3A_556 = arith.constant 0 : i32
        %dma_start3A_557 = arith.constant 0 : i32
        %dma_start3A_558 = tpu.memref_slice %arg8[%dma_start3A_554, %dma_start3A_556, %dma_start3A_557] : memref<8x128x16xf32, #tpu.memory_space<vmem>> -> memref<1x128x16xf32, #tpu.memory_space<vmem>>
        %dma_start3A_559 = tpu.memref_squeeze %dma_start3A_558 : memref<1x128x16xf32, #tpu.memory_space<vmem>> -> memref<128x16xf32, #tpu.memory_space<vmem>>
        %dma_start3A_560 = arith.constant 0 : i32
        %dma_start3A_561 = tpu.memref_slice %arg6[%add3A_553, %dma_start3A_560] : memref<80x128xi32, #tpu.memory_space<vmem>> -> memref<1x128xi32, #tpu.memory_space<vmem>>
        %dma_start3A_562 = tpu.memref_squeeze %dma_start3A_561 : memref<1x128xi32, #tpu.memory_space<vmem>> -> memref<128xi32, #tpu.memory_space<vmem>>
        %dma_start3A_563 = arith.constant 0 : i32
        %dma_start3A_564 = arith.constant 0 : i32
        %dma_start3A_565 = tpu.memref_slice %arg2[%dma_start3A_563, %dma_start3A_564] : memref<10240x16xf32, #tpu.memory_space<hbm>> -> memref<10240x16xf32, #tpu.memory_space<hbm>>
        %dma_start3A_566 = tpu.memref_slice %arg11[%dma_start3A_555] : memref<8x!tpu.dma_semaphore, #tpu.memory_space<semaphore_mem>> -> memref<1x!tpu.dma_semaphore, #tpu.memory_space<semaphore_mem>>
        %dma_start3A_567 = tpu.memref_squeeze %dma_start3A_566 : memref<1x!tpu.dma_semaphore, #tpu.memory_space<semaphore_mem>> -> memref<!tpu.dma_semaphore, #tpu.memory_space<semaphore_mem>>
        tpu.enqueue_indirect_dma source(%dma_start3A_565 : memref<10240x16xf32, #tpu.memory_space<hbm>>) target(%dma_start3A_559 : memref<128x16xf32, #tpu.memory_space<vmem>>) offsets(%dma_start3A_562 : memref<128xi32, #tpu.memory_space<vmem>>) semaphore(%dma_start3A_567 : memref<!tpu.dma_semaphore, #tpu.memory_space<semaphore_mem>>)
      } else {
      }
      %dma_wait3A_509 = arith.constant 6 : i32
      %dma_wait3A_510 = arith.constant 6 : i32
      %dma_wait3A_511 = arith.constant 0 : i32
      %dma_wait3A_512 = arith.constant 0 : i32
      %dma_wait3A_513 = tpu.memref_slice %arg8[%dma_wait3A_509, %dma_wait3A_511, %dma_wait3A_512] : memref<8x128x16xf32, #tpu.memory_space<vmem>> -> memref<1x128x16xf32, #tpu.memory_space<vmem>>
      %dma_wait3A_514 = tpu.memref_squeeze %dma_wait3A_513 : memref<1x128x16xf32, #tpu.memory_space<vmem>> -> memref<128x16xf32, #tpu.memory_space<vmem>>
      %dma_wait3A_515 = arith.constant 0 : i32
      %dma_wait3A_516 = tpu.memref_slice %arg7[%add3A_337, %dma_wait3A_515] : memref<80x128xi32, #tpu.memory_space<vmem>> -> memref<1x128xi32, #tpu.memory_space<vmem>>
      %dma_wait3A_517 = tpu.memref_squeeze %dma_wait3A_516 : memref<1x128xi32, #tpu.memory_space<vmem>> -> memref<128xi32, #tpu.memory_space<vmem>>
      %dma_wait3A_518 = arith.constant 0 : i32
      %dma_wait3A_519 = arith.constant 0 : i32
      %dma_wait3A_520 = tpu.memref_slice %arg10[%dma_wait3A_518, %dma_wait3A_519] : memref<10240x16xf32, #tpu.memory_space<vmem_shared>> -> memref<10240x16xf32, #tpu.memory_space<vmem_shared>>
      %dma_wait3A_521 = tpu.memref_slice %arg12[%dma_wait3A_510] : memref<8x!tpu.dma_semaphore, #tpu.memory_space<semaphore_mem>> -> memref<1x!tpu.dma_semaphore, #tpu.memory_space<semaphore_mem>>
      %dma_wait3A_522 = tpu.memref_squeeze %dma_wait3A_521 : memref<1x!tpu.dma_semaphore, #tpu.memory_space<semaphore_mem>> -> memref<!tpu.dma_semaphore, #tpu.memory_space<semaphore_mem>>
      tpu.wait_indirect_dma semaphore(%dma_wait3A_522 : memref<!tpu.dma_semaphore, #tpu.memory_space<semaphore_mem>>) src(%dma_wait3A_514 : memref<128x16xf32, #tpu.memory_space<vmem>>) dst(%dma_wait3A_520 : memref<10240x16xf32, #tpu.memory_space<vmem_shared>>)
      %lt3A_523 = arith.constant 9 : i32
      %lt3A_524 = arith.cmpi slt, %scan3A_141, %lt3A_523 : i32
      %convert_element_type3A_525 = arith.extui %lt3A_524 : i1 to i32
      %cond3A_526 = arith.constant 0 : i32
      %cond3A_527 = arith.cmpi ne, %convert_element_type3A_525, %cond3A_526 : i32
      scf.if %cond3A_527 {
        %add3A_548 = arith.constant 1 : i32
        %add3A_549 = arith.addi %scan3A_141, %add3A_548 : i32
        %mul3A_550 = arith.constant 8 : i32
        %mul3A_551 = arith.muli %add3A_549, %mul3A_550 : i32
        %add3A_552 = arith.constant 6 : i32
        %add3A_553 = arith.addi %mul3A_551, %add3A_552 : i32
        %dma_start3A_554 = arith.constant 6 : i32
        %dma_start3A_555 = arith.constant 6 : i32
        %dma_start3A_556 = arith.constant 0 : i32
        %dma_start3A_557 = arith.constant 0 : i32
        %dma_start3A_558 = tpu.memref_slice %arg8[%dma_start3A_554, %dma_start3A_556, %dma_start3A_557] : memref<8x128x16xf32, #tpu.memory_space<vmem>> -> memref<1x128x16xf32, #tpu.memory_space<vmem>>
        %dma_start3A_559 = tpu.memref_squeeze %dma_start3A_558 : memref<1x128x16xf32, #tpu.memory_space<vmem>> -> memref<128x16xf32, #tpu.memory_space<vmem>>
        %dma_start3A_560 = arith.constant 0 : i32
        %dma_start3A_561 = tpu.memref_slice %arg6[%add3A_553, %dma_start3A_560] : memref<80x128xi32, #tpu.memory_space<vmem>> -> memref<1x128xi32, #tpu.memory_space<vmem>>
        %dma_start3A_562 = tpu.memref_squeeze %dma_start3A_561 : memref<1x128xi32, #tpu.memory_space<vmem>> -> memref<128xi32, #tpu.memory_space<vmem>>
        %dma_start3A_563 = arith.constant 0 : i32
        %dma_start3A_564 = arith.constant 0 : i32
        %dma_start3A_565 = tpu.memref_slice %arg2[%dma_start3A_563, %dma_start3A_564] : memref<10240x16xf32, #tpu.memory_space<hbm>> -> memref<10240x16xf32, #tpu.memory_space<hbm>>
        %dma_start3A_566 = tpu.memref_slice %arg11[%dma_start3A_555] : memref<8x!tpu.dma_semaphore, #tpu.memory_space<semaphore_mem>> -> memref<1x!tpu.dma_semaphore, #tpu.memory_space<semaphore_mem>>
        %dma_start3A_567 = tpu.memref_squeeze %dma_start3A_566 : memref<1x!tpu.dma_semaphore, #tpu.memory_space<semaphore_mem>> -> memref<!tpu.dma_semaphore, #tpu.memory_space<semaphore_mem>>
        tpu.enqueue_indirect_dma source(%dma_start3A_565 : memref<10240x16xf32, #tpu.memory_space<hbm>>) target(%dma_start3A_559 : memref<128x16xf32, #tpu.memory_space<vmem>>) offsets(%dma_start3A_562 : memref<128xi32, #tpu.memory_space<vmem>>) semaphore(%dma_start3A_567 : memref<!tpu.dma_semaphore, #tpu.memory_space<semaphore_mem>>)
      } else {
      }
      %dma_wait3A_528 = arith.constant 7 : i32
      %dma_wait3A_529 = arith.constant 7 : i32
      %dma_wait3A_530 = arith.constant 0 : i32
      %dma_wait3A_531 = arith.constant 0 : i32
      %dma_wait3A_532 = tpu.memref_slice %arg8[%dma_wait3A_528, %dma_wait3A_530, %dma_wait3A_531] : memref<8x128x16xf32, #tpu.memory_space<vmem>> -> memref<1x128x16xf32, #tpu.memory_space<vmem>>
      %dma_wait3A_533 = tpu.memref_squeeze %dma_wait3A_532 : memref<1x128x16xf32, #tpu.memory_space<vmem>> -> memref<128x16xf32, #tpu.memory_space<vmem>>
      %dma_wait3A_534 = arith.constant 0 : i32
      %dma_wait3A_535 = tpu.memref_slice %arg7[%add3A_369, %dma_wait3A_534] : memref<80x128xi32, #tpu.memory_space<vmem>> -> memref<1x128xi32, #tpu.memory_space<vmem>>
      %dma_wait3A_536 = tpu.memref_squeeze %dma_wait3A_535 : memref<1x128xi32, #tpu.memory_space<vmem>> -> memref<128xi32, #tpu.memory_space<vmem>>
      %dma_wait3A_537 = arith.constant 0 : i32
      %dma_wait3A_538 = arith.constant 0 : i32
      %dma_wait3A_539 = tpu.memref_slice %arg10[%dma_wait3A_537, %dma_wait3A_538] : memref<10240x16xf32, #tpu.memory_space<vmem_shared>> -> memref<10240x16xf32, #tpu.memory_space<vmem_shared>>
      %dma_wait3A_540 = tpu.memref_slice %arg12[%dma_wait3A_529] : memref<8x!tpu.dma_semaphore, #tpu.memory_space<semaphore_mem>> -> memref<1x!tpu.dma_semaphore, #tpu.memory_space<semaphore_mem>>
      %dma_wait3A_541 = tpu.memref_squeeze %dma_wait3A_540 : memref<1x!tpu.dma_semaphore, #tpu.memory_space<semaphore_mem>> -> memref<!tpu.dma_semaphore, #tpu.memory_space<semaphore_mem>>
      tpu.wait_indirect_dma semaphore(%dma_wait3A_541 : memref<!tpu.dma_semaphore, #tpu.memory_space<semaphore_mem>>) src(%dma_wait3A_533 : memref<128x16xf32, #tpu.memory_space<vmem>>) dst(%dma_wait3A_539 : memref<10240x16xf32, #tpu.memory_space<vmem_shared>>)
      %lt3A_542 = arith.constant 9 : i32
      %lt3A_543 = arith.cmpi slt, %scan3A_141, %lt3A_542 : i32
      %convert_element_type3A_544 = arith.extui %lt3A_543 : i1 to i32
      %cond3A_545 = arith.constant 0 : i32
      %cond3A_546 = arith.cmpi ne, %convert_element_type3A_544, %cond3A_545 : i32
      scf.if %cond3A_546 {
        %add3A_548 = arith.constant 1 : i32
        %add3A_549 = arith.addi %scan3A_141, %add3A_548 : i32
        %mul3A_550 = arith.constant 8 : i32
        %mul3A_551 = arith.muli %add3A_549, %mul3A_550 : i32
        %add3A_552 = arith.constant 7 : i32
        %add3A_553 = arith.addi %mul3A_551, %add3A_552 : i32
        %dma_start3A_554 = arith.constant 7 : i32
        %dma_start3A_555 = arith.constant 7 : i32
        %dma_start3A_556 = arith.constant 0 : i32
        %dma_start3A_557 = arith.constant 0 : i32
        %dma_start3A_558 = tpu.memref_slice %arg8[%dma_start3A_554, %dma_start3A_556, %dma_start3A_557] : memref<8x128x16xf32, #tpu.memory_space<vmem>> -> memref<1x128x16xf32, #tpu.memory_space<vmem>>
        %dma_start3A_559 = tpu.memref_squeeze %dma_start3A_558 : memref<1x128x16xf32, #tpu.memory_space<vmem>> -> memref<128x16xf32, #tpu.memory_space<vmem>>
        %dma_start3A_560 = arith.constant 0 : i32
        %dma_start3A_561 = tpu.memref_slice %arg6[%add3A_553, %dma_start3A_560] : memref<80x128xi32, #tpu.memory_space<vmem>> -> memref<1x128xi32, #tpu.memory_space<vmem>>
        %dma_start3A_562 = tpu.memref_squeeze %dma_start3A_561 : memref<1x128xi32, #tpu.memory_space<vmem>> -> memref<128xi32, #tpu.memory_space<vmem>>
        %dma_start3A_563 = arith.constant 0 : i32
        %dma_start3A_564 = arith.constant 0 : i32
        %dma_start3A_565 = tpu.memref_slice %arg2[%dma_start3A_563, %dma_start3A_564] : memref<10240x16xf32, #tpu.memory_space<hbm>> -> memref<10240x16xf32, #tpu.memory_space<hbm>>
        %dma_start3A_566 = tpu.memref_slice %arg11[%dma_start3A_555] : memref<8x!tpu.dma_semaphore, #tpu.memory_space<semaphore_mem>> -> memref<1x!tpu.dma_semaphore, #tpu.memory_space<semaphore_mem>>
        %dma_start3A_567 = tpu.memref_squeeze %dma_start3A_566 : memref<1x!tpu.dma_semaphore, #tpu.memory_space<semaphore_mem>> -> memref<!tpu.dma_semaphore, #tpu.memory_space<semaphore_mem>>
        tpu.enqueue_indirect_dma source(%dma_start3A_565 : memref<10240x16xf32, #tpu.memory_space<hbm>>) target(%dma_start3A_559 : memref<128x16xf32, #tpu.memory_space<vmem>>) offsets(%dma_start3A_562 : memref<128xi32, #tpu.memory_space<vmem>>) semaphore(%dma_start3A_567 : memref<!tpu.dma_semaphore, #tpu.memory_space<semaphore_mem>>)
      } else {
      }
      %scan3A_547 = arith.constant 0 : i32
      scf.yield %scan3A_547 : i32
    }
    %scan3A_135 = arith.constant 10 : i32
    %barrier3A_136 = arith.constant 0 : index
    tpu.barrier barrier_id(%barrier3A_136)
    %mul3A_137 = arith.constant 640 : i32
    %mul3A_138 = arith.muli %arg1, %mul3A_137 : i32
    %mul3A_139 = arith.constant 640 : i32
    %mul3A_140 = arith.muli %arg1, %mul3A_139 : i32
    "tpu.region"() ({
      %run_scoped3A = tpu.sem_alloc : memref<!tpu.dma_semaphore, #tpu.memory_space<semaphore_mem>>
      %dma_start3A_141 = arith.constant 0 : i32
      %dma_start3A_142 = arith.constant 0 : i32
      %dma_start3A_143 = tpu.memref_slice %arg5[%arg0, %dma_start3A_141, %dma_start3A_142] : memref<2x10240x16xf32, #tpu.memory_space<hbm>> -> memref<1x10240x16xf32, #tpu.memory_space<hbm>>
      %dma_start3A_144 = tpu.memref_squeeze %dma_start3A_143 : memref<1x10240x16xf32, #tpu.memory_space<hbm>> -> memref<10240x16xf32, #tpu.memory_space<hbm>>
      %dma_start3A_145 = arith.constant 0 : i32
      %dma_start3A_146 = tpu.memref_slice %dma_start3A_144[%mul3A_140, %dma_start3A_145] : memref<10240x16xf32, #tpu.memory_space<hbm>> -> memref<640x16xf32, #tpu.memory_space<hbm>>
      %dma_start3A_147 = arith.constant 0 : i32
      %dma_start3A_148 = tpu.memref_slice %arg10[%mul3A_138, %dma_start3A_147] : memref<10240x16xf32, #tpu.memory_space<vmem_shared>> -> memref<640x16xf32, #tpu.memory_space<vmem_shared>>
      tpu.enqueue_dma source(%dma_start3A_148 : memref<640x16xf32, #tpu.memory_space<vmem_shared>>) target(%dma_start3A_146 : memref<640x16xf32, #tpu.memory_space<hbm>>) target_semaphore(%run_scoped3A : memref<!tpu.dma_semaphore, #tpu.memory_space<semaphore_mem>>)
      %dma_wait3A = arith.constant 0 : i32
      %dma_wait3A_149 = arith.constant 0 : i32
      %dma_wait3A_150 = tpu.memref_slice %arg5[%arg0, %dma_wait3A, %dma_wait3A_149] : memref<2x10240x16xf32, #tpu.memory_space<hbm>> -> memref<1x10240x16xf32, #tpu.memory_space<hbm>>
      %dma_wait3A_151 = tpu.memref_squeeze %dma_wait3A_150 : memref<1x10240x16xf32, #tpu.memory_space<hbm>> -> memref<10240x16xf32, #tpu.memory_space<hbm>>
      %dma_wait3A_152 = arith.constant 0 : i32
      %dma_wait3A_153 = tpu.memref_slice %dma_wait3A_151[%mul3A_140, %dma_wait3A_152] : memref<10240x16xf32, #tpu.memory_space<hbm>> -> memref<640x16xf32, #tpu.memory_space<hbm>>
      %dma_wait3A_154 = arith.constant 0 : i32
      %dma_wait3A_155 = tpu.memref_slice %arg10[%mul3A_138, %dma_wait3A_154] : memref<10240x16xf32, #tpu.memory_space<vmem_shared>> -> memref<640x16xf32, #tpu.memory_space<vmem_shared>>
      tpu.wait_dma2 semaphore(%run_scoped3A : memref<!tpu.dma_semaphore, #tpu.memory_space<semaphore_mem>>) src(%dma_wait3A_155 : memref<640x16xf32, #tpu.memory_space<vmem_shared>>) dst(%dma_wait3A_153 : memref<640x16xf32, #tpu.memory_space<hbm>>)
      tpu.yield
    }) : () -> ()
    return
  }
}

#map = affine_map<(d0, d1) -> (0, 0, 0)>
module attributes {stable_mosaic.version = 14 : i64} {
  func.func @k(%arg0: i32, %arg1: i32, %arg2: memref<32x80x128xi32, #tpu.memory_space<hbm>>, %arg3: memref<2x10240x16xf32, #tpu.memory_space<hbm>>, %arg4: memref<128x16xf32, #tpu.memory_space<vmem>>, %arg5: memref<80x128xi32, #tpu.memory_space<vmem>>, %arg6: memref<640x16xf32, #tpu.memory_space<vmem>>, %arg7: memref<10240x16xf32, #tpu.memory_space<vmem_shared>>, %arg8: memref<!tpu.dma_semaphore, #tpu.memory_space<semaphore_mem>>) attributes {dimension_semantics = [#tpu.dimension_semantics<core_parallel>, #tpu.dimension_semantics<subcore_parallel>], iteration_bounds = array<i64: 2, 16>, scalar_prefetch = 0 : i64, scratch_operands = 5 : i64, tpu.core_type = #tpu.core_type<sc_vector_subcore>, window_params = [{transform_indices = #map}, {transform_indices = #map}]} {
    %mul3A = arith.constant 16 : i32
    %mul3A_0 = arith.muli %arg0, %mul3A : i32
    %add3A = arith.addi %mul3A_0, %arg1 : i32
    %broadcast_in_dim3A = arith.constant 1.000000e+00 : f32
    %broadcast_in_dim3A_1 = vector.broadcast %broadcast_in_dim3A : f32 to vector<16xf32>
    %broadcast_in_dim3A_2 = arith.constant 0.000000e+00 : f32
    %broadcast_in_dim3A_3 = vector.broadcast %broadcast_in_dim3A_2 : f32 to vector<16xf32>
    %scan3A = arith.constant 0 : i32
    %scan3A_4 = arith.constant 0 : i32
    %scan3A_5 = arith.constant 128 : i32
    %scan3A_6 = arith.addi %scan3A_4, %scan3A_5 : i32
    %scan3A_7 = arith.constant 1 : i32
    %scan3A_8 = scf.for %scan3A_38 = %scan3A_4 to %scan3A_6 step %scan3A_7 iter_args(%scan3A_39 = %scan3A) -> (i32)  : i32 {
      %swap3A = arith.index_cast %scan3A_38 : i32 to index
      %swap3A_40 = arith.constant 0 : index
      %swap3A_41 = tpu.vector_load %arg4[%swap3A, %swap3A_40] {strides = array<i32>} : memref<128x16xf32, #tpu.memory_space<vmem>>, vector<1x16xf32>,
      %swap3A_42 = vector.shape_cast %swap3A_41 : vector<1x16xf32> to vector<16xf32>
      %swap3A_43 = vector.shape_cast %broadcast_in_dim3A_1 : vector<16xf32> to vector<1x16xf32>
      tpu.vector_store %arg4[%swap3A, %swap3A_40], %swap3A_43 {strides = array<i32>} : memref<128x16xf32, #tpu.memory_space<vmem>>, vector<1x16xf32>,
      %swap3A_44 = arith.index_cast %scan3A_38 : i32 to index
      %swap3A_45 = arith.constant 0 : index
      %swap3A_46 = tpu.vector_load %arg6[%swap3A_44, %swap3A_45] {strides = array<i32>} : memref<640x16xf32, #tpu.memory_space<vmem>>, vector<1x16xf32>,
      %swap3A_47 = vector.shape_cast %swap3A_46 : vector<1x16xf32> to vector<16xf32>
      %swap3A_48 = vector.shape_cast %broadcast_in_dim3A_3 : vector<16xf32> to vector<1x16xf32>
      tpu.vector_store %arg6[%swap3A_44, %swap3A_45], %swap3A_48 {strides = array<i32>} : memref<640x16xf32, #tpu.memory_space<vmem>>, vector<1x16xf32>,
      %scan3A_49 = arith.constant 0 : i32
      scf.yield %scan3A_49 : i32
    }
    %scan3A_9 = arith.constant 128 : i32
    %scan3A_10 = arith.constant 0 : i32
    %scan3A_11 = arith.constant 128 : i32
    %scan3A_12 = arith.constant 512 : i32
    %scan3A_13 = arith.addi %scan3A_11, %scan3A_12 : i32
    %scan3A_14 = arith.constant 1 : i32
    %scan3A_15 = scf.for %scan3A_38 = %scan3A_11 to %scan3A_13 step %scan3A_14 iter_args(%scan3A_39 = %scan3A_10) -> (i32)  : i32 {
      %swap3A = arith.index_cast %scan3A_38 : i32 to index
      %swap3A_40 = arith.constant 0 : index
      %swap3A_41 = tpu.vector_load %arg6[%swap3A, %swap3A_40] {strides = array<i32>} : memref<640x16xf32, #tpu.memory_space<vmem>>, vector<1x16xf32>,
      %swap3A_42 = vector.shape_cast %swap3A_41 : vector<1x16xf32> to vector<16xf32>
      %swap3A_43 = vector.shape_cast %broadcast_in_dim3A_3 : vector<16xf32> to vector<1x16xf32>
      tpu.vector_store %arg6[%swap3A, %swap3A_40], %swap3A_43 {strides = array<i32>} : memref<640x16xf32, #tpu.memory_space<vmem>>, vector<1x16xf32>,
      %scan3A_44 = arith.constant 0 : i32
      scf.yield %scan3A_44 : i32
    }
    %scan3A_16 = arith.constant 512 : i32
    %mul3A_17 = arith.constant 640 : i32
    %mul3A_18 = arith.muli %arg1, %mul3A_17 : i32
    "tpu.region"() ({
      %run_scoped3A = tpu.sem_alloc : memref<!tpu.dma_semaphore, #tpu.memory_space<semaphore_mem>>
      %dma_start3A = arith.constant 0 : i32
      %dma_start3A_38 = tpu.memref_slice %arg7[%mul3A_18, %dma_start3A] : memref<10240x16xf32, #tpu.memory_space<vmem_shared>> -> memref<640x16xf32, #tpu.memory_space<vmem_shared>>
      %dma_start3A_39 = arith.constant 0 : i32
      %dma_start3A_40 = tpu.memref_slice %arg7[%mul3A_18, %dma_start3A_39] : memref<10240x16xf32, #tpu.memory_space<vmem_shared>> -> memref<640x16xf32, #tpu.memory_space<vmem_shared>>
      tpu.enqueue_dma source(%arg6 : memref<640x16xf32, #tpu.memory_space<vmem>>) target(%dma_start3A_40 : memref<640x16xf32, #tpu.memory_space<vmem_shared>>) target_semaphore(%run_scoped3A : memref<!tpu.dma_semaphore, #tpu.memory_space<semaphore_mem>>)
      %dma_wait3A = arith.constant 0 : i32
      %dma_wait3A_41 = tpu.memref_slice %arg7[%mul3A_18, %dma_wait3A] : memref<10240x16xf32, #tpu.memory_space<vmem_shared>> -> memref<640x16xf32, #tpu.memory_space<vmem_shared>>
      %dma_wait3A_42 = arith.constant 0 : i32
      %dma_wait3A_43 = tpu.memref_slice %arg7[%mul3A_18, %dma_wait3A_42] : memref<10240x16xf32, #tpu.memory_space<vmem_shared>> -> memref<640x16xf32, #tpu.memory_space<vmem_shared>>
      tpu.wait_dma2 semaphore(%run_scoped3A : memref<!tpu.dma_semaphore, #tpu.memory_space<semaphore_mem>>) src(%arg6 : memref<640x16xf32, #tpu.memory_space<vmem>>) dst(%dma_wait3A_43 : memref<640x16xf32, #tpu.memory_space<vmem_shared>>)
      tpu.yield
    }) : () -> ()
    "tpu.region"() ({
      %run_scoped3A = tpu.sem_alloc : memref<!tpu.dma_semaphore, #tpu.memory_space<semaphore_mem>>
      %dma_start3A = arith.constant 0 : i32
      %dma_start3A_38 = arith.constant 0 : i32
      %dma_start3A_39 = tpu.memref_slice %arg2[%add3A, %dma_start3A, %dma_start3A_38] : memref<32x80x128xi32, #tpu.memory_space<hbm>> -> memref<1x80x128xi32, #tpu.memory_space<hbm>>
      %dma_start3A_40 = tpu.memref_squeeze %dma_start3A_39 : memref<1x80x128xi32, #tpu.memory_space<hbm>> -> memref<80x128xi32, #tpu.memory_space<hbm>>
      %dma_start3A_41 = arith.constant 0 : i32
      %dma_start3A_42 = arith.constant 0 : i32
      %dma_start3A_43 = tpu.memref_slice %arg2[%add3A, %dma_start3A_41, %dma_start3A_42] : memref<32x80x128xi32, #tpu.memory_space<hbm>> -> memref<1x80x128xi32, #tpu.memory_space<hbm>>
      %dma_start3A_44 = tpu.memref_squeeze %dma_start3A_43 : memref<1x80x128xi32, #tpu.memory_space<hbm>> -> memref<80x128xi32, #tpu.memory_space<hbm>>
      tpu.enqueue_dma source(%dma_start3A_44 : memref<80x128xi32, #tpu.memory_space<hbm>>) target(%arg5 : memref<80x128xi32, #tpu.memory_space<vmem>>) target_semaphore(%run_scoped3A : memref<!tpu.dma_semaphore, #tpu.memory_space<semaphore_mem>>)
      %dma_wait3A = arith.constant 0 : i32
      %dma_wait3A_45 = arith.constant 0 : i32
      %dma_wait3A_46 = tpu.memref_slice %arg2[%add3A, %dma_wait3A, %dma_wait3A_45] : memref<32x80x128xi32, #tpu.memory_space<hbm>> -> memref<1x80x128xi32, #tpu.memory_space<hbm>>
      %dma_wait3A_47 = tpu.memref_squeeze %dma_wait3A_46 : memref<1x80x128xi32, #tpu.memory_space<hbm>> -> memref<80x128xi32, #tpu.memory_space<hbm>>
      %dma_wait3A_48 = arith.constant 0 : i32
      %dma_wait3A_49 = arith.constant 0 : i32
      %dma_wait3A_50 = tpu.memref_slice %arg2[%add3A, %dma_wait3A_48, %dma_wait3A_49] : memref<32x80x128xi32, #tpu.memory_space<hbm>> -> memref<1x80x128xi32, #tpu.memory_space<hbm>>
      %dma_wait3A_51 = tpu.memref_squeeze %dma_wait3A_50 : memref<1x80x128xi32, #tpu.memory_space<hbm>> -> memref<80x128xi32, #tpu.memory_space<hbm>>
      tpu.wait_dma2 semaphore(%run_scoped3A : memref<!tpu.dma_semaphore, #tpu.memory_space<semaphore_mem>>) src(%dma_wait3A_51 : memref<80x128xi32, #tpu.memory_space<hbm>>) dst(%arg5 : memref<80x128xi32, #tpu.memory_space<vmem>>)
      tpu.yield
    }) : () -> ()
    %barrier3A = arith.constant 0 : index
    tpu.barrier barrier_id(%barrier3A)
    %scan3A_19 = arith.constant 0 : i32
    %scan3A_20 = arith.constant 0 : i32
    %scan3A_21 = arith.constant 80 : i32
    %scan3A_22 = arith.addi %scan3A_20, %scan3A_21 : i32
    %scan3A_23 = arith.constant 1 : i32
    %scan3A_24 = scf.for %scan3A_38 = %scan3A_20 to %scan3A_22 step %scan3A_23 iter_args(%scan3A_39 = %scan3A_19) -> (i32)  : i32 {
      %dma_start3A = arith.constant 0 : i32
      %dma_start3A_40 = tpu.memref_slice %arg5[%scan3A_38, %dma_start3A] : memref<80x128xi32, #tpu.memory_space<vmem>> -> memref<1x128xi32, #tpu.memory_space<vmem>>
      %dma_start3A_41 = tpu.memref_squeeze %dma_start3A_40 : memref<1x128xi32, #tpu.memory_space<vmem>> -> memref<128xi32, #tpu.memory_space<vmem>>
      %dma_start3A_42 = arith.constant 0 : i32
      %dma_start3A_43 = arith.constant 0 : i32
      %dma_start3A_44 = tpu.memref_slice %arg7[%dma_start3A_42, %dma_start3A_43] : memref<10240x16xf32, #tpu.memory_space<vmem_shared>> -> memref<10240x16xf32, #tpu.memory_space<vmem_shared>>
      tpu.enqueue_indirect_dma source(%arg4 : memref<128x16xf32, #tpu.memory_space<vmem>>) target(%dma_start3A_44 : memref<10240x16xf32, #tpu.memory_space<vmem_shared>>) offsets(%dma_start3A_41 : memref<128xi32, #tpu.memory_space<vmem>>) semaphore(%arg8 : memref<!tpu.dma_semaphore, #tpu.memory_space<semaphore_mem>>) {add = true}
      %scan3A_45 = arith.constant 0 : i32
      scf.yield %scan3A_45 : i32
    }
    %scan3A_25 = arith.constant 80 : i32
    %scan3A_26 = arith.constant 0 : i32
    %scan3A_27 = arith.constant 0 : i32
    %scan3A_28 = arith.constant 80 : i32
    %scan3A_29 = arith.addi %scan3A_27, %scan3A_28 : i32
    %scan3A_30 = arith.constant 1 : i32
    %scan3A_31 = scf.for %scan3A_38 = %scan3A_27 to %scan3A_29 step %scan3A_30 iter_args(%scan3A_39 = %scan3A_26) -> (i32)  : i32 {
      %dma_wait3A = arith.constant 0 : i32
      %dma_wait3A_40 = tpu.memref_slice %arg5[%scan3A_38, %dma_wait3A] : memref<80x128xi32, #tpu.memory_space<vmem>> -> memref<1x128xi32, #tpu.memory_space<vmem>>
      %dma_wait3A_41 = tpu.memref_squeeze %dma_wait3A_40 : memref<1x128xi32, #tpu.memory_space<vmem>> -> memref<128xi32, #tpu.memory_space<vmem>>
      %dma_wait3A_42 = arith.constant 0 : i32
      %dma_wait3A_43 = arith.constant 0 : i32
      %dma_wait3A_44 = tpu.memref_slice %arg7[%dma_wait3A_42, %dma_wait3A_43] : memref<10240x16xf32, #tpu.memory_space<vmem_shared>> -> memref<10240x16xf32, #tpu.memory_space<vmem_shared>>
      tpu.wait_indirect_dma semaphore(%arg8 : memref<!tpu.dma_semaphore, #tpu.memory_space<semaphore_mem>>) src(%arg4 : memref<128x16xf32, #tpu.memory_space<vmem>>) dst(%dma_wait3A_44 : memref<10240x16xf32, #tpu.memory_space<vmem_shared>>)
      %scan3A_45 = arith.constant 0 : i32
      scf.yield %scan3A_45 : i32
    }
    %scan3A_32 = arith.constant 80 : i32
    %barrier3A_33 = arith.constant 0 : index
    tpu.barrier barrier_id(%barrier3A_33)
    %mul3A_34 = arith.constant 640 : i32
    %mul3A_35 = arith.muli %arg1, %mul3A_34 : i32
    %mul3A_36 = arith.constant 640 : i32
    %mul3A_37 = arith.muli %arg1, %mul3A_36 : i32
    "tpu.region"() ({
      %run_scoped3A = tpu.sem_alloc : memref<!tpu.dma_semaphore, #tpu.memory_space<semaphore_mem>>
      %dma_start3A = arith.constant 0 : i32
      %dma_start3A_38 = arith.constant 0 : i32
      %dma_start3A_39 = tpu.memref_slice %arg3[%arg0, %dma_start3A, %dma_start3A_38] : memref<2x10240x16xf32, #tpu.memory_space<hbm>> -> memref<1x10240x16xf32, #tpu.memory_space<hbm>>
      %dma_start3A_40 = tpu.memref_squeeze %dma_start3A_39 : memref<1x10240x16xf32, #tpu.memory_space<hbm>> -> memref<10240x16xf32, #tpu.memory_space<hbm>>
      %dma_start3A_41 = arith.constant 0 : i32
      %dma_start3A_42 = tpu.memref_slice %dma_start3A_40[%mul3A_37, %dma_start3A_41] : memref<10240x16xf32, #tpu.memory_space<hbm>> -> memref<640x16xf32, #tpu.memory_space<hbm>>
      %dma_start3A_43 = arith.constant 0 : i32
      %dma_start3A_44 = tpu.memref_slice %arg7[%mul3A_35, %dma_start3A_43] : memref<10240x16xf32, #tpu.memory_space<vmem_shared>> -> memref<640x16xf32, #tpu.memory_space<vmem_shared>>
      tpu.enqueue_dma source(%dma_start3A_44 : memref<640x16xf32, #tpu.memory_space<vmem_shared>>) target(%dma_start3A_42 : memref<640x16xf32, #tpu.memory_space<hbm>>) target_semaphore(%run_scoped3A : memref<!tpu.dma_semaphore, #tpu.memory_space<semaphore_mem>>)
      %dma_wait3A = arith.constant 0 : i32
      %dma_wait3A_45 = arith.constant 0 : i32
      %dma_wait3A_46 = tpu.memref_slice %arg3[%arg0, %dma_wait3A, %dma_wait3A_45] : memref<2x10240x16xf32, #tpu.memory_space<hbm>> -> memref<1x10240x16xf32, #tpu.memory_space<hbm>>
      %dma_wait3A_47 = tpu.memref_squeeze %dma_wait3A_46 : memref<1x10240x16xf32, #tpu.memory_space<hbm>> -> memref<10240x16xf32, #tpu.memory_space<hbm>>
      %dma_wait3A_48 = arith.constant 0 : i32
      %dma_wait3A_49 = tpu.memref_slice %dma_wait3A_47[%mul3A_37, %dma_wait3A_48] : memref<10240x16xf32, #tpu.memory_space<hbm>> -> memref<640x16xf32, #tpu.memory_space<hbm>>
      %dma_wait3A_50 = arith.constant 0 : i32
      %dma_wait3A_51 = tpu.memref_slice %arg7[%mul3A_35, %dma_wait3A_50] : memref<10240x16xf32, #tpu.memory_space<vmem_shared>> -> memref<640x16xf32, #tpu.memory_space<vmem_shared>>
      tpu.wait_dma2 semaphore(%run_scoped3A : memref<!tpu.dma_semaphore, #tpu.memory_space<semaphore_mem>>) src(%dma_wait3A_51 : memref<640x16xf32, #tpu.memory_space<vmem_shared>>) dst(%dma_wait3A_49 : memref<640x16xf32, #tpu.memory_space<hbm>>)
      tpu.yield
    }) : () -> ()
    return
  }
}

#map = affine_map<(d0, d1) -> (0, 0)>
#map1 = affine_map<(d0, d1) -> (0, 0, 0)>
module attributes {stable_mosaic.version = 14 : i64} {
  func.func @k(%arg0: i32, %arg1: i32, %arg2: memref<10240x16xf32, #tpu.memory_space<hbm>>, %arg3: memref<32x80x128xi32, #tpu.memory_space<hbm>>, %arg4: memref<32x80x128xi32, #tpu.memory_space<hbm>>, %arg5: memref<2x10240x16xf32, #tpu.memory_space<hbm>>, %arg6: memref<80x128xi32, #tpu.memory_space<vmem>>, %arg7: memref<80x128xi32, #tpu.memory_space<vmem>>, %arg8: memref<8x128x16xf32, #tpu.memory_space<vmem>>, %arg9: memref<640x16xf32, #tpu.memory_space<vmem>>, %arg10: memref<10240x16xf32, #tpu.memory_space<vmem_shared>>, %arg11: memref<8x!tpu.dma_semaphore, #tpu.memory_space<semaphore_mem>>, %arg12: memref<8x!tpu.dma_semaphore, #tpu.memory_space<semaphore_mem>>) attributes {dimension_semantics = [#tpu.dimension_semantics<core_parallel>, #tpu.dimension_semantics<subcore_parallel>], iteration_bounds = array<i64: 2, 16>, scalar_prefetch = 0 : i64, scratch_operands = 7 : i64, tpu.core_type = #tpu.core_type<sc_vector_subcore>, window_params = [{transform_indices = #map}, {transform_indices = #map1}, {transform_indices = #map1}, {transform_indices = #map1}]} {
    %mul3A = arith.constant 16 : i32
    %mul3A_0 = arith.muli %arg0, %mul3A : i32
    %add3A = arith.addi %mul3A_0, %arg1 : i32
    %broadcast_in_dim3A = arith.constant 0.000000e+00 : f32
    %broadcast_in_dim3A_1 = vector.broadcast %broadcast_in_dim3A : f32 to vector<16xf32>
    %scan3A = arith.constant 0 : i32
    %scan3A_2 = arith.constant 0 : i32
    %scan3A_3 = arith.constant 640 : i32
    %scan3A_4 = arith.addi %scan3A_2, %scan3A_3 : i32
    %scan3A_5 = arith.constant 1 : i32
    %scan3A_6 = scf.for %scan3A_141 = %scan3A_2 to %scan3A_4 step %scan3A_5 iter_args(%scan3A_142 = %scan3A) -> (i32)  : i32 {
      %swap3A = arith.index_cast %scan3A_141 : i32 to index
      %swap3A_143 = arith.constant 0 : index
      %swap3A_144 = tpu.vector_load %arg9[%swap3A, %swap3A_143] {strides = array<i32>} : memref<640x16xf32, #tpu.memory_space<vmem>>, vector<1x16xf32>,
      %swap3A_145 = vector.shape_cast %swap3A_144 : vector<1x16xf32> to vector<16xf32>
      %swap3A_146 = vector.shape_cast %broadcast_in_dim3A_1 : vector<16xf32> to vector<1x16xf32>
      tpu.vector_store %arg9[%swap3A, %swap3A_143], %swap3A_146 {strides = array<i32>} : memref<640x16xf32, #tpu.memory_space<vmem>>, vector<1x16xf32>,
      %scan3A_147 = arith.constant 0 : i32
      scf.yield %scan3A_147 : i32
    }
    %scan3A_7 = arith.constant 640 : i32
    %mul3A_8 = arith.constant 640 : i32
    %mul3A_9 = arith.muli %arg1, %mul3A_8 : i32
    "tpu.region"() ({
      %run_scoped3A = tpu.sem_alloc : memref<!tpu.dma_semaphore, #tpu.memory_space<semaphore_mem>>
      %dma_start3A_141 = arith.constant 0 : i32
      %dma_start3A_142 = tpu.memref_slice %arg10[%mul3A_9, %dma_start3A_141] : memref<10240x16xf32, #tpu.memory_space<vmem_shared>> -> memref<640x16xf32, #tpu.memory_space<vmem_shared>>
      %dma_start3A_143 = arith.constant 0 : i32
      %dma_start3A_144 = tpu.memref_slice %arg10[%mul3A_9, %dma_start3A_143] : memref<10240x16xf32, #tpu.memory_space<vmem_shared>> -> memref<640x16xf32, #tpu.memory_space<vmem_shared>>
      tpu.enqueue_dma source(%arg9 : memref<640x16xf32, #tpu.memory_space<vmem>>) target(%dma_start3A_144 : memref<640x16xf32, #tpu.memory_space<vmem_shared>>) target_semaphore(%run_scoped3A : memref<!tpu.dma_semaphore, #tpu.memory_space<semaphore_mem>>)
      %dma_wait3A = arith.constant 0 : i32
      %dma_wait3A_145 = tpu.memref_slice %arg10[%mul3A_9, %dma_wait3A] : memref<10240x16xf32, #tpu.memory_space<vmem_shared>> -> memref<640x16xf32, #tpu.memory_space<vmem_shared>>
      %dma_wait3A_146 = arith.constant 0 : i32
      %dma_wait3A_147 = tpu.memref_slice %arg10[%mul3A_9, %dma_wait3A_146] : memref<10240x16xf32, #tpu.memory_space<vmem_shared>> -> memref<640x16xf32, #tpu.memory_space<vmem_shared>>
      tpu.wait_dma2 semaphore(%run_scoped3A : memref<!tpu.dma_semaphore, #tpu.memory_space<semaphore_mem>>) src(%arg9 : memref<640x16xf32, #tpu.memory_space<vmem>>) dst(%dma_wait3A_147 : memref<640x16xf32, #tpu.memory_space<vmem_shared>>)
      tpu.yield
    }) : () -> ()
    "tpu.region"() ({
      %run_scoped3A = tpu.sem_alloc : memref<!tpu.dma_semaphore, #tpu.memory_space<semaphore_mem>>
      %dma_start3A_141 = arith.constant 0 : i32
      %dma_start3A_142 = arith.constant 0 : i32
      %dma_start3A_143 = tpu.memref_slice %arg3[%add3A, %dma_start3A_141, %dma_start3A_142] : memref<32x80x128xi32, #tpu.memory_space<hbm>> -> memref<1x80x128xi32, #tpu.memory_space<hbm>>
      %dma_start3A_144 = tpu.memref_squeeze %dma_start3A_143 : memref<1x80x128xi32, #tpu.memory_space<hbm>> -> memref<80x128xi32, #tpu.memory_space<hbm>>
      %dma_start3A_145 = arith.constant 0 : i32
      %dma_start3A_146 = arith.constant 0 : i32
      %dma_start3A_147 = tpu.memref_slice %arg3[%add3A, %dma_start3A_145, %dma_start3A_146] : memref<32x80x128xi32, #tpu.memory_space<hbm>> -> memref<1x80x128xi32, #tpu.memory_space<hbm>>
      %dma_start3A_148 = tpu.memref_squeeze %dma_start3A_147 : memref<1x80x128xi32, #tpu.memory_space<hbm>> -> memref<80x128xi32, #tpu.memory_space<hbm>>
      tpu.enqueue_dma source(%dma_start3A_148 : memref<80x128xi32, #tpu.memory_space<hbm>>) target(%arg6 : memref<80x128xi32, #tpu.memory_space<vmem>>) target_semaphore(%run_scoped3A : memref<!tpu.dma_semaphore, #tpu.memory_space<semaphore_mem>>)
      %dma_wait3A = arith.constant 0 : i32
      %dma_wait3A_149 = arith.constant 0 : i32
      %dma_wait3A_150 = tpu.memref_slice %arg3[%add3A, %dma_wait3A, %dma_wait3A_149] : memref<32x80x128xi32, #tpu.memory_space<hbm>> -> memref<1x80x128xi32, #tpu.memory_space<hbm>>
      %dma_wait3A_151 = tpu.memref_squeeze %dma_wait3A_150 : memref<1x80x128xi32, #tpu.memory_space<hbm>> -> memref<80x128xi32, #tpu.memory_space<hbm>>
      %dma_wait3A_152 = arith.constant 0 : i32
      %dma_wait3A_153 = arith.constant 0 : i32
      %dma_wait3A_154 = tpu.memref_slice %arg3[%add3A, %dma_wait3A_152, %dma_wait3A_153] : memref<32x80x128xi32, #tpu.memory_space<hbm>> -> memref<1x80x128xi32, #tpu.memory_space<hbm>>
      %dma_wait3A_155 = tpu.memref_squeeze %dma_wait3A_154 : memref<1x80x128xi32, #tpu.memory_space<hbm>> -> memref<80x128xi32, #tpu.memory_space<hbm>>
      tpu.wait_dma2 semaphore(%run_scoped3A : memref<!tpu.dma_semaphore, #tpu.memory_space<semaphore_mem>>) src(%dma_wait3A_155 : memref<80x128xi32, #tpu.memory_space<hbm>>) dst(%arg6 : memref<80x128xi32, #tpu.memory_space<vmem>>)
      tpu.yield
    }) : () -> ()
    "tpu.region"() ({
      %run_scoped3A = tpu.sem_alloc : memref<!tpu.dma_semaphore, #tpu.memory_space<semaphore_mem>>
      %dma_start3A_141 = arith.constant 0 : i32
      %dma_start3A_142 = arith.constant 0 : i32
      %dma_start3A_143 = tpu.memref_slice %arg4[%add3A, %dma_start3A_141, %dma_start3A_142] : memref<32x80x128xi32, #tpu.memory_space<hbm>> -> memref<1x80x128xi32, #tpu.memory_space<hbm>>
      %dma_start3A_144 = tpu.memref_squeeze %dma_start3A_143 : memref<1x80x128xi32, #tpu.memory_space<hbm>> -> memref<80x128xi32, #tpu.memory_space<hbm>>
      %dma_start3A_145 = arith.constant 0 : i32
      %dma_start3A_146 = arith.constant 0 : i32
      %dma_start3A_147 = tpu.memref_slice %arg4[%add3A, %dma_start3A_145, %dma_start3A_146] : memref<32x80x128xi32, #tpu.memory_space<hbm>> -> memref<1x80x128xi32, #tpu.memory_space<hbm>>
      %dma_start3A_148 = tpu.memref_squeeze %dma_start3A_147 : memref<1x80x128xi32, #tpu.memory_space<hbm>> -> memref<80x128xi32, #tpu.memory_space<hbm>>
      tpu.enqueue_dma source(%dma_start3A_148 : memref<80x128xi32, #tpu.memory_space<hbm>>) target(%arg7 : memref<80x128xi32, #tpu.memory_space<vmem>>) target_semaphore(%run_scoped3A : memref<!tpu.dma_semaphore, #tpu.memory_space<semaphore_mem>>)
      %dma_wait3A = arith.constant 0 : i32
      %dma_wait3A_149 = arith.constant 0 : i32
      %dma_wait3A_150 = tpu.memref_slice %arg4[%add3A, %dma_wait3A, %dma_wait3A_149] : memref<32x80x128xi32, #tpu.memory_space<hbm>> -> memref<1x80x128xi32, #tpu.memory_space<hbm>>
      %dma_wait3A_151 = tpu.memref_squeeze %dma_wait3A_150 : memref<1x80x128xi32, #tpu.memory_space<hbm>> -> memref<80x128xi32, #tpu.memory_space<hbm>>
      %dma_wait3A_152 = arith.constant 0 : i32
      %dma_wait3A_153 = arith.constant 0 : i32
      %dma_wait3A_154 = tpu.memref_slice %arg4[%add3A, %dma_wait3A_152, %dma_wait3A_153] : memref<32x80x128xi32, #tpu.memory_space<hbm>> -> memref<1x80x128xi32, #tpu.memory_space<hbm>>
      %dma_wait3A_155 = tpu.memref_squeeze %dma_wait3A_154 : memref<1x80x128xi32, #tpu.memory_space<hbm>> -> memref<80x128xi32, #tpu.memory_space<hbm>>
      tpu.wait_dma2 semaphore(%run_scoped3A : memref<!tpu.dma_semaphore, #tpu.memory_space<semaphore_mem>>) src(%dma_wait3A_155 : memref<80x128xi32, #tpu.memory_space<hbm>>) dst(%arg7 : memref<80x128xi32, #tpu.memory_space<vmem>>)
      tpu.yield
    }) : () -> ()
    %barrier3A = arith.constant 0 : index
    tpu.barrier barrier_id(%barrier3A)
    %dma_start3A = arith.constant 0 : i32
    %dma_start3A_10 = arith.constant 0 : i32
    %dma_start3A_11 = arith.constant 0 : i32
    %dma_start3A_12 = arith.constant 0 : i32
    %dma_start3A_13 = arith.constant 0 : i32
    %dma_start3A_14 = tpu.memref_slice %arg8[%dma_start3A_10, %dma_start3A_12, %dma_start3A_13] : memref<8x128x16xf32, #tpu.memory_space<vmem>> -> memref<1x128x16xf32, #tpu.memory_space<vmem>>
    %dma_start3A_15 = tpu.memref_squeeze %dma_start3A_14 : memref<1x128x16xf32, #tpu.memory_space<vmem>> -> memref<128x16xf32, #tpu.memory_space<vmem>>
    %dma_start3A_16 = arith.constant 0 : i32
    %dma_start3A_17 = tpu.memref_slice %arg6[%dma_start3A, %dma_start3A_16] : memref<80x128xi32, #tpu.memory_space<vmem>> -> memref<1x128xi32, #tpu.memory_space<vmem>>
    %dma_start3A_18 = tpu.memref_squeeze %dma_start3A_17 : memref<1x128xi32, #tpu.memory_space<vmem>> -> memref<128xi32, #tpu.memory_space<vmem>>
    %dma_start3A_19 = arith.constant 0 : i32
    %dma_start3A_20 = arith.constant 0 : i32
    %dma_start3A_21 = tpu.memref_slice %arg2[%dma_start3A_19, %dma_start3A_20] : memref<10240x16xf32, #tpu.memory_space<hbm>> -> memref<10240x16xf32, #tpu.memory_space<hbm>>
    %dma_start3A_22 = tpu.memref_slice %arg11[%dma_start3A_11] : memref<8x!tpu.dma_semaphore, #tpu.memory_space<semaphore_mem>> -> memref<1x!tpu.dma_semaphore, #tpu.memory_space<semaphore_mem>>
    %dma_start3A_23 = tpu.memref_squeeze %dma_start3A_22 : memref<1x!tpu.dma_semaphore, #tpu.memory_space<semaphore_mem>> -> memref<!tpu.dma_semaphore, #tpu.memory_space<semaphore_mem>>
    tpu.enqueue_indirect_dma source(%dma_start3A_21 : memref<10240x16xf32, #tpu.memory_space<hbm>>) target(%dma_start3A_15 : memref<128x16xf32, #tpu.memory_space<vmem>>) offsets(%dma_start3A_18 : memref<128xi32, #tpu.memory_space<vmem>>) semaphore(%dma_start3A_23 : memref<!tpu.dma_semaphore, #tpu.memory_space<semaphore_mem>>)
    %dma_start3A_24 = arith.constant 1 : i32
    %dma_start3A_25 = arith.constant 1 : i32
    %dma_start3A_26 = arith.constant 1 : i32
    %dma_start3A_27 = arith.constant 0 : i32
    %dma_start3A_28 = arith.constant 0 : i32
    %dma_start3A_29 = tpu.memref_slice %arg8[%dma_start3A_25, %dma_start3A_27, %dma_start3A_28] : memref<8x128x16xf32, #tpu.memory_space<vmem>> -> memref<1x128x16xf32, #tpu.memory_space<vmem>>
    %dma_start3A_30 = tpu.memref_squeeze %dma_start3A_29 : memref<1x128x16xf32, #tpu.memory_space<vmem>> -> memref<128x16xf32, #tpu.memory_space<vmem>>
    %dma_start3A_31 = arith.constant 0 : i32
    %dma_start3A_32 = tpu.memref_slice %arg6[%dma_start3A_24, %dma_start3A_31] : memref<80x128xi32, #tpu.memory_space<vmem>> -> memref<1x128xi32, #tpu.memory_space<vmem>>
    %dma_start3A_33 = tpu.memref_squeeze %dma_start3A_32 : memref<1x128xi32, #tpu.memory_space<vmem>> -> memref<128xi32, #tpu.memory_space<vmem>>
    %dma_start3A_34 = arith.constant 0 : i32
    %dma_start3A_35 = arith.constant 0 : i32
    %dma_start3A_36 = tpu.memref_slice %arg2[%dma_start3A_34, %dma_start3A_35] : memref<10240x16xf32, #tpu.memory_space<hbm>> -> memref<10240x16xf32, #tpu.memory_space<hbm>>
    %dma_start3A_37 = tpu.memref_slice %arg11[%dma_start3A_26] : memref<8x!tpu.dma_semaphore, #tpu.memory_space<semaphore_mem>> -> memref<1x!tpu.dma_semaphore, #tpu.memory_space<semaphore_mem>>
    %dma_start3A_38 = tpu.memref_squeeze %dma_start3A_37 : memref<1x!tpu.dma_semaphore, #tpu.memory_space<semaphore_mem>> -> memref<!tpu.dma_semaphore, #tpu.memory_space<semaphore_mem>>
    tpu.enqueue_indirect_dma source(%dma_start3A_36 : memref<10240x16xf32, #tpu.memory_space<hbm>>) target(%dma_start3A_30 : memref<128x16xf32, #tpu.memory_space<vmem>>) offsets(%dma_start3A_33 : memref<128xi32, #tpu.memory_space<vmem>>) semaphore(%dma_start3A_38 : memref<!tpu.dma_semaphore, #tpu.memory_space<semaphore_mem>>)
    %dma_start3A_39 = arith.constant 2 : i32
    %dma_start3A_40 = arith.constant 2 : i32
    %dma_start3A_41 = arith.constant 2 : i32
    %dma_start3A_42 = arith.constant 0 : i32
    %dma_start3A_43 = arith.constant 0 : i32
    %dma_start3A_44 = tpu.memref_slice %arg8[%dma_start3A_40, %dma_start3A_42, %dma_start3A_43] : memref<8x128x16xf32, #tpu.memory_space<vmem>> -> memref<1x128x16xf32, #tpu.memory_space<vmem>>
    %dma_start3A_45 = tpu.memref_squeeze %dma_start3A_44 : memref<1x128x16xf32, #tpu.memory_space<vmem>> -> memref<128x16xf32, #tpu.memory_space<vmem>>
    %dma_start3A_46 = arith.constant 0 : i32
    %dma_start3A_47 = tpu.memref_slice %arg6[%dma_start3A_39, %dma_start3A_46] : memref<80x128xi32, #tpu.memory_space<vmem>> -> memref<1x128xi32, #tpu.memory_space<vmem>>
    %dma_start3A_48 = tpu.memref_squeeze %dma_start3A_47 : memref<1x128xi32, #tpu.memory_space<vmem>> -> memref<128xi32, #tpu.memory_space<vmem>>
    %dma_start3A_49 = arith.constant 0 : i32
    %dma_start3A_50 = arith.constant 0 : i32
    %dma_start3A_51 = tpu.memref_slice %arg2[%dma_start3A_49, %dma_start3A_50] : memref<10240x16xf32, #tpu.memory_space<hbm>> -> memref<10240x16xf32, #tpu.memory_space<hbm>>
    %dma_start3A_52 = tpu.memref_slice %arg11[%dma_start3A_41] : memref<8x!tpu.dma_semaphore, #tpu.memory_space<semaphore_mem>> -> memref<1x!tpu.dma_semaphore, #tpu.memory_space<semaphore_mem>>
    %dma_start3A_53 = tpu.memref_squeeze %dma_start3A_52 : memref<1x!tpu.dma_semaphore, #tpu.memory_space<semaphore_mem>> -> memref<!tpu.dma_semaphore, #tpu.memory_space<semaphore_mem>>
    tpu.enqueue_indirect_dma source(%dma_start3A_51 : memref<10240x16xf32, #tpu.memory_space<hbm>>) target(%dma_start3A_45 : memref<128x16xf32, #tpu.memory_space<vmem>>) offsets(%dma_start3A_48 : memref<128xi32, #tpu.memory_space<vmem>>) semaphore(%dma_start3A_53 : memref<!tpu.dma_semaphore, #tpu.memory_space<semaphore_mem>>)
    %dma_start3A_54 = arith.constant 3 : i32
    %dma_start3A_55 = arith.constant 3 : i32
    %dma_start3A_56 = arith.constant 3 : i32
    %dma_start3A_57 = arith.constant 0 : i32
    %dma_start3A_58 = arith.constant 0 : i32
    %dma_start3A_59 = tpu.memref_slice %arg8[%dma_start3A_55, %dma_start3A_57, %dma_start3A_58] : memref<8x128x16xf32, #tpu.memory_space<vmem>> -> memref<1x128x16xf32, #tpu.memory_space<vmem>>
    %dma_start3A_60 = tpu.memref_squeeze %dma_start3A_59 : memref<1x128x16xf32, #tpu.memory_space<vmem>> -> memref<128x16xf32, #tpu.memory_space<vmem>>
    %dma_start3A_61 = arith.constant 0 : i32
    %dma_start3A_62 = tpu.memref_slice %arg6[%dma_start3A_54, %dma_start3A_61] : memref<80x128xi32, #tpu.memory_space<vmem>> -> memref<1x128xi32, #tpu.memory_space<vmem>>
    %dma_start3A_63 = tpu.memref_squeeze %dma_start3A_62 : memref<1x128xi32, #tpu.memory_space<vmem>> -> memref<128xi32, #tpu.memory_space<vmem>>
    %dma_start3A_64 = arith.constant 0 : i32
    %dma_start3A_65 = arith.constant 0 : i32
    %dma_start3A_66 = tpu.memref_slice %arg2[%dma_start3A_64, %dma_start3A_65] : memref<10240x16xf32, #tpu.memory_space<hbm>> -> memref<10240x16xf32, #tpu.memory_space<hbm>>
    %dma_start3A_67 = tpu.memref_slice %arg11[%dma_start3A_56] : memref<8x!tpu.dma_semaphore, #tpu.memory_space<semaphore_mem>> -> memref<1x!tpu.dma_semaphore, #tpu.memory_space<semaphore_mem>>
    %dma_start3A_68 = tpu.memref_squeeze %dma_start3A_67 : memref<1x!tpu.dma_semaphore, #tpu.memory_space<semaphore_mem>> -> memref<!tpu.dma_semaphore, #tpu.memory_space<semaphore_mem>>
    tpu.enqueue_indirect_dma source(%dma_start3A_66 : memref<10240x16xf32, #tpu.memory_space<hbm>>) target(%dma_start3A_60 : memref<128x16xf32, #tpu.memory_space<vmem>>) offsets(%dma_start3A_63 : memref<128xi32, #tpu.memory_space<vmem>>) semaphore(%dma_start3A_68 : memref<!tpu.dma_semaphore, #tpu.memory_space<semaphore_mem>>)
    %dma_start3A_69 = arith.constant 4 : i32
    %dma_start3A_70 = arith.constant 4 : i32
    %dma_start3A_71 = arith.constant 4 : i32
    %dma_start3A_72 = arith.constant 0 : i32
    %dma_start3A_73 = arith.constant 0 : i32
    %dma_start3A_74 = tpu.memref_slice %arg8[%dma_start3A_70, %dma_start3A_72, %dma_start3A_73] : memref<8x128x16xf32, #tpu.memory_space<vmem>> -> memref<1x128x16xf32, #tpu.memory_space<vmem>>
    %dma_start3A_75 = tpu.memref_squeeze %dma_start3A_74 : memref<1x128x16xf32, #tpu.memory_space<vmem>> -> memref<128x16xf32, #tpu.memory_space<vmem>>
    %dma_start3A_76 = arith.constant 0 : i32
    %dma_start3A_77 = tpu.memref_slice %arg6[%dma_start3A_69, %dma_start3A_76] : memref<80x128xi32, #tpu.memory_space<vmem>> -> memref<1x128xi32, #tpu.memory_space<vmem>>
    %dma_start3A_78 = tpu.memref_squeeze %dma_start3A_77 : memref<1x128xi32, #tpu.memory_space<vmem>> -> memref<128xi32, #tpu.memory_space<vmem>>
    %dma_start3A_79 = arith.constant 0 : i32
    %dma_start3A_80 = arith.constant 0 : i32
    %dma_start3A_81 = tpu.memref_slice %arg2[%dma_start3A_79, %dma_start3A_80] : memref<10240x16xf32, #tpu.memory_space<hbm>> -> memref<10240x16xf32, #tpu.memory_space<hbm>>
    %dma_start3A_82 = tpu.memref_slice %arg11[%dma_start3A_71] : memref<8x!tpu.dma_semaphore, #tpu.memory_space<semaphore_mem>> -> memref<1x!tpu.dma_semaphore, #tpu.memory_space<semaphore_mem>>
    %dma_start3A_83 = tpu.memref_squeeze %dma_start3A_82 : memref<1x!tpu.dma_semaphore, #tpu.memory_space<semaphore_mem>> -> memref<!tpu.dma_semaphore, #tpu.memory_space<semaphore_mem>>
    tpu.enqueue_indirect_dma source(%dma_start3A_81 : memref<10240x16xf32, #tpu.memory_space<hbm>>) target(%dma_start3A_75 : memref<128x16xf32, #tpu.memory_space<vmem>>) offsets(%dma_start3A_78 : memref<128xi32, #tpu.memory_space<vmem>>) semaphore(%dma_start3A_83 : memref<!tpu.dma_semaphore, #tpu.memory_space<semaphore_mem>>)
    %dma_start3A_84 = arith.constant 5 : i32
    %dma_start3A_85 = arith.constant 5 : i32
    %dma_start3A_86 = arith.constant 5 : i32
    %dma_start3A_87 = arith.constant 0 : i32
    %dma_start3A_88 = arith.constant 0 : i32
    %dma_start3A_89 = tpu.memref_slice %arg8[%dma_start3A_85, %dma_start3A_87, %dma_start3A_88] : memref<8x128x16xf32, #tpu.memory_space<vmem>> -> memref<1x128x16xf32, #tpu.memory_space<vmem>>
    %dma_start3A_90 = tpu.memref_squeeze %dma_start3A_89 : memref<1x128x16xf32, #tpu.memory_space<vmem>> -> memref<128x16xf32, #tpu.memory_space<vmem>>
    %dma_start3A_91 = arith.constant 0 : i32
    %dma_start3A_92 = tpu.memref_slice %arg6[%dma_start3A_84, %dma_start3A_91] : memref<80x128xi32, #tpu.memory_space<vmem>> -> memref<1x128xi32, #tpu.memory_space<vmem>>
    %dma_start3A_93 = tpu.memref_squeeze %dma_start3A_92 : memref<1x128xi32, #tpu.memory_space<vmem>> -> memref<128xi32, #tpu.memory_space<vmem>>
    %dma_start3A_94 = arith.constant 0 : i32
    %dma_start3A_95 = arith.constant 0 : i32
    %dma_start3A_96 = tpu.memref_slice %arg2[%dma_start3A_94, %dma_start3A_95] : memref<10240x16xf32, #tpu.memory_space<hbm>> -> memref<10240x16xf32, #tpu.memory_space<hbm>>
    %dma_start3A_97 = tpu.memref_slice %arg11[%dma_start3A_86] : memref<8x!tpu.dma_semaphore, #tpu.memory_space<semaphore_mem>> -> memref<1x!tpu.dma_semaphore, #tpu.memory_space<semaphore_mem>>
    %dma_start3A_98 = tpu.memref_squeeze %dma_start3A_97 : memref<1x!tpu.dma_semaphore, #tpu.memory_space<semaphore_mem>> -> memref<!tpu.dma_semaphore, #tpu.memory_space<semaphore_mem>>
    tpu.enqueue_indirect_dma source(%dma_start3A_96 : memref<10240x16xf32, #tpu.memory_space<hbm>>) target(%dma_start3A_90 : memref<128x16xf32, #tpu.memory_space<vmem>>) offsets(%dma_start3A_93 : memref<128xi32, #tpu.memory_space<vmem>>) semaphore(%dma_start3A_98 : memref<!tpu.dma_semaphore, #tpu.memory_space<semaphore_mem>>)
    %dma_start3A_99 = arith.constant 6 : i32
    %dma_start3A_100 = arith.constant 6 : i32
    %dma_start3A_101 = arith.constant 6 : i32
    %dma_start3A_102 = arith.constant 0 : i32
    %dma_start3A_103 = arith.constant 0 : i32
    %dma_start3A_104 = tpu.memref_slice %arg8[%dma_start3A_100, %dma_start3A_102, %dma_start3A_103] : memref<8x128x16xf32, #tpu.memory_space<vmem>> -> memref<1x128x16xf32, #tpu.memory_space<vmem>>
    %dma_start3A_105 = tpu.memref_squeeze %dma_start3A_104 : memref<1x128x16xf32, #tpu.memory_space<vmem>> -> memref<128x16xf32, #tpu.memory_space<vmem>>
    %dma_start3A_106 = arith.constant 0 : i32
    %dma_start3A_107 = tpu.memref_slice %arg6[%dma_start3A_99, %dma_start3A_106] : memref<80x128xi32, #tpu.memory_space<vmem>> -> memref<1x128xi32, #tpu.memory_space<vmem>>
    %dma_start3A_108 = tpu.memref_squeeze %dma_start3A_107 : memref<1x128xi32, #tpu.memory_space<vmem>> -> memref<128xi32, #tpu.memory_space<vmem>>
    %dma_start3A_109 = arith.constant 0 : i32
    %dma_start3A_110 = arith.constant 0 : i32
    %dma_start3A_111 = tpu.memref_slice %arg2[%dma_start3A_109, %dma_start3A_110] : memref<10240x16xf32, #tpu.memory_space<hbm>> -> memref<10240x16xf32, #tpu.memory_space<hbm>>
    %dma_start3A_112 = tpu.memref_slice %arg11[%dma_start3A_101] : memref<8x!tpu.dma_semaphore, #tpu.memory_space<semaphore_mem>> -> memref<1x!tpu.dma_semaphore, #tpu.memory_space<semaphore_mem>>
    %dma_start3A_113 = tpu.memref_squeeze %dma_start3A_112 : memref<1x!tpu.dma_semaphore, #tpu.memory_space<semaphore_mem>> -> memref<!tpu.dma_semaphore, #tpu.memory_space<semaphore_mem>>
    tpu.enqueue_indirect_dma source(%dma_start3A_111 : memref<10240x16xf32, #tpu.memory_space<hbm>>) target(%dma_start3A_105 : memref<128x16xf32, #tpu.memory_space<vmem>>) offsets(%dma_start3A_108 : memref<128xi32, #tpu.memory_space<vmem>>) semaphore(%dma_start3A_113 : memref<!tpu.dma_semaphore, #tpu.memory_space<semaphore_mem>>)
    %dma_start3A_114 = arith.constant 7 : i32
    %dma_start3A_115 = arith.constant 7 : i32
    %dma_start3A_116 = arith.constant 7 : i32
    %dma_start3A_117 = arith.constant 0 : i32
    %dma_start3A_118 = arith.constant 0 : i32
    %dma_start3A_119 = tpu.memref_slice %arg8[%dma_start3A_115, %dma_start3A_117, %dma_start3A_118] : memref<8x128x16xf32, #tpu.memory_space<vmem>> -> memref<1x128x16xf32, #tpu.memory_space<vmem>>
    %dma_start3A_120 = tpu.memref_squeeze %dma_start3A_119 : memref<1x128x16xf32, #tpu.memory_space<vmem>> -> memref<128x16xf32, #tpu.memory_space<vmem>>
    %dma_start3A_121 = arith.constant 0 : i32
    %dma_start3A_122 = tpu.memref_slice %arg6[%dma_start3A_114, %dma_start3A_121] : memref<80x128xi32, #tpu.memory_space<vmem>> -> memref<1x128xi32, #tpu.memory_space<vmem>>
    %dma_start3A_123 = tpu.memref_squeeze %dma_start3A_122 : memref<1x128xi32, #tpu.memory_space<vmem>> -> memref<128xi32, #tpu.memory_space<vmem>>
    %dma_start3A_124 = arith.constant 0 : i32
    %dma_start3A_125 = arith.constant 0 : i32
    %dma_start3A_126 = tpu.memref_slice %arg2[%dma_start3A_124, %dma_start3A_125] : memref<10240x16xf32, #tpu.memory_space<hbm>> -> memref<10240x16xf32, #tpu.memory_space<hbm>>
    %dma_start3A_127 = tpu.memref_slice %arg11[%dma_start3A_116] : memref<8x!tpu.dma_semaphore, #tpu.memory_space<semaphore_mem>> -> memref<1x!tpu.dma_semaphore, #tpu.memory_space<semaphore_mem>>
    %dma_start3A_128 = tpu.memref_squeeze %dma_start3A_127 : memref<1x!tpu.dma_semaphore, #tpu.memory_space<semaphore_mem>> -> memref<!tpu.dma_semaphore, #tpu.memory_space<semaphore_mem>>
    tpu.enqueue_indirect_dma source(%dma_start3A_126 : memref<10240x16xf32, #tpu.memory_space<hbm>>) target(%dma_start3A_120 : memref<128x16xf32, #tpu.memory_space<vmem>>) offsets(%dma_start3A_123 : memref<128xi32, #tpu.memory_space<vmem>>) semaphore(%dma_start3A_128 : memref<!tpu.dma_semaphore, #tpu.memory_space<semaphore_mem>>)
    %scan3A_129 = arith.constant 0 : i32
    %scan3A_130 = arith.constant 0 : i32
    %scan3A_131 = arith.constant 10 : i32
    %scan3A_132 = arith.addi %scan3A_130, %scan3A_131 : i32
    %scan3A_133 = arith.constant 1 : i32
    %scan3A_134 = scf.for %scan3A_141 = %scan3A_130 to %scan3A_132 step %scan3A_133 iter_args(%scan3A_142 = %scan3A_129) -> (i32)  : i32 {
      %mul3A_143 = arith.constant 8 : i32
      %mul3A_144 = arith.muli %scan3A_141, %mul3A_143 : i32
      %add3A_145 = arith.constant 0 : i32
      %add3A_146 = arith.addi %mul3A_144, %add3A_145 : i32
      %dma_wait3A = arith.constant 0 : i32
      %dma_wait3A_147 = arith.constant 0 : i32
      %dma_wait3A_148 = arith.constant 0 : i32
      %dma_wait3A_149 = arith.constant 0 : i32
      %dma_wait3A_150 = tpu.memref_slice %arg8[%dma_wait3A, %dma_wait3A_148, %dma_wait3A_149] : memref<8x128x16xf32, #tpu.memory_space<vmem>> -> memref<1x128x16xf32, #tpu.memory_space<vmem>>
      %dma_wait3A_151 = tpu.memref_squeeze %dma_wait3A_150 : memref<1x128x16xf32, #tpu.memory_space<vmem>> -> memref<128x16xf32, #tpu.memory_space<vmem>>
      %dma_wait3A_152 = arith.constant 0 : i32
      %dma_wait3A_153 = tpu.memref_slice %arg6[%add3A_146, %dma_wait3A_152] : memref<80x128xi32, #tpu.memory_space<vmem>> -> memref<1x128xi32, #tpu.memory_space<vmem>>
      %dma_wait3A_154 = tpu.memref_squeeze %dma_wait3A_153 : memref<1x128xi32, #tpu.memory_space<vmem>> -> memref<128xi32, #tpu.memory_space<vmem>>
      %dma_wait3A_155 = arith.constant 0 : i32
      %dma_wait3A_156 = arith.constant 0 : i32
      %dma_wait3A_157 = tpu.memref_slice %arg2[%dma_wait3A_155, %dma_wait3A_156] : memref<10240x16xf32, #tpu.memory_space<hbm>> -> memref<10240x16xf32, #tpu.memory_space<hbm>>
      %dma_wait3A_158 = tpu.memref_slice %arg11[%dma_wait3A_147] : memref<8x!tpu.dma_semaphore, #tpu.memory_space<semaphore_mem>> -> memref<1x!tpu.dma_semaphore, #tpu.memory_space<semaphore_mem>>
      %dma_wait3A_159 = tpu.memref_squeeze %dma_wait3A_158 : memref<1x!tpu.dma_semaphore, #tpu.memory_space<semaphore_mem>> -> memref<!tpu.dma_semaphore, #tpu.memory_space<semaphore_mem>>
      tpu.wait_indirect_dma semaphore(%dma_wait3A_159 : memref<!tpu.dma_semaphore, #tpu.memory_space<semaphore_mem>>) src(%dma_wait3A_157 : memref<10240x16xf32, #tpu.memory_space<hbm>>) dst(%dma_wait3A_151 : memref<128x16xf32, #tpu.memory_space<vmem>>)
      %dma_start3A_160 = arith.constant 0 : i32
      %dma_start3A_161 = arith.constant 0 : i32
      %dma_start3A_162 = arith.constant 0 : i32
      %dma_start3A_163 = arith.constant 0 : i32
      %dma_start3A_164 = tpu.memref_slice %arg8[%dma_start3A_160, %dma_start3A_162, %dma_start3A_163] : memref<8x128x16xf32, #tpu.memory_space<vmem>> -> memref<1x128x16xf32, #tpu.memory_space<vmem>>
      %dma_start3A_165 = tpu.memref_squeeze %dma_start3A_164 : memref<1x128x16xf32, #tpu.memory_space<vmem>> -> memref<128x16xf32, #tpu.memory_space<vmem>>
      %dma_start3A_166 = arith.constant 0 : i32
      %dma_start3A_167 = tpu.memref_slice %arg7[%add3A_146, %dma_start3A_166] : memref<80x128xi32, #tpu.memory_space<vmem>> -> memref<1x128xi32, #tpu.memory_space<vmem>>
      %dma_start3A_168 = tpu.memref_squeeze %dma_start3A_167 : memref<1x128xi32, #tpu.memory_space<vmem>> -> memref<128xi32, #tpu.memory_space<vmem>>
      %dma_start3A_169 = arith.constant 0 : i32
      %dma_start3A_170 = arith.constant 0 : i32
      %dma_start3A_171 = tpu.memref_slice %arg10[%dma_start3A_169, %dma_start3A_170] : memref<10240x16xf32, #tpu.memory_space<vmem_shared>> -> memref<10240x16xf32, #tpu.memory_space<vmem_shared>>
      %dma_start3A_172 = tpu.memref_slice %arg12[%dma_start3A_161] : memref<8x!tpu.dma_semaphore, #tpu.memory_space<semaphore_mem>> -> memref<1x!tpu.dma_semaphore, #tpu.memory_space<semaphore_mem>>
      %dma_start3A_173 = tpu.memref_squeeze %dma_start3A_172 : memref<1x!tpu.dma_semaphore, #tpu.memory_space<semaphore_mem>> -> memref<!tpu.dma_semaphore, #tpu.memory_space<semaphore_mem>>
      tpu.enqueue_indirect_dma source(%dma_start3A_165 : memref<128x16xf32, #tpu.memory_space<vmem>>) target(%dma_start3A_171 : memref<10240x16xf32, #tpu.memory_space<vmem_shared>>) offsets(%dma_start3A_168 : memref<128xi32, #tpu.memory_space<vmem>>) semaphore(%dma_start3A_173 : memref<!tpu.dma_semaphore, #tpu.memory_space<semaphore_mem>>) {add = true}
      %mul3A_174 = arith.constant 8 : i32
      %mul3A_175 = arith.muli %scan3A_141, %mul3A_174 : i32
      %add3A_176 = arith.constant 1 : i32
      %add3A_177 = arith.addi %mul3A_175, %add3A_176 : i32
      %dma_wait3A_178 = arith.constant 1 : i32
      %dma_wait3A_179 = arith.constant 1 : i32
      %dma_wait3A_180 = arith.constant 0 : i32
      %dma_wait3A_181 = arith.constant 0 : i32
      %dma_wait3A_182 = tpu.memref_slice %arg8[%dma_wait3A_178, %dma_wait3A_180, %dma_wait3A_181] : memref<8x128x16xf32, #tpu.memory_space<vmem>> -> memref<1x128x16xf32, #tpu.memory_space<vmem>>
      %dma_wait3A_183 = tpu.memref_squeeze %dma_wait3A_182 : memref<1x128x16xf32, #tpu.memory_space<vmem>> -> memref<128x16xf32, #tpu.memory_space<vmem>>
      %dma_wait3A_184 = arith.constant 0 : i32
      %dma_wait3A_185 = tpu.memref_slice %arg6[%add3A_177, %dma_wait3A_184] : memref<80x128xi32, #tpu.memory_space<vmem>> -> memref<1x128xi32, #tpu.memory_space<vmem>>
      %dma_wait3A_186 = tpu.memref_squeeze %dma_wait3A_185 : memref<1x128xi32, #tpu.memory_space<vmem>> -> memref<128xi32, #tpu.memory_space<vmem>>
      %dma_wait3A_187 = arith.constant 0 : i32
      %dma_wait3A_188 = arith.constant 0 : i32
      %dma_wait3A_189 = tpu.memref_slice %arg2[%dma_wait3A_187, %dma_wait3A_188] : memref<10240x16xf32, #tpu.memory_space<hbm>> -> memref<10240x16xf32, #tpu.memory_space<hbm>>
      %dma_wait3A_190 = tpu.memref_slice %arg11[%dma_wait3A_179] : memref<8x!tpu.dma_semaphore, #tpu.memory_space<semaphore_mem>> -> memref<1x!tpu.dma_semaphore, #tpu.memory_space<semaphore_mem>>
      %dma_wait3A_191 = tpu.memref_squeeze %dma_wait3A_190 : memref<1x!tpu.dma_semaphore, #tpu.memory_space<semaphore_mem>> -> memref<!tpu.dma_semaphore, #tpu.memory_space<semaphore_mem>>
      tpu.wait_indirect_dma semaphore(%dma_wait3A_191 : memref<!tpu.dma_semaphore, #tpu.memory_space<semaphore_mem>>) src(%dma_wait3A_189 : memref<10240x16xf32, #tpu.memory_space<hbm>>) dst(%dma_wait3A_183 : memref<128x16xf32, #tpu.memory_space<vmem>>)
      %dma_start3A_192 = arith.constant 1 : i32
      %dma_start3A_193 = arith.constant 1 : i32
      %dma_start3A_194 = arith.constant 0 : i32
      %dma_start3A_195 = arith.constant 0 : i32
      %dma_start3A_196 = tpu.memref_slice %arg8[%dma_start3A_192, %dma_start3A_194, %dma_start3A_195] : memref<8x128x16xf32, #tpu.memory_space<vmem>> -> memref<1x128x16xf32, #tpu.memory_space<vmem>>
      %dma_start3A_197 = tpu.memref_squeeze %dma_start3A_196 : memref<1x128x16xf32, #tpu.memory_space<vmem>> -> memref<128x16xf32, #tpu.memory_space<vmem>>
      %dma_start3A_198 = arith.constant 0 : i32
      %dma_start3A_199 = tpu.memref_slice %arg7[%add3A_177, %dma_start3A_198] : memref<80x128xi32, #tpu.memory_space<vmem>> -> memref<1x128xi32, #tpu.memory_space<vmem>>
      %dma_start3A_200 = tpu.memref_squeeze %dma_start3A_199 : memref<1x128xi32, #tpu.memory_space<vmem>> -> memref<128xi32, #tpu.memory_space<vmem>>
      %dma_start3A_201 = arith.constant 0 : i32
      %dma_start3A_202 = arith.constant 0 : i32
      %dma_start3A_203 = tpu.memref_slice %arg10[%dma_start3A_201, %dma_start3A_202] : memref<10240x16xf32, #tpu.memory_space<vmem_shared>> -> memref<10240x16xf32, #tpu.memory_space<vmem_shared>>
      %dma_start3A_204 = tpu.memref_slice %arg12[%dma_start3A_193] : memref<8x!tpu.dma_semaphore, #tpu.memory_space<semaphore_mem>> -> memref<1x!tpu.dma_semaphore, #tpu.memory_space<semaphore_mem>>
      %dma_start3A_205 = tpu.memref_squeeze %dma_start3A_204 : memref<1x!tpu.dma_semaphore, #tpu.memory_space<semaphore_mem>> -> memref<!tpu.dma_semaphore, #tpu.memory_space<semaphore_mem>>
      tpu.enqueue_indirect_dma source(%dma_start3A_197 : memref<128x16xf32, #tpu.memory_space<vmem>>) target(%dma_start3A_203 : memref<10240x16xf32, #tpu.memory_space<vmem_shared>>) offsets(%dma_start3A_200 : memref<128xi32, #tpu.memory_space<vmem>>) semaphore(%dma_start3A_205 : memref<!tpu.dma_semaphore, #tpu.memory_space<semaphore_mem>>) {add = true}
      %mul3A_206 = arith.constant 8 : i32
      %mul3A_207 = arith.muli %scan3A_141, %mul3A_206 : i32
      %add3A_208 = arith.constant 2 : i32
      %add3A_209 = arith.addi %mul3A_207, %add3A_208 : i32
      %dma_wait3A_210 = arith.constant 2 : i32
      %dma_wait3A_211 = arith.constant 2 : i32
      %dma_wait3A_212 = arith.constant 0 : i32
      %dma_wait3A_213 = arith.constant 0 : i32
      %dma_wait3A_214 = tpu.memref_slice %arg8[%dma_wait3A_210, %dma_wait3A_212, %dma_wait3A_213] : memref<8x128x16xf32, #tpu.memory_space<vmem>> -> memref<1x128x16xf32, #tpu.memory_space<vmem>>
      %dma_wait3A_215 = tpu.memref_squeeze %dma_wait3A_214 : memref<1x128x16xf32, #tpu.memory_space<vmem>> -> memref<128x16xf32, #tpu.memory_space<vmem>>
      %dma_wait3A_216 = arith.constant 0 : i32
      %dma_wait3A_217 = tpu.memref_slice %arg6[%add3A_209, %dma_wait3A_216] : memref<80x128xi32, #tpu.memory_space<vmem>> -> memref<1x128xi32, #tpu.memory_space<vmem>>
      %dma_wait3A_218 = tpu.memref_squeeze %dma_wait3A_217 : memref<1x128xi32, #tpu.memory_space<vmem>> -> memref<128xi32, #tpu.memory_space<vmem>>
      %dma_wait3A_219 = arith.constant 0 : i32
      %dma_wait3A_220 = arith.constant 0 : i32
      %dma_wait3A_221 = tpu.memref_slice %arg2[%dma_wait3A_219, %dma_wait3A_220] : memref<10240x16xf32, #tpu.memory_space<hbm>> -> memref<10240x16xf32, #tpu.memory_space<hbm>>
      %dma_wait3A_222 = tpu.memref_slice %arg11[%dma_wait3A_211] : memref<8x!tpu.dma_semaphore, #tpu.memory_space<semaphore_mem>> -> memref<1x!tpu.dma_semaphore, #tpu.memory_space<semaphore_mem>>
      %dma_wait3A_223 = tpu.memref_squeeze %dma_wait3A_222 : memref<1x!tpu.dma_semaphore, #tpu.memory_space<semaphore_mem>> -> memref<!tpu.dma_semaphore, #tpu.memory_space<semaphore_mem>>
      tpu.wait_indirect_dma semaphore(%dma_wait3A_223 : memref<!tpu.dma_semaphore, #tpu.memory_space<semaphore_mem>>) src(%dma_wait3A_221 : memref<10240x16xf32, #tpu.memory_space<hbm>>) dst(%dma_wait3A_215 : memref<128x16xf32, #tpu.memory_space<vmem>>)
      %dma_start3A_224 = arith.constant 2 : i32
      %dma_start3A_225 = arith.constant 2 : i32
      %dma_start3A_226 = arith.constant 0 : i32
      %dma_start3A_227 = arith.constant 0 : i32
      %dma_start3A_228 = tpu.memref_slice %arg8[%dma_start3A_224, %dma_start3A_226, %dma_start3A_227] : memref<8x128x16xf32, #tpu.memory_space<vmem>> -> memref<1x128x16xf32, #tpu.memory_space<vmem>>
      %dma_start3A_229 = tpu.memref_squeeze %dma_start3A_228 : memref<1x128x16xf32, #tpu.memory_space<vmem>> -> memref<128x16xf32, #tpu.memory_space<vmem>>
      %dma_start3A_230 = arith.constant 0 : i32
      %dma_start3A_231 = tpu.memref_slice %arg7[%add3A_209, %dma_start3A_230] : memref<80x128xi32, #tpu.memory_space<vmem>> -> memref<1x128xi32, #tpu.memory_space<vmem>>
      %dma_start3A_232 = tpu.memref_squeeze %dma_start3A_231 : memref<1x128xi32, #tpu.memory_space<vmem>> -> memref<128xi32, #tpu.memory_space<vmem>>
      %dma_start3A_233 = arith.constant 0 : i32
      %dma_start3A_234 = arith.constant 0 : i32
      %dma_start3A_235 = tpu.memref_slice %arg10[%dma_start3A_233, %dma_start3A_234] : memref<10240x16xf32, #tpu.memory_space<vmem_shared>> -> memref<10240x16xf32, #tpu.memory_space<vmem_shared>>
      %dma_start3A_236 = tpu.memref_slice %arg12[%dma_start3A_225] : memref<8x!tpu.dma_semaphore, #tpu.memory_space<semaphore_mem>> -> memref<1x!tpu.dma_semaphore, #tpu.memory_space<semaphore_mem>>
      %dma_start3A_237 = tpu.memref_squeeze %dma_start3A_236 : memref<1x!tpu.dma_semaphore, #tpu.memory_space<semaphore_mem>> -> memref<!tpu.dma_semaphore, #tpu.memory_space<semaphore_mem>>
      tpu.enqueue_indirect_dma source(%dma_start3A_229 : memref<128x16xf32, #tpu.memory_space<vmem>>) target(%dma_start3A_235 : memref<10240x16xf32, #tpu.memory_space<vmem_shared>>) offsets(%dma_start3A_232 : memref<128xi32, #tpu.memory_space<vmem>>) semaphore(%dma_start3A_237 : memref<!tpu.dma_semaphore, #tpu.memory_space<semaphore_mem>>) {add = true}
      %mul3A_238 = arith.constant 8 : i32
      %mul3A_239 = arith.muli %scan3A_141, %mul3A_238 : i32
      %add3A_240 = arith.constant 3 : i32
      %add3A_241 = arith.addi %mul3A_239, %add3A_240 : i32
      %dma_wait3A_242 = arith.constant 3 : i32
      %dma_wait3A_243 = arith.constant 3 : i32
      %dma_wait3A_244 = arith.constant 0 : i32
      %dma_wait3A_245 = arith.constant 0 : i32
      %dma_wait3A_246 = tpu.memref_slice %arg8[%dma_wait3A_242, %dma_wait3A_244, %dma_wait3A_245] : memref<8x128x16xf32, #tpu.memory_space<vmem>> -> memref<1x128x16xf32, #tpu.memory_space<vmem>>
      %dma_wait3A_247 = tpu.memref_squeeze %dma_wait3A_246 : memref<1x128x16xf32, #tpu.memory_space<vmem>> -> memref<128x16xf32, #tpu.memory_space<vmem>>
      %dma_wait3A_248 = arith.constant 0 : i32
      %dma_wait3A_249 = tpu.memref_slice %arg6[%add3A_241, %dma_wait3A_248] : memref<80x128xi32, #tpu.memory_space<vmem>> -> memref<1x128xi32, #tpu.memory_space<vmem>>
      %dma_wait3A_250 = tpu.memref_squeeze %dma_wait3A_249 : memref<1x128xi32, #tpu.memory_space<vmem>> -> memref<128xi32, #tpu.memory_space<vmem>>
      %dma_wait3A_251 = arith.constant 0 : i32
      %dma_wait3A_252 = arith.constant 0 : i32
      %dma_wait3A_253 = tpu.memref_slice %arg2[%dma_wait3A_251, %dma_wait3A_252] : memref<10240x16xf32, #tpu.memory_space<hbm>> -> memref<10240x16xf32, #tpu.memory_space<hbm>>
      %dma_wait3A_254 = tpu.memref_slice %arg11[%dma_wait3A_243] : memref<8x!tpu.dma_semaphore, #tpu.memory_space<semaphore_mem>> -> memref<1x!tpu.dma_semaphore, #tpu.memory_space<semaphore_mem>>
      %dma_wait3A_255 = tpu.memref_squeeze %dma_wait3A_254 : memref<1x!tpu.dma_semaphore, #tpu.memory_space<semaphore_mem>> -> memref<!tpu.dma_semaphore, #tpu.memory_space<semaphore_mem>>
      tpu.wait_indirect_dma semaphore(%dma_wait3A_255 : memref<!tpu.dma_semaphore, #tpu.memory_space<semaphore_mem>>) src(%dma_wait3A_253 : memref<10240x16xf32, #tpu.memory_space<hbm>>) dst(%dma_wait3A_247 : memref<128x16xf32, #tpu.memory_space<vmem>>)
      %dma_start3A_256 = arith.constant 3 : i32
      %dma_start3A_257 = arith.constant 3 : i32
      %dma_start3A_258 = arith.constant 0 : i32
      %dma_start3A_259 = arith.constant 0 : i32
      %dma_start3A_260 = tpu.memref_slice %arg8[%dma_start3A_256, %dma_start3A_258, %dma_start3A_259] : memref<8x128x16xf32, #tpu.memory_space<vmem>> -> memref<1x128x16xf32, #tpu.memory_space<vmem>>
      %dma_start3A_261 = tpu.memref_squeeze %dma_start3A_260 : memref<1x128x16xf32, #tpu.memory_space<vmem>> -> memref<128x16xf32, #tpu.memory_space<vmem>>
      %dma_start3A_262 = arith.constant 0 : i32
      %dma_start3A_263 = tpu.memref_slice %arg7[%add3A_241, %dma_start3A_262] : memref<80x128xi32, #tpu.memory_space<vmem>> -> memref<1x128xi32, #tpu.memory_space<vmem>>
      %dma_start3A_264 = tpu.memref_squeeze %dma_start3A_263 : memref<1x128xi32, #tpu.memory_space<vmem>> -> memref<128xi32, #tpu.memory_space<vmem>>
      %dma_start3A_265 = arith.constant 0 : i32
      %dma_start3A_266 = arith.constant 0 : i32
      %dma_start3A_267 = tpu.memref_slice %arg10[%dma_start3A_265, %dma_start3A_266] : memref<10240x16xf32, #tpu.memory_space<vmem_shared>> -> memref<10240x16xf32, #tpu.memory_space<vmem_shared>>
      %dma_start3A_268 = tpu.memref_slice %arg12[%dma_start3A_257] : memref<8x!tpu.dma_semaphore, #tpu.memory_space<semaphore_mem>> -> memref<1x!tpu.dma_semaphore, #tpu.memory_space<semaphore_mem>>
      %dma_start3A_269 = tpu.memref_squeeze %dma_start3A_268 : memref<1x!tpu.dma_semaphore, #tpu.memory_space<semaphore_mem>> -> memref<!tpu.dma_semaphore, #tpu.memory_space<semaphore_mem>>
      tpu.enqueue_indirect_dma source(%dma_start3A_261 : memref<128x16xf32, #tpu.memory_space<vmem>>) target(%dma_start3A_267 : memref<10240x16xf32, #tpu.memory_space<vmem_shared>>) offsets(%dma_start3A_264 : memref<128xi32, #tpu.memory_space<vmem>>) semaphore(%dma_start3A_269 : memref<!tpu.dma_semaphore, #tpu.memory_space<semaphore_mem>>) {add = true}
      %mul3A_270 = arith.constant 8 : i32
      %mul3A_271 = arith.muli %scan3A_141, %mul3A_270 : i32
      %add3A_272 = arith.constant 4 : i32
      %add3A_273 = arith.addi %mul3A_271, %add3A_272 : i32
      %dma_wait3A_274 = arith.constant 4 : i32
      %dma_wait3A_275 = arith.constant 4 : i32
      %dma_wait3A_276 = arith.constant 0 : i32
      %dma_wait3A_277 = arith.constant 0 : i32
      %dma_wait3A_278 = tpu.memref_slice %arg8[%dma_wait3A_274, %dma_wait3A_276, %dma_wait3A_277] : memref<8x128x16xf32, #tpu.memory_space<vmem>> -> memref<1x128x16xf32, #tpu.memory_space<vmem>>
      %dma_wait3A_279 = tpu.memref_squeeze %dma_wait3A_278 : memref<1x128x16xf32, #tpu.memory_space<vmem>> -> memref<128x16xf32, #tpu.memory_space<vmem>>
      %dma_wait3A_280 = arith.constant 0 : i32
      %dma_wait3A_281 = tpu.memref_slice %arg6[%add3A_273, %dma_wait3A_280] : memref<80x128xi32, #tpu.memory_space<vmem>> -> memref<1x128xi32, #tpu.memory_space<vmem>>
      %dma_wait3A_282 = tpu.memref_squeeze %dma_wait3A_281 : memref<1x128xi32, #tpu.memory_space<vmem>> -> memref<128xi32, #tpu.memory_space<vmem>>
      %dma_wait3A_283 = arith.constant 0 : i32
      %dma_wait3A_284 = arith.constant 0 : i32
      %dma_wait3A_285 = tpu.memref_slice %arg2[%dma_wait3A_283, %dma_wait3A_284] : memref<10240x16xf32, #tpu.memory_space<hbm>> -> memref<10240x16xf32, #tpu.memory_space<hbm>>
      %dma_wait3A_286 = tpu.memref_slice %arg11[%dma_wait3A_275] : memref<8x!tpu.dma_semaphore, #tpu.memory_space<semaphore_mem>> -> memref<1x!tpu.dma_semaphore, #tpu.memory_space<semaphore_mem>>
      %dma_wait3A_287 = tpu.memref_squeeze %dma_wait3A_286 : memref<1x!tpu.dma_semaphore, #tpu.memory_space<semaphore_mem>> -> memref<!tpu.dma_semaphore, #tpu.memory_space<semaphore_mem>>
      tpu.wait_indirect_dma semaphore(%dma_wait3A_287 : memref<!tpu.dma_semaphore, #tpu.memory_space<semaphore_mem>>) src(%dma_wait3A_285 : memref<10240x16xf32, #tpu.memory_space<hbm>>) dst(%dma_wait3A_279 : memref<128x16xf32, #tpu.memory_space<vmem>>)
      %dma_start3A_288 = arith.constant 4 : i32
      %dma_start3A_289 = arith.constant 4 : i32
      %dma_start3A_290 = arith.constant 0 : i32
      %dma_start3A_291 = arith.constant 0 : i32
      %dma_start3A_292 = tpu.memref_slice %arg8[%dma_start3A_288, %dma_start3A_290, %dma_start3A_291] : memref<8x128x16xf32, #tpu.memory_space<vmem>> -> memref<1x128x16xf32, #tpu.memory_space<vmem>>
      %dma_start3A_293 = tpu.memref_squeeze %dma_start3A_292 : memref<1x128x16xf32, #tpu.memory_space<vmem>> -> memref<128x16xf32, #tpu.memory_space<vmem>>
      %dma_start3A_294 = arith.constant 0 : i32
      %dma_start3A_295 = tpu.memref_slice %arg7[%add3A_273, %dma_start3A_294] : memref<80x128xi32, #tpu.memory_space<vmem>> -> memref<1x128xi32, #tpu.memory_space<vmem>>
      %dma_start3A_296 = tpu.memref_squeeze %dma_start3A_295 : memref<1x128xi32, #tpu.memory_space<vmem>> -> memref<128xi32, #tpu.memory_space<vmem>>
      %dma_start3A_297 = arith.constant 0 : i32
      %dma_start3A_298 = arith.constant 0 : i32
      %dma_start3A_299 = tpu.memref_slice %arg10[%dma_start3A_297, %dma_start3A_298] : memref<10240x16xf32, #tpu.memory_space<vmem_shared>> -> memref<10240x16xf32, #tpu.memory_space<vmem_shared>>
      %dma_start3A_300 = tpu.memref_slice %arg12[%dma_start3A_289] : memref<8x!tpu.dma_semaphore, #tpu.memory_space<semaphore_mem>> -> memref<1x!tpu.dma_semaphore, #tpu.memory_space<semaphore_mem>>
      %dma_start3A_301 = tpu.memref_squeeze %dma_start3A_300 : memref<1x!tpu.dma_semaphore, #tpu.memory_space<semaphore_mem>> -> memref<!tpu.dma_semaphore, #tpu.memory_space<semaphore_mem>>
      tpu.enqueue_indirect_dma source(%dma_start3A_293 : memref<128x16xf32, #tpu.memory_space<vmem>>) target(%dma_start3A_299 : memref<10240x16xf32, #tpu.memory_space<vmem_shared>>) offsets(%dma_start3A_296 : memref<128xi32, #tpu.memory_space<vmem>>) semaphore(%dma_start3A_301 : memref<!tpu.dma_semaphore, #tpu.memory_space<semaphore_mem>>) {add = true}
      %mul3A_302 = arith.constant 8 : i32
      %mul3A_303 = arith.muli %scan3A_141, %mul3A_302 : i32
      %add3A_304 = arith.constant 5 : i32
      %add3A_305 = arith.addi %mul3A_303, %add3A_304 : i32
      %dma_wait3A_306 = arith.constant 5 : i32
      %dma_wait3A_307 = arith.constant 5 : i32
      %dma_wait3A_308 = arith.constant 0 : i32
      %dma_wait3A_309 = arith.constant 0 : i32
      %dma_wait3A_310 = tpu.memref_slice %arg8[%dma_wait3A_306, %dma_wait3A_308, %dma_wait3A_309] : memref<8x128x16xf32, #tpu.memory_space<vmem>> -> memref<1x128x16xf32, #tpu.memory_space<vmem>>
      %dma_wait3A_311 = tpu.memref_squeeze %dma_wait3A_310 : memref<1x128x16xf32, #tpu.memory_space<vmem>> -> memref<128x16xf32, #tpu.memory_space<vmem>>
      %dma_wait3A_312 = arith.constant 0 : i32
      %dma_wait3A_313 = tpu.memref_slice %arg6[%add3A_305, %dma_wait3A_312] : memref<80x128xi32, #tpu.memory_space<vmem>> -> memref<1x128xi32, #tpu.memory_space<vmem>>
      %dma_wait3A_314 = tpu.memref_squeeze %dma_wait3A_313 : memref<1x128xi32, #tpu.memory_space<vmem>> -> memref<128xi32, #tpu.memory_space<vmem>>
      %dma_wait3A_315 = arith.constant 0 : i32
      %dma_wait3A_316 = arith.constant 0 : i32
      %dma_wait3A_317 = tpu.memref_slice %arg2[%dma_wait3A_315, %dma_wait3A_316] : memref<10240x16xf32, #tpu.memory_space<hbm>> -> memref<10240x16xf32, #tpu.memory_space<hbm>>
      %dma_wait3A_318 = tpu.memref_slice %arg11[%dma_wait3A_307] : memref<8x!tpu.dma_semaphore, #tpu.memory_space<semaphore_mem>> -> memref<1x!tpu.dma_semaphore, #tpu.memory_space<semaphore_mem>>
      %dma_wait3A_319 = tpu.memref_squeeze %dma_wait3A_318 : memref<1x!tpu.dma_semaphore, #tpu.memory_space<semaphore_mem>> -> memref<!tpu.dma_semaphore, #tpu.memory_space<semaphore_mem>>
      tpu.wait_indirect_dma semaphore(%dma_wait3A_319 : memref<!tpu.dma_semaphore, #tpu.memory_space<semaphore_mem>>) src(%dma_wait3A_317 : memref<10240x16xf32, #tpu.memory_space<hbm>>) dst(%dma_wait3A_311 : memref<128x16xf32, #tpu.memory_space<vmem>>)
      %dma_start3A_320 = arith.constant 5 : i32
      %dma_start3A_321 = arith.constant 5 : i32
      %dma_start3A_322 = arith.constant 0 : i32
      %dma_start3A_323 = arith.constant 0 : i32
      %dma_start3A_324 = tpu.memref_slice %arg8[%dma_start3A_320, %dma_start3A_322, %dma_start3A_323] : memref<8x128x16xf32, #tpu.memory_space<vmem>> -> memref<1x128x16xf32, #tpu.memory_space<vmem>>
      %dma_start3A_325 = tpu.memref_squeeze %dma_start3A_324 : memref<1x128x16xf32, #tpu.memory_space<vmem>> -> memref<128x16xf32, #tpu.memory_space<vmem>>
      %dma_start3A_326 = arith.constant 0 : i32
      %dma_start3A_327 = tpu.memref_slice %arg7[%add3A_305, %dma_start3A_326] : memref<80x128xi32, #tpu.memory_space<vmem>> -> memref<1x128xi32, #tpu.memory_space<vmem>>
      %dma_start3A_328 = tpu.memref_squeeze %dma_start3A_327 : memref<1x128xi32, #tpu.memory_space<vmem>> -> memref<128xi32, #tpu.memory_space<vmem>>
      %dma_start3A_329 = arith.constant 0 : i32
      %dma_start3A_330 = arith.constant 0 : i32
      %dma_start3A_331 = tpu.memref_slice %arg10[%dma_start3A_329, %dma_start3A_330] : memref<10240x16xf32, #tpu.memory_space<vmem_shared>> -> memref<10240x16xf32, #tpu.memory_space<vmem_shared>>
      %dma_start3A_332 = tpu.memref_slice %arg12[%dma_start3A_321] : memref<8x!tpu.dma_semaphore, #tpu.memory_space<semaphore_mem>> -> memref<1x!tpu.dma_semaphore, #tpu.memory_space<semaphore_mem>>
      %dma_start3A_333 = tpu.memref_squeeze %dma_start3A_332 : memref<1x!tpu.dma_semaphore, #tpu.memory_space<semaphore_mem>> -> memref<!tpu.dma_semaphore, #tpu.memory_space<semaphore_mem>>
      tpu.enqueue_indirect_dma source(%dma_start3A_325 : memref<128x16xf32, #tpu.memory_space<vmem>>) target(%dma_start3A_331 : memref<10240x16xf32, #tpu.memory_space<vmem_shared>>) offsets(%dma_start3A_328 : memref<128xi32, #tpu.memory_space<vmem>>) semaphore(%dma_start3A_333 : memref<!tpu.dma_semaphore, #tpu.memory_space<semaphore_mem>>) {add = true}
      %mul3A_334 = arith.constant 8 : i32
      %mul3A_335 = arith.muli %scan3A_141, %mul3A_334 : i32
      %add3A_336 = arith.constant 6 : i32
      %add3A_337 = arith.addi %mul3A_335, %add3A_336 : i32
      %dma_wait3A_338 = arith.constant 6 : i32
      %dma_wait3A_339 = arith.constant 6 : i32
      %dma_wait3A_340 = arith.constant 0 : i32
      %dma_wait3A_341 = arith.constant 0 : i32
      %dma_wait3A_342 = tpu.memref_slice %arg8[%dma_wait3A_338, %dma_wait3A_340, %dma_wait3A_341] : memref<8x128x16xf32, #tpu.memory_space<vmem>> -> memref<1x128x16xf32, #tpu.memory_space<vmem>>
      %dma_wait3A_343 = tpu.memref_squeeze %dma_wait3A_342 : memref<1x128x16xf32, #tpu.memory_space<vmem>> -> memref<128x16xf32, #tpu.memory_space<vmem>>
      %dma_wait3A_344 = arith.constant 0 : i32
      %dma_wait3A_345 = tpu.memref_slice %arg6[%add3A_337, %dma_wait3A_344] : memref<80x128xi32, #tpu.memory_space<vmem>> -> memref<1x128xi32, #tpu.memory_space<vmem>>
      %dma_wait3A_346 = tpu.memref_squeeze %dma_wait3A_345 : memref<1x128xi32, #tpu.memory_space<vmem>> -> memref<128xi32, #tpu.memory_space<vmem>>
      %dma_wait3A_347 = arith.constant 0 : i32
      %dma_wait3A_348 = arith.constant 0 : i32
      %dma_wait3A_349 = tpu.memref_slice %arg2[%dma_wait3A_347, %dma_wait3A_348] : memref<10240x16xf32, #tpu.memory_space<hbm>> -> memref<10240x16xf32, #tpu.memory_space<hbm>>
      %dma_wait3A_350 = tpu.memref_slice %arg11[%dma_wait3A_339] : memref<8x!tpu.dma_semaphore, #tpu.memory_space<semaphore_mem>> -> memref<1x!tpu.dma_semaphore, #tpu.memory_space<semaphore_mem>>
      %dma_wait3A_351 = tpu.memref_squeeze %dma_wait3A_350 : memref<1x!tpu.dma_semaphore, #tpu.memory_space<semaphore_mem>> -> memref<!tpu.dma_semaphore, #tpu.memory_space<semaphore_mem>>
      tpu.wait_indirect_dma semaphore(%dma_wait3A_351 : memref<!tpu.dma_semaphore, #tpu.memory_space<semaphore_mem>>) src(%dma_wait3A_349 : memref<10240x16xf32, #tpu.memory_space<hbm>>) dst(%dma_wait3A_343 : memref<128x16xf32, #tpu.memory_space<vmem>>)
      %dma_start3A_352 = arith.constant 6 : i32
      %dma_start3A_353 = arith.constant 6 : i32
      %dma_start3A_354 = arith.constant 0 : i32
      %dma_start3A_355 = arith.constant 0 : i32
      %dma_start3A_356 = tpu.memref_slice %arg8[%dma_start3A_352, %dma_start3A_354, %dma_start3A_355] : memref<8x128x16xf32, #tpu.memory_space<vmem>> -> memref<1x128x16xf32, #tpu.memory_space<vmem>>
      %dma_start3A_357 = tpu.memref_squeeze %dma_start3A_356 : memref<1x128x16xf32, #tpu.memory_space<vmem>> -> memref<128x16xf32, #tpu.memory_space<vmem>>
      %dma_start3A_358 = arith.constant 0 : i32
      %dma_start3A_359 = tpu.memref_slice %arg7[%add3A_337, %dma_start3A_358] : memref<80x128xi32, #tpu.memory_space<vmem>> -> memref<1x128xi32, #tpu.memory_space<vmem>>
      %dma_start3A_360 = tpu.memref_squeeze %dma_start3A_359 : memref<1x128xi32, #tpu.memory_space<vmem>> -> memref<128xi32, #tpu.memory_space<vmem>>
      %dma_start3A_361 = arith.constant 0 : i32
      %dma_start3A_362 = arith.constant 0 : i32
      %dma_start3A_363 = tpu.memref_slice %arg10[%dma_start3A_361, %dma_start3A_362] : memref<10240x16xf32, #tpu.memory_space<vmem_shared>> -> memref<10240x16xf32, #tpu.memory_space<vmem_shared>>
      %dma_start3A_364 = tpu.memref_slice %arg12[%dma_start3A_353] : memref<8x!tpu.dma_semaphore, #tpu.memory_space<semaphore_mem>> -> memref<1x!tpu.dma_semaphore, #tpu.memory_space<semaphore_mem>>
      %dma_start3A_365 = tpu.memref_squeeze %dma_start3A_364 : memref<1x!tpu.dma_semaphore, #tpu.memory_space<semaphore_mem>> -> memref<!tpu.dma_semaphore, #tpu.memory_space<semaphore_mem>>
      tpu.enqueue_indirect_dma source(%dma_start3A_357 : memref<128x16xf32, #tpu.memory_space<vmem>>) target(%dma_start3A_363 : memref<10240x16xf32, #tpu.memory_space<vmem_shared>>) offsets(%dma_start3A_360 : memref<128xi32, #tpu.memory_space<vmem>>) semaphore(%dma_start3A_365 : memref<!tpu.dma_semaphore, #tpu.memory_space<semaphore_mem>>) {add = true}
      %mul3A_366 = arith.constant 8 : i32
      %mul3A_367 = arith.muli %scan3A_141, %mul3A_366 : i32
      %add3A_368 = arith.constant 7 : i32
      %add3A_369 = arith.addi %mul3A_367, %add3A_368 : i32
      %dma_wait3A_370 = arith.constant 7 : i32
      %dma_wait3A_371 = arith.constant 7 : i32
      %dma_wait3A_372 = arith.constant 0 : i32
      %dma_wait3A_373 = arith.constant 0 : i32
      %dma_wait3A_374 = tpu.memref_slice %arg8[%dma_wait3A_370, %dma_wait3A_372, %dma_wait3A_373] : memref<8x128x16xf32, #tpu.memory_space<vmem>> -> memref<1x128x16xf32, #tpu.memory_space<vmem>>
      %dma_wait3A_375 = tpu.memref_squeeze %dma_wait3A_374 : memref<1x128x16xf32, #tpu.memory_space<vmem>> -> memref<128x16xf32, #tpu.memory_space<vmem>>
      %dma_wait3A_376 = arith.constant 0 : i32
      %dma_wait3A_377 = tpu.memref_slice %arg6[%add3A_369, %dma_wait3A_376] : memref<80x128xi32, #tpu.memory_space<vmem>> -> memref<1x128xi32, #tpu.memory_space<vmem>>
      %dma_wait3A_378 = tpu.memref_squeeze %dma_wait3A_377 : memref<1x128xi32, #tpu.memory_space<vmem>> -> memref<128xi32, #tpu.memory_space<vmem>>
      %dma_wait3A_379 = arith.constant 0 : i32
      %dma_wait3A_380 = arith.constant 0 : i32
      %dma_wait3A_381 = tpu.memref_slice %arg2[%dma_wait3A_379, %dma_wait3A_380] : memref<10240x16xf32, #tpu.memory_space<hbm>> -> memref<10240x16xf32, #tpu.memory_space<hbm>>
      %dma_wait3A_382 = tpu.memref_slice %arg11[%dma_wait3A_371] : memref<8x!tpu.dma_semaphore, #tpu.memory_space<semaphore_mem>> -> memref<1x!tpu.dma_semaphore, #tpu.memory_space<semaphore_mem>>
      %dma_wait3A_383 = tpu.memref_squeeze %dma_wait3A_382 : memref<1x!tpu.dma_semaphore, #tpu.memory_space<semaphore_mem>> -> memref<!tpu.dma_semaphore, #tpu.memory_space<semaphore_mem>>
      tpu.wait_indirect_dma semaphore(%dma_wait3A_383 : memref<!tpu.dma_semaphore, #tpu.memory_space<semaphore_mem>>) src(%dma_wait3A_381 : memref<10240x16xf32, #tpu.memory_space<hbm>>) dst(%dma_wait3A_375 : memref<128x16xf32, #tpu.memory_space<vmem>>)
      %dma_start3A_384 = arith.constant 7 : i32
      %dma_start3A_385 = arith.constant 7 : i32
      %dma_start3A_386 = arith.constant 0 : i32
      %dma_start3A_387 = arith.constant 0 : i32
      %dma_start3A_388 = tpu.memref_slice %arg8[%dma_start3A_384, %dma_start3A_386, %dma_start3A_387] : memref<8x128x16xf32, #tpu.memory_space<vmem>> -> memref<1x128x16xf32, #tpu.memory_space<vmem>>
      %dma_start3A_389 = tpu.memref_squeeze %dma_start3A_388 : memref<1x128x16xf32, #tpu.memory_space<vmem>> -> memref<128x16xf32, #tpu.memory_space<vmem>>
      %dma_start3A_390 = arith.constant 0 : i32
      %dma_start3A_391 = tpu.memref_slice %arg7[%add3A_369, %dma_start3A_390] : memref<80x128xi32, #tpu.memory_space<vmem>> -> memref<1x128xi32, #tpu.memory_space<vmem>>
      %dma_start3A_392 = tpu.memref_squeeze %dma_start3A_391 : memref<1x128xi32, #tpu.memory_space<vmem>> -> memref<128xi32, #tpu.memory_space<vmem>>
      %dma_start3A_393 = arith.constant 0 : i32
      %dma_start3A_394 = arith.constant 0 : i32
      %dma_start3A_395 = tpu.memref_slice %arg10[%dma_start3A_393, %dma_start3A_394] : memref<10240x16xf32, #tpu.memory_space<vmem_shared>> -> memref<10240x16xf32, #tpu.memory_space<vmem_shared>>
      %dma_start3A_396 = tpu.memref_slice %arg12[%dma_start3A_385] : memref<8x!tpu.dma_semaphore, #tpu.memory_space<semaphore_mem>> -> memref<1x!tpu.dma_semaphore, #tpu.memory_space<semaphore_mem>>
      %dma_start3A_397 = tpu.memref_squeeze %dma_start3A_396 : memref<1x!tpu.dma_semaphore, #tpu.memory_space<semaphore_mem>> -> memref<!tpu.dma_semaphore, #tpu.memory_space<semaphore_mem>>
      tpu.enqueue_indirect_dma source(%dma_start3A_389 : memref<128x16xf32, #tpu.memory_space<vmem>>) target(%dma_start3A_395 : memref<10240x16xf32, #tpu.memory_space<vmem_shared>>) offsets(%dma_start3A_392 : memref<128xi32, #tpu.memory_space<vmem>>) semaphore(%dma_start3A_397 : memref<!tpu.dma_semaphore, #tpu.memory_space<semaphore_mem>>) {add = true}
      %dma_wait3A_398 = arith.constant 0 : i32
      %dma_wait3A_399 = arith.constant 0 : i32
      %dma_wait3A_400 = arith.constant 0 : i32
      %dma_wait3A_401 = arith.constant 0 : i32
      %dma_wait3A_402 = tpu.memref_slice %arg8[%dma_wait3A_398, %dma_wait3A_400, %dma_wait3A_401] : memref<8x128x16xf32, #tpu.memory_space<vmem>> -> memref<1x128x16xf32, #tpu.memory_space<vmem>>
      %dma_wait3A_403 = tpu.memref_squeeze %dma_wait3A_402 : memref<1x128x16xf32, #tpu.memory_space<vmem>> -> memref<128x16xf32, #tpu.memory_space<vmem>>
      %dma_wait3A_404 = arith.constant 0 : i32
      %dma_wait3A_405 = tpu.memref_slice %arg7[%add3A_146, %dma_wait3A_404] : memref<80x128xi32, #tpu.memory_space<vmem>> -> memref<1x128xi32, #tpu.memory_space<vmem>>
      %dma_wait3A_406 = tpu.memref_squeeze %dma_wait3A_405 : memref<1x128xi32, #tpu.memory_space<vmem>> -> memref<128xi32, #tpu.memory_space<vmem>>
      %dma_wait3A_407 = arith.constant 0 : i32
      %dma_wait3A_408 = arith.constant 0 : i32
      %dma_wait3A_409 = tpu.memref_slice %arg10[%dma_wait3A_407, %dma_wait3A_408] : memref<10240x16xf32, #tpu.memory_space<vmem_shared>> -> memref<10240x16xf32, #tpu.memory_space<vmem_shared>>
      %dma_wait3A_410 = tpu.memref_slice %arg12[%dma_wait3A_399] : memref<8x!tpu.dma_semaphore, #tpu.memory_space<semaphore_mem>> -> memref<1x!tpu.dma_semaphore, #tpu.memory_space<semaphore_mem>>
      %dma_wait3A_411 = tpu.memref_squeeze %dma_wait3A_410 : memref<1x!tpu.dma_semaphore, #tpu.memory_space<semaphore_mem>> -> memref<!tpu.dma_semaphore, #tpu.memory_space<semaphore_mem>>
      tpu.wait_indirect_dma semaphore(%dma_wait3A_411 : memref<!tpu.dma_semaphore, #tpu.memory_space<semaphore_mem>>) src(%dma_wait3A_403 : memref<128x16xf32, #tpu.memory_space<vmem>>) dst(%dma_wait3A_409 : memref<10240x16xf32, #tpu.memory_space<vmem_shared>>)
      %lt3A = arith.constant 9 : i32
      %lt3A_412 = arith.cmpi slt, %scan3A_141, %lt3A : i32
      %convert_element_type3A = arith.extui %lt3A_412 : i1 to i32
      %cond3A = arith.constant 0 : i32
      %cond3A_413 = arith.cmpi ne, %convert_element_type3A, %cond3A : i32
      scf.if %cond3A_413 {
        %add3A_548 = arith.constant 1 : i32
        %add3A_549 = arith.addi %scan3A_141, %add3A_548 : i32
        %mul3A_550 = arith.constant 8 : i32
        %mul3A_551 = arith.muli %add3A_549, %mul3A_550 : i32
        %add3A_552 = arith.constant 0 : i32
        %add3A_553 = arith.addi %mul3A_551, %add3A_552 : i32
        %dma_start3A_554 = arith.constant 0 : i32
        %dma_start3A_555 = arith.constant 0 : i32
        %dma_start3A_556 = arith.constant 0 : i32
        %dma_start3A_557 = arith.constant 0 : i32
        %dma_start3A_558 = tpu.memref_slice %arg8[%dma_start3A_554, %dma_start3A_556, %dma_start3A_557] : memref<8x128x16xf32, #tpu.memory_space<vmem>> -> memref<1x128x16xf32, #tpu.memory_space<vmem>>
        %dma_start3A_559 = tpu.memref_squeeze %dma_start3A_558 : memref<1x128x16xf32, #tpu.memory_space<vmem>> -> memref<128x16xf32, #tpu.memory_space<vmem>>
        %dma_start3A_560 = arith.constant 0 : i32
        %dma_start3A_561 = tpu.memref_slice %arg6[%add3A_553, %dma_start3A_560] : memref<80x128xi32, #tpu.memory_space<vmem>> -> memref<1x128xi32, #tpu.memory_space<vmem>>
        %dma_start3A_562 = tpu.memref_squeeze %dma_start3A_561 : memref<1x128xi32, #tpu.memory_space<vmem>> -> memref<128xi32, #tpu.memory_space<vmem>>
        %dma_start3A_563 = arith.constant 0 : i32
        %dma_start3A_564 = arith.constant 0 : i32
        %dma_start3A_565 = tpu.memref_slice %arg2[%dma_start3A_563, %dma_start3A_564] : memref<10240x16xf32, #tpu.memory_space<hbm>> -> memref<10240x16xf32, #tpu.memory_space<hbm>>
        %dma_start3A_566 = tpu.memref_slice %arg11[%dma_start3A_555] : memref<8x!tpu.dma_semaphore, #tpu.memory_space<semaphore_mem>> -> memref<1x!tpu.dma_semaphore, #tpu.memory_space<semaphore_mem>>
        %dma_start3A_567 = tpu.memref_squeeze %dma_start3A_566 : memref<1x!tpu.dma_semaphore, #tpu.memory_space<semaphore_mem>> -> memref<!tpu.dma_semaphore, #tpu.memory_space<semaphore_mem>>
        tpu.enqueue_indirect_dma source(%dma_start3A_565 : memref<10240x16xf32, #tpu.memory_space<hbm>>) target(%dma_start3A_559 : memref<128x16xf32, #tpu.memory_space<vmem>>) offsets(%dma_start3A_562 : memref<128xi32, #tpu.memory_space<vmem>>) semaphore(%dma_start3A_567 : memref<!tpu.dma_semaphore, #tpu.memory_space<semaphore_mem>>)
      } else {
      }
      %dma_wait3A_414 = arith.constant 1 : i32
      %dma_wait3A_415 = arith.constant 1 : i32
      %dma_wait3A_416 = arith.constant 0 : i32
      %dma_wait3A_417 = arith.constant 0 : i32
      %dma_wait3A_418 = tpu.memref_slice %arg8[%dma_wait3A_414, %dma_wait3A_416, %dma_wait3A_417] : memref<8x128x16xf32, #tpu.memory_space<vmem>> -> memref<1x128x16xf32, #tpu.memory_space<vmem>>
      %dma_wait3A_419 = tpu.memref_squeeze %dma_wait3A_418 : memref<1x128x16xf32, #tpu.memory_space<vmem>> -> memref<128x16xf32, #tpu.memory_space<vmem>>
      %dma_wait3A_420 = arith.constant 0 : i32
      %dma_wait3A_421 = tpu.memref_slice %arg7[%add3A_177, %dma_wait3A_420] : memref<80x128xi32, #tpu.memory_space<vmem>> -> memref<1x128xi32, #tpu.memory_space<vmem>>
      %dma_wait3A_422 = tpu.memref_squeeze %dma_wait3A_421 : memref<1x128xi32, #tpu.memory_space<vmem>> -> memref<128xi32, #tpu.memory_space<vmem>>
      %dma_wait3A_423 = arith.constant 0 : i32
      %dma_wait3A_424 = arith.constant 0 : i32
      %dma_wait3A_425 = tpu.memref_slice %arg10[%dma_wait3A_423, %dma_wait3A_424] : memref<10240x16xf32, #tpu.memory_space<vmem_shared>> -> memref<10240x16xf32, #tpu.memory_space<vmem_shared>>
      %dma_wait3A_426 = tpu.memref_slice %arg12[%dma_wait3A_415] : memref<8x!tpu.dma_semaphore, #tpu.memory_space<semaphore_mem>> -> memref<1x!tpu.dma_semaphore, #tpu.memory_space<semaphore_mem>>
      %dma_wait3A_427 = tpu.memref_squeeze %dma_wait3A_426 : memref<1x!tpu.dma_semaphore, #tpu.memory_space<semaphore_mem>> -> memref<!tpu.dma_semaphore, #tpu.memory_space<semaphore_mem>>
      tpu.wait_indirect_dma semaphore(%dma_wait3A_427 : memref<!tpu.dma_semaphore, #tpu.memory_space<semaphore_mem>>) src(%dma_wait3A_419 : memref<128x16xf32, #tpu.memory_space<vmem>>) dst(%dma_wait3A_425 : memref<10240x16xf32, #tpu.memory_space<vmem_shared>>)
      %lt3A_428 = arith.constant 9 : i32
      %lt3A_429 = arith.cmpi slt, %scan3A_141, %lt3A_428 : i32
      %convert_element_type3A_430 = arith.extui %lt3A_429 : i1 to i32
      %cond3A_431 = arith.constant 0 : i32
      %cond3A_432 = arith.cmpi ne, %convert_element_type3A_430, %cond3A_431 : i32
      scf.if %cond3A_432 {
        %add3A_548 = arith.constant 1 : i32
        %add3A_549 = arith.addi %scan3A_141, %add3A_548 : i32
        %mul3A_550 = arith.constant 8 : i32
        %mul3A_551 = arith.muli %add3A_549, %mul3A_550 : i32
        %add3A_552 = arith.constant 1 : i32
        %add3A_553 = arith.addi %mul3A_551, %add3A_552 : i32
        %dma_start3A_554 = arith.constant 1 : i32
        %dma_start3A_555 = arith.constant 1 : i32
        %dma_start3A_556 = arith.constant 0 : i32
        %dma_start3A_557 = arith.constant 0 : i32
        %dma_start3A_558 = tpu.memref_slice %arg8[%dma_start3A_554, %dma_start3A_556, %dma_start3A_557] : memref<8x128x16xf32, #tpu.memory_space<vmem>> -> memref<1x128x16xf32, #tpu.memory_space<vmem>>
        %dma_start3A_559 = tpu.memref_squeeze %dma_start3A_558 : memref<1x128x16xf32, #tpu.memory_space<vmem>> -> memref<128x16xf32, #tpu.memory_space<vmem>>
        %dma_start3A_560 = arith.constant 0 : i32
        %dma_start3A_561 = tpu.memref_slice %arg6[%add3A_553, %dma_start3A_560] : memref<80x128xi32, #tpu.memory_space<vmem>> -> memref<1x128xi32, #tpu.memory_space<vmem>>
        %dma_start3A_562 = tpu.memref_squeeze %dma_start3A_561 : memref<1x128xi32, #tpu.memory_space<vmem>> -> memref<128xi32, #tpu.memory_space<vmem>>
        %dma_start3A_563 = arith.constant 0 : i32
        %dma_start3A_564 = arith.constant 0 : i32
        %dma_start3A_565 = tpu.memref_slice %arg2[%dma_start3A_563, %dma_start3A_564] : memref<10240x16xf32, #tpu.memory_space<hbm>> -> memref<10240x16xf32, #tpu.memory_space<hbm>>
        %dma_start3A_566 = tpu.memref_slice %arg11[%dma_start3A_555] : memref<8x!tpu.dma_semaphore, #tpu.memory_space<semaphore_mem>> -> memref<1x!tpu.dma_semaphore, #tpu.memory_space<semaphore_mem>>
        %dma_start3A_567 = tpu.memref_squeeze %dma_start3A_566 : memref<1x!tpu.dma_semaphore, #tpu.memory_space<semaphore_mem>> -> memref<!tpu.dma_semaphore, #tpu.memory_space<semaphore_mem>>
        tpu.enqueue_indirect_dma source(%dma_start3A_565 : memref<10240x16xf32, #tpu.memory_space<hbm>>) target(%dma_start3A_559 : memref<128x16xf32, #tpu.memory_space<vmem>>) offsets(%dma_start3A_562 : memref<128xi32, #tpu.memory_space<vmem>>) semaphore(%dma_start3A_567 : memref<!tpu.dma_semaphore, #tpu.memory_space<semaphore_mem>>)
      } else {
      }
      %dma_wait3A_433 = arith.constant 2 : i32
      %dma_wait3A_434 = arith.constant 2 : i32
      %dma_wait3A_435 = arith.constant 0 : i32
      %dma_wait3A_436 = arith.constant 0 : i32
      %dma_wait3A_437 = tpu.memref_slice %arg8[%dma_wait3A_433, %dma_wait3A_435, %dma_wait3A_436] : memref<8x128x16xf32, #tpu.memory_space<vmem>> -> memref<1x128x16xf32, #tpu.memory_space<vmem>>
      %dma_wait3A_438 = tpu.memref_squeeze %dma_wait3A_437 : memref<1x128x16xf32, #tpu.memory_space<vmem>> -> memref<128x16xf32, #tpu.memory_space<vmem>>
      %dma_wait3A_439 = arith.constant 0 : i32
      %dma_wait3A_440 = tpu.memref_slice %arg7[%add3A_209, %dma_wait3A_439] : memref<80x128xi32, #tpu.memory_space<vmem>> -> memref<1x128xi32, #tpu.memory_space<vmem>>
      %dma_wait3A_441 = tpu.memref_squeeze %dma_wait3A_440 : memref<1x128xi32, #tpu.memory_space<vmem>> -> memref<128xi32, #tpu.memory_space<vmem>>
      %dma_wait3A_442 = arith.constant 0 : i32
      %dma_wait3A_443 = arith.constant 0 : i32
      %dma_wait3A_444 = tpu.memref_slice %arg10[%dma_wait3A_442, %dma_wait3A_443] : memref<10240x16xf32, #tpu.memory_space<vmem_shared>> -> memref<10240x16xf32, #tpu.memory_space<vmem_shared>>
      %dma_wait3A_445 = tpu.memref_slice %arg12[%dma_wait3A_434] : memref<8x!tpu.dma_semaphore, #tpu.memory_space<semaphore_mem>> -> memref<1x!tpu.dma_semaphore, #tpu.memory_space<semaphore_mem>>
      %dma_wait3A_446 = tpu.memref_squeeze %dma_wait3A_445 : memref<1x!tpu.dma_semaphore, #tpu.memory_space<semaphore_mem>> -> memref<!tpu.dma_semaphore, #tpu.memory_space<semaphore_mem>>
      tpu.wait_indirect_dma semaphore(%dma_wait3A_446 : memref<!tpu.dma_semaphore, #tpu.memory_space<semaphore_mem>>) src(%dma_wait3A_438 : memref<128x16xf32, #tpu.memory_space<vmem>>) dst(%dma_wait3A_444 : memref<10240x16xf32, #tpu.memory_space<vmem_shared>>)
      %lt3A_447 = arith.constant 9 : i32
      %lt3A_448 = arith.cmpi slt, %scan3A_141, %lt3A_447 : i32
      %convert_element_type3A_449 = arith.extui %lt3A_448 : i1 to i32
      %cond3A_450 = arith.constant 0 : i32
      %cond3A_451 = arith.cmpi ne, %convert_element_type3A_449, %cond3A_450 : i32
      scf.if %cond3A_451 {
        %add3A_548 = arith.constant 1 : i32
        %add3A_549 = arith.addi %scan3A_141, %add3A_548 : i32
        %mul3A_550 = arith.constant 8 : i32
        %mul3A_551 = arith.muli %add3A_549, %mul3A_550 : i32
        %add3A_552 = arith.constant 2 : i32
        %add3A_553 = arith.addi %mul3A_551, %add3A_552 : i32
        %dma_start3A_554 = arith.constant 2 : i32
        %dma_start3A_555 = arith.constant 2 : i32
        %dma_start3A_556 = arith.constant 0 : i32
        %dma_start3A_557 = arith.constant 0 : i32
        %dma_start3A_558 = tpu.memref_slice %arg8[%dma_start3A_554, %dma_start3A_556, %dma_start3A_557] : memref<8x128x16xf32, #tpu.memory_space<vmem>> -> memref<1x128x16xf32, #tpu.memory_space<vmem>>
        %dma_start3A_559 = tpu.memref_squeeze %dma_start3A_558 : memref<1x128x16xf32, #tpu.memory_space<vmem>> -> memref<128x16xf32, #tpu.memory_space<vmem>>
        %dma_start3A_560 = arith.constant 0 : i32
        %dma_start3A_561 = tpu.memref_slice %arg6[%add3A_553, %dma_start3A_560] : memref<80x128xi32, #tpu.memory_space<vmem>> -> memref<1x128xi32, #tpu.memory_space<vmem>>
        %dma_start3A_562 = tpu.memref_squeeze %dma_start3A_561 : memref<1x128xi32, #tpu.memory_space<vmem>> -> memref<128xi32, #tpu.memory_space<vmem>>
        %dma_start3A_563 = arith.constant 0 : i32
        %dma_start3A_564 = arith.constant 0 : i32
        %dma_start3A_565 = tpu.memref_slice %arg2[%dma_start3A_563, %dma_start3A_564] : memref<10240x16xf32, #tpu.memory_space<hbm>> -> memref<10240x16xf32, #tpu.memory_space<hbm>>
        %dma_start3A_566 = tpu.memref_slice %arg11[%dma_start3A_555] : memref<8x!tpu.dma_semaphore, #tpu.memory_space<semaphore_mem>> -> memref<1x!tpu.dma_semaphore, #tpu.memory_space<semaphore_mem>>
        %dma_start3A_567 = tpu.memref_squeeze %dma_start3A_566 : memref<1x!tpu.dma_semaphore, #tpu.memory_space<semaphore_mem>> -> memref<!tpu.dma_semaphore, #tpu.memory_space<semaphore_mem>>
        tpu.enqueue_indirect_dma source(%dma_start3A_565 : memref<10240x16xf32, #tpu.memory_space<hbm>>) target(%dma_start3A_559 : memref<128x16xf32, #tpu.memory_space<vmem>>) offsets(%dma_start3A_562 : memref<128xi32, #tpu.memory_space<vmem>>) semaphore(%dma_start3A_567 : memref<!tpu.dma_semaphore, #tpu.memory_space<semaphore_mem>>)
      } else {
      }
      %dma_wait3A_452 = arith.constant 3 : i32
      %dma_wait3A_453 = arith.constant 3 : i32
      %dma_wait3A_454 = arith.constant 0 : i32
      %dma_wait3A_455 = arith.constant 0 : i32
      %dma_wait3A_456 = tpu.memref_slice %arg8[%dma_wait3A_452, %dma_wait3A_454, %dma_wait3A_455] : memref<8x128x16xf32, #tpu.memory_space<vmem>> -> memref<1x128x16xf32, #tpu.memory_space<vmem>>
      %dma_wait3A_457 = tpu.memref_squeeze %dma_wait3A_456 : memref<1x128x16xf32, #tpu.memory_space<vmem>> -> memref<128x16xf32, #tpu.memory_space<vmem>>
      %dma_wait3A_458 = arith.constant 0 : i32
      %dma_wait3A_459 = tpu.memref_slice %arg7[%add3A_241, %dma_wait3A_458] : memref<80x128xi32, #tpu.memory_space<vmem>> -> memref<1x128xi32, #tpu.memory_space<vmem>>
      %dma_wait3A_460 = tpu.memref_squeeze %dma_wait3A_459 : memref<1x128xi32, #tpu.memory_space<vmem>> -> memref<128xi32, #tpu.memory_space<vmem>>
      %dma_wait3A_461 = arith.constant 0 : i32
      %dma_wait3A_462 = arith.constant 0 : i32
      %dma_wait3A_463 = tpu.memref_slice %arg10[%dma_wait3A_461, %dma_wait3A_462] : memref<10240x16xf32, #tpu.memory_space<vmem_shared>> -> memref<10240x16xf32, #tpu.memory_space<vmem_shared>>
      %dma_wait3A_464 = tpu.memref_slice %arg12[%dma_wait3A_453] : memref<8x!tpu.dma_semaphore, #tpu.memory_space<semaphore_mem>> -> memref<1x!tpu.dma_semaphore, #tpu.memory_space<semaphore_mem>>
      %dma_wait3A_465 = tpu.memref_squeeze %dma_wait3A_464 : memref<1x!tpu.dma_semaphore, #tpu.memory_space<semaphore_mem>> -> memref<!tpu.dma_semaphore, #tpu.memory_space<semaphore_mem>>
      tpu.wait_indirect_dma semaphore(%dma_wait3A_465 : memref<!tpu.dma_semaphore, #tpu.memory_space<semaphore_mem>>) src(%dma_wait3A_457 : memref<128x16xf32, #tpu.memory_space<vmem>>) dst(%dma_wait3A_463 : memref<10240x16xf32, #tpu.memory_space<vmem_shared>>)
      %lt3A_466 = arith.constant 9 : i32
      %lt3A_467 = arith.cmpi slt, %scan3A_141, %lt3A_466 : i32
      %convert_element_type3A_468 = arith.extui %lt3A_467 : i1 to i32
      %cond3A_469 = arith.constant 0 : i32
      %cond3A_470 = arith.cmpi ne, %convert_element_type3A_468, %cond3A_469 : i32
      scf.if %cond3A_470 {
        %add3A_548 = arith.constant 1 : i32
        %add3A_549 = arith.addi %scan3A_141, %add3A_548 : i32
        %mul3A_550 = arith.constant 8 : i32
        %mul3A_551 = arith.muli %add3A_549, %mul3A_550 : i32
        %add3A_552 = arith.constant 3 : i32
        %add3A_553 = arith.addi %mul3A_551, %add3A_552 : i32
        %dma_start3A_554 = arith.constant 3 : i32
        %dma_start3A_555 = arith.constant 3 : i32
        %dma_start3A_556 = arith.constant 0 : i32
        %dma_start3A_557 = arith.constant 0 : i32
        %dma_start3A_558 = tpu.memref_slice %arg8[%dma_start3A_554, %dma_start3A_556, %dma_start3A_557] : memref<8x128x16xf32, #tpu.memory_space<vmem>> -> memref<1x128x16xf32, #tpu.memory_space<vmem>>
        %dma_start3A_559 = tpu.memref_squeeze %dma_start3A_558 : memref<1x128x16xf32, #tpu.memory_space<vmem>> -> memref<128x16xf32, #tpu.memory_space<vmem>>
        %dma_start3A_560 = arith.constant 0 : i32
        %dma_start3A_561 = tpu.memref_slice %arg6[%add3A_553, %dma_start3A_560] : memref<80x128xi32, #tpu.memory_space<vmem>> -> memref<1x128xi32, #tpu.memory_space<vmem>>
        %dma_start3A_562 = tpu.memref_squeeze %dma_start3A_561 : memref<1x128xi32, #tpu.memory_space<vmem>> -> memref<128xi32, #tpu.memory_space<vmem>>
        %dma_start3A_563 = arith.constant 0 : i32
        %dma_start3A_564 = arith.constant 0 : i32
        %dma_start3A_565 = tpu.memref_slice %arg2[%dma_start3A_563, %dma_start3A_564] : memref<10240x16xf32, #tpu.memory_space<hbm>> -> memref<10240x16xf32, #tpu.memory_space<hbm>>
        %dma_start3A_566 = tpu.memref_slice %arg11[%dma_start3A_555] : memref<8x!tpu.dma_semaphore, #tpu.memory_space<semaphore_mem>> -> memref<1x!tpu.dma_semaphore, #tpu.memory_space<semaphore_mem>>
        %dma_start3A_567 = tpu.memref_squeeze %dma_start3A_566 : memref<1x!tpu.dma_semaphore, #tpu.memory_space<semaphore_mem>> -> memref<!tpu.dma_semaphore, #tpu.memory_space<semaphore_mem>>
        tpu.enqueue_indirect_dma source(%dma_start3A_565 : memref<10240x16xf32, #tpu.memory_space<hbm>>) target(%dma_start3A_559 : memref<128x16xf32, #tpu.memory_space<vmem>>) offsets(%dma_start3A_562 : memref<128xi32, #tpu.memory_space<vmem>>) semaphore(%dma_start3A_567 : memref<!tpu.dma_semaphore, #tpu.memory_space<semaphore_mem>>)
      } else {
      }
      %dma_wait3A_471 = arith.constant 4 : i32
      %dma_wait3A_472 = arith.constant 4 : i32
      %dma_wait3A_473 = arith.constant 0 : i32
      %dma_wait3A_474 = arith.constant 0 : i32
      %dma_wait3A_475 = tpu.memref_slice %arg8[%dma_wait3A_471, %dma_wait3A_473, %dma_wait3A_474] : memref<8x128x16xf32, #tpu.memory_space<vmem>> -> memref<1x128x16xf32, #tpu.memory_space<vmem>>
      %dma_wait3A_476 = tpu.memref_squeeze %dma_wait3A_475 : memref<1x128x16xf32, #tpu.memory_space<vmem>> -> memref<128x16xf32, #tpu.memory_space<vmem>>
      %dma_wait3A_477 = arith.constant 0 : i32
      %dma_wait3A_478 = tpu.memref_slice %arg7[%add3A_273, %dma_wait3A_477] : memref<80x128xi32, #tpu.memory_space<vmem>> -> memref<1x128xi32, #tpu.memory_space<vmem>>
      %dma_wait3A_479 = tpu.memref_squeeze %dma_wait3A_478 : memref<1x128xi32, #tpu.memory_space<vmem>> -> memref<128xi32, #tpu.memory_space<vmem>>
      %dma_wait3A_480 = arith.constant 0 : i32
      %dma_wait3A_481 = arith.constant 0 : i32
      %dma_wait3A_482 = tpu.memref_slice %arg10[%dma_wait3A_480, %dma_wait3A_481] : memref<10240x16xf32, #tpu.memory_space<vmem_shared>> -> memref<10240x16xf32, #tpu.memory_space<vmem_shared>>
      %dma_wait3A_483 = tpu.memref_slice %arg12[%dma_wait3A_472] : memref<8x!tpu.dma_semaphore, #tpu.memory_space<semaphore_mem>> -> memref<1x!tpu.dma_semaphore, #tpu.memory_space<semaphore_mem>>
      %dma_wait3A_484 = tpu.memref_squeeze %dma_wait3A_483 : memref<1x!tpu.dma_semaphore, #tpu.memory_space<semaphore_mem>> -> memref<!tpu.dma_semaphore, #tpu.memory_space<semaphore_mem>>
      tpu.wait_indirect_dma semaphore(%dma_wait3A_484 : memref<!tpu.dma_semaphore, #tpu.memory_space<semaphore_mem>>) src(%dma_wait3A_476 : memref<128x16xf32, #tpu.memory_space<vmem>>) dst(%dma_wait3A_482 : memref<10240x16xf32, #tpu.memory_space<vmem_shared>>)
      %lt3A_485 = arith.constant 9 : i32
      %lt3A_486 = arith.cmpi slt, %scan3A_141, %lt3A_485 : i32
      %convert_element_type3A_487 = arith.extui %lt3A_486 : i1 to i32
      %cond3A_488 = arith.constant 0 : i32
      %cond3A_489 = arith.cmpi ne, %convert_element_type3A_487, %cond3A_488 : i32
      scf.if %cond3A_489 {
        %add3A_548 = arith.constant 1 : i32
        %add3A_549 = arith.addi %scan3A_141, %add3A_548 : i32
        %mul3A_550 = arith.constant 8 : i32
        %mul3A_551 = arith.muli %add3A_549, %mul3A_550 : i32
        %add3A_552 = arith.constant 4 : i32
        %add3A_553 = arith.addi %mul3A_551, %add3A_552 : i32
        %dma_start3A_554 = arith.constant 4 : i32
        %dma_start3A_555 = arith.constant 4 : i32
        %dma_start3A_556 = arith.constant 0 : i32
        %dma_start3A_557 = arith.constant 0 : i32
        %dma_start3A_558 = tpu.memref_slice %arg8[%dma_start3A_554, %dma_start3A_556, %dma_start3A_557] : memref<8x128x16xf32, #tpu.memory_space<vmem>> -> memref<1x128x16xf32, #tpu.memory_space<vmem>>
        %dma_start3A_559 = tpu.memref_squeeze %dma_start3A_558 : memref<1x128x16xf32, #tpu.memory_space<vmem>> -> memref<128x16xf32, #tpu.memory_space<vmem>>
        %dma_start3A_560 = arith.constant 0 : i32
        %dma_start3A_561 = tpu.memref_slice %arg6[%add3A_553, %dma_start3A_560] : memref<80x128xi32, #tpu.memory_space<vmem>> -> memref<1x128xi32, #tpu.memory_space<vmem>>
        %dma_start3A_562 = tpu.memref_squeeze %dma_start3A_561 : memref<1x128xi32, #tpu.memory_space<vmem>> -> memref<128xi32, #tpu.memory_space<vmem>>
        %dma_start3A_563 = arith.constant 0 : i32
        %dma_start3A_564 = arith.constant 0 : i32
        %dma_start3A_565 = tpu.memref_slice %arg2[%dma_start3A_563, %dma_start3A_564] : memref<10240x16xf32, #tpu.memory_space<hbm>> -> memref<10240x16xf32, #tpu.memory_space<hbm>>
        %dma_start3A_566 = tpu.memref_slice %arg11[%dma_start3A_555] : memref<8x!tpu.dma_semaphore, #tpu.memory_space<semaphore_mem>> -> memref<1x!tpu.dma_semaphore, #tpu.memory_space<semaphore_mem>>
        %dma_start3A_567 = tpu.memref_squeeze %dma_start3A_566 : memref<1x!tpu.dma_semaphore, #tpu.memory_space<semaphore_mem>> -> memref<!tpu.dma_semaphore, #tpu.memory_space<semaphore_mem>>
        tpu.enqueue_indirect_dma source(%dma_start3A_565 : memref<10240x16xf32, #tpu.memory_space<hbm>>) target(%dma_start3A_559 : memref<128x16xf32, #tpu.memory_space<vmem>>) offsets(%dma_start3A_562 : memref<128xi32, #tpu.memory_space<vmem>>) semaphore(%dma_start3A_567 : memref<!tpu.dma_semaphore, #tpu.memory_space<semaphore_mem>>)
      } else {
      }
      %dma_wait3A_490 = arith.constant 5 : i32
      %dma_wait3A_491 = arith.constant 5 : i32
      %dma_wait3A_492 = arith.constant 0 : i32
      %dma_wait3A_493 = arith.constant 0 : i32
      %dma_wait3A_494 = tpu.memref_slice %arg8[%dma_wait3A_490, %dma_wait3A_492, %dma_wait3A_493] : memref<8x128x16xf32, #tpu.memory_space<vmem>> -> memref<1x128x16xf32, #tpu.memory_space<vmem>>
      %dma_wait3A_495 = tpu.memref_squeeze %dma_wait3A_494 : memref<1x128x16xf32, #tpu.memory_space<vmem>> -> memref<128x16xf32, #tpu.memory_space<vmem>>
      %dma_wait3A_496 = arith.constant 0 : i32
      %dma_wait3A_497 = tpu.memref_slice %arg7[%add3A_305, %dma_wait3A_496] : memref<80x128xi32, #tpu.memory_space<vmem>> -> memref<1x128xi32, #tpu.memory_space<vmem>>
      %dma_wait3A_498 = tpu.memref_squeeze %dma_wait3A_497 : memref<1x128xi32, #tpu.memory_space<vmem>> -> memref<128xi32, #tpu.memory_space<vmem>>
      %dma_wait3A_499 = arith.constant 0 : i32
      %dma_wait3A_500 = arith.constant 0 : i32
      %dma_wait3A_501 = tpu.memref_slice %arg10[%dma_wait3A_499, %dma_wait3A_500] : memref<10240x16xf32, #tpu.memory_space<vmem_shared>> -> memref<10240x16xf32, #tpu.memory_space<vmem_shared>>
      %dma_wait3A_502 = tpu.memref_slice %arg12[%dma_wait3A_491] : memref<8x!tpu.dma_semaphore, #tpu.memory_space<semaphore_mem>> -> memref<1x!tpu.dma_semaphore, #tpu.memory_space<semaphore_mem>>
      %dma_wait3A_503 = tpu.memref_squeeze %dma_wait3A_502 : memref<1x!tpu.dma_semaphore, #tpu.memory_space<semaphore_mem>> -> memref<!tpu.dma_semaphore, #tpu.memory_space<semaphore_mem>>
      tpu.wait_indirect_dma semaphore(%dma_wait3A_503 : memref<!tpu.dma_semaphore, #tpu.memory_space<semaphore_mem>>) src(%dma_wait3A_495 : memref<128x16xf32, #tpu.memory_space<vmem>>) dst(%dma_wait3A_501 : memref<10240x16xf32, #tpu.memory_space<vmem_shared>>)
      %lt3A_504 = arith.constant 9 : i32
      %lt3A_505 = arith.cmpi slt, %scan3A_141, %lt3A_504 : i32
      %convert_element_type3A_506 = arith.extui %lt3A_505 : i1 to i32
      %cond3A_507 = arith.constant 0 : i32
      %cond3A_508 = arith.cmpi ne, %convert_element_type3A_506, %cond3A_507 : i32
      scf.if %cond3A_508 {
        %add3A_548 = arith.constant 1 : i32
        %add3A_549 = arith.addi %scan3A_141, %add3A_548 : i32
        %mul3A_550 = arith.constant 8 : i32
        %mul3A_551 = arith.muli %add3A_549, %mul3A_550 : i32
        %add3A_552 = arith.constant 5 : i32
        %add3A_553 = arith.addi %mul3A_551, %add3A_552 : i32
        %dma_start3A_554 = arith.constant 5 : i32
        %dma_start3A_555 = arith.constant 5 : i32
        %dma_start3A_556 = arith.constant 0 : i32
        %dma_start3A_557 = arith.constant 0 : i32
        %dma_start3A_558 = tpu.memref_slice %arg8[%dma_start3A_554, %dma_start3A_556, %dma_start3A_557] : memref<8x128x16xf32, #tpu.memory_space<vmem>> -> memref<1x128x16xf32, #tpu.memory_space<vmem>>
        %dma_start3A_559 = tpu.memref_squeeze %dma_start3A_558 : memref<1x128x16xf32, #tpu.memory_space<vmem>> -> memref<128x16xf32, #tpu.memory_space<vmem>>
        %dma_start3A_560 = arith.constant 0 : i32
        %dma_start3A_561 = tpu.memref_slice %arg6[%add3A_553, %dma_start3A_560] : memref<80x128xi32, #tpu.memory_space<vmem>> -> memref<1x128xi32, #tpu.memory_space<vmem>>
        %dma_start3A_562 = tpu.memref_squeeze %dma_start3A_561 : memref<1x128xi32, #tpu.memory_space<vmem>> -> memref<128xi32, #tpu.memory_space<vmem>>
        %dma_start3A_563 = arith.constant 0 : i32
        %dma_start3A_564 = arith.constant 0 : i32
        %dma_start3A_565 = tpu.memref_slice %arg2[%dma_start3A_563, %dma_start3A_564] : memref<10240x16xf32, #tpu.memory_space<hbm>> -> memref<10240x16xf32, #tpu.memory_space<hbm>>
        %dma_start3A_566 = tpu.memref_slice %arg11[%dma_start3A_555] : memref<8x!tpu.dma_semaphore, #tpu.memory_space<semaphore_mem>> -> memref<1x!tpu.dma_semaphore, #tpu.memory_space<semaphore_mem>>
        %dma_start3A_567 = tpu.memref_squeeze %dma_start3A_566 : memref<1x!tpu.dma_semaphore, #tpu.memory_space<semaphore_mem>> -> memref<!tpu.dma_semaphore, #tpu.memory_space<semaphore_mem>>
        tpu.enqueue_indirect_dma source(%dma_start3A_565 : memref<10240x16xf32, #tpu.memory_space<hbm>>) target(%dma_start3A_559 : memref<128x16xf32, #tpu.memory_space<vmem>>) offsets(%dma_start3A_562 : memref<128xi32, #tpu.memory_space<vmem>>) semaphore(%dma_start3A_567 : memref<!tpu.dma_semaphore, #tpu.memory_space<semaphore_mem>>)
      } else {
      }
      %dma_wait3A_509 = arith.constant 6 : i32
      %dma_wait3A_510 = arith.constant 6 : i32
      %dma_wait3A_511 = arith.constant 0 : i32
      %dma_wait3A_512 = arith.constant 0 : i32
      %dma_wait3A_513 = tpu.memref_slice %arg8[%dma_wait3A_509, %dma_wait3A_511, %dma_wait3A_512] : memref<8x128x16xf32, #tpu.memory_space<vmem>> -> memref<1x128x16xf32, #tpu.memory_space<vmem>>
      %dma_wait3A_514 = tpu.memref_squeeze %dma_wait3A_513 : memref<1x128x16xf32, #tpu.memory_space<vmem>> -> memref<128x16xf32, #tpu.memory_space<vmem>>
      %dma_wait3A_515 = arith.constant 0 : i32
      %dma_wait3A_516 = tpu.memref_slice %arg7[%add3A_337, %dma_wait3A_515] : memref<80x128xi32, #tpu.memory_space<vmem>> -> memref<1x128xi32, #tpu.memory_space<vmem>>
      %dma_wait3A_517 = tpu.memref_squeeze %dma_wait3A_516 : memref<1x128xi32, #tpu.memory_space<vmem>> -> memref<128xi32, #tpu.memory_space<vmem>>
      %dma_wait3A_518 = arith.constant 0 : i32
      %dma_wait3A_519 = arith.constant 0 : i32
      %dma_wait3A_520 = tpu.memref_slice %arg10[%dma_wait3A_518, %dma_wait3A_519] : memref<10240x16xf32, #tpu.memory_space<vmem_shared>> -> memref<10240x16xf32, #tpu.memory_space<vmem_shared>>
      %dma_wait3A_521 = tpu.memref_slice %arg12[%dma_wait3A_510] : memref<8x!tpu.dma_semaphore, #tpu.memory_space<semaphore_mem>> -> memref<1x!tpu.dma_semaphore, #tpu.memory_space<semaphore_mem>>
      %dma_wait3A_522 = tpu.memref_squeeze %dma_wait3A_521 : memref<1x!tpu.dma_semaphore, #tpu.memory_space<semaphore_mem>> -> memref<!tpu.dma_semaphore, #tpu.memory_space<semaphore_mem>>
      tpu.wait_indirect_dma semaphore(%dma_wait3A_522 : memref<!tpu.dma_semaphore, #tpu.memory_space<semaphore_mem>>) src(%dma_wait3A_514 : memref<128x16xf32, #tpu.memory_space<vmem>>) dst(%dma_wait3A_520 : memref<10240x16xf32, #tpu.memory_space<vmem_shared>>)
      %lt3A_523 = arith.constant 9 : i32
      %lt3A_524 = arith.cmpi slt, %scan3A_141, %lt3A_523 : i32
      %convert_element_type3A_525 = arith.extui %lt3A_524 : i1 to i32
      %cond3A_526 = arith.constant 0 : i32
      %cond3A_527 = arith.cmpi ne, %convert_element_type3A_525, %cond3A_526 : i32
      scf.if %cond3A_527 {
        %add3A_548 = arith.constant 1 : i32
        %add3A_549 = arith.addi %scan3A_141, %add3A_548 : i32
        %mul3A_550 = arith.constant 8 : i32
        %mul3A_551 = arith.muli %add3A_549, %mul3A_550 : i32
        %add3A_552 = arith.constant 6 : i32
        %add3A_553 = arith.addi %mul3A_551, %add3A_552 : i32
        %dma_start3A_554 = arith.constant 6 : i32
        %dma_start3A_555 = arith.constant 6 : i32
        %dma_start3A_556 = arith.constant 0 : i32
        %dma_start3A_557 = arith.constant 0 : i32
        %dma_start3A_558 = tpu.memref_slice %arg8[%dma_start3A_554, %dma_start3A_556, %dma_start3A_557] : memref<8x128x16xf32, #tpu.memory_space<vmem>> -> memref<1x128x16xf32, #tpu.memory_space<vmem>>
        %dma_start3A_559 = tpu.memref_squeeze %dma_start3A_558 : memref<1x128x16xf32, #tpu.memory_space<vmem>> -> memref<128x16xf32, #tpu.memory_space<vmem>>
        %dma_start3A_560 = arith.constant 0 : i32
        %dma_start3A_561 = tpu.memref_slice %arg6[%add3A_553, %dma_start3A_560] : memref<80x128xi32, #tpu.memory_space<vmem>> -> memref<1x128xi32, #tpu.memory_space<vmem>>
        %dma_start3A_562 = tpu.memref_squeeze %dma_start3A_561 : memref<1x128xi32, #tpu.memory_space<vmem>> -> memref<128xi32, #tpu.memory_space<vmem>>
        %dma_start3A_563 = arith.constant 0 : i32
        %dma_start3A_564 = arith.constant 0 : i32
        %dma_start3A_565 = tpu.memref_slice %arg2[%dma_start3A_563, %dma_start3A_564] : memref<10240x16xf32, #tpu.memory_space<hbm>> -> memref<10240x16xf32, #tpu.memory_space<hbm>>
        %dma_start3A_566 = tpu.memref_slice %arg11[%dma_start3A_555] : memref<8x!tpu.dma_semaphore, #tpu.memory_space<semaphore_mem>> -> memref<1x!tpu.dma_semaphore, #tpu.memory_space<semaphore_mem>>
        %dma_start3A_567 = tpu.memref_squeeze %dma_start3A_566 : memref<1x!tpu.dma_semaphore, #tpu.memory_space<semaphore_mem>> -> memref<!tpu.dma_semaphore, #tpu.memory_space<semaphore_mem>>
        tpu.enqueue_indirect_dma source(%dma_start3A_565 : memref<10240x16xf32, #tpu.memory_space<hbm>>) target(%dma_start3A_559 : memref<128x16xf32, #tpu.memory_space<vmem>>) offsets(%dma_start3A_562 : memref<128xi32, #tpu.memory_space<vmem>>) semaphore(%dma_start3A_567 : memref<!tpu.dma_semaphore, #tpu.memory_space<semaphore_mem>>)
      } else {
      }
      %dma_wait3A_528 = arith.constant 7 : i32
      %dma_wait3A_529 = arith.constant 7 : i32
      %dma_wait3A_530 = arith.constant 0 : i32
      %dma_wait3A_531 = arith.constant 0 : i32
      %dma_wait3A_532 = tpu.memref_slice %arg8[%dma_wait3A_528, %dma_wait3A_530, %dma_wait3A_531] : memref<8x128x16xf32, #tpu.memory_space<vmem>> -> memref<1x128x16xf32, #tpu.memory_space<vmem>>
      %dma_wait3A_533 = tpu.memref_squeeze %dma_wait3A_532 : memref<1x128x16xf32, #tpu.memory_space<vmem>> -> memref<128x16xf32, #tpu.memory_space<vmem>>
      %dma_wait3A_534 = arith.constant 0 : i32
      %dma_wait3A_535 = tpu.memref_slice %arg7[%add3A_369, %dma_wait3A_534] : memref<80x128xi32, #tpu.memory_space<vmem>> -> memref<1x128xi32, #tpu.memory_space<vmem>>
      %dma_wait3A_536 = tpu.memref_squeeze %dma_wait3A_535 : memref<1x128xi32, #tpu.memory_space<vmem>> -> memref<128xi32, #tpu.memory_space<vmem>>
      %dma_wait3A_537 = arith.constant 0 : i32
      %dma_wait3A_538 = arith.constant 0 : i32
      %dma_wait3A_539 = tpu.memref_slice %arg10[%dma_wait3A_537, %dma_wait3A_538] : memref<10240x16xf32, #tpu.memory_space<vmem_shared>> -> memref<10240x16xf32, #tpu.memory_space<vmem_shared>>
      %dma_wait3A_540 = tpu.memref_slice %arg12[%dma_wait3A_529] : memref<8x!tpu.dma_semaphore, #tpu.memory_space<semaphore_mem>> -> memref<1x!tpu.dma_semaphore, #tpu.memory_space<semaphore_mem>>
      %dma_wait3A_541 = tpu.memref_squeeze %dma_wait3A_540 : memref<1x!tpu.dma_semaphore, #tpu.memory_space<semaphore_mem>> -> memref<!tpu.dma_semaphore, #tpu.memory_space<semaphore_mem>>
      tpu.wait_indirect_dma semaphore(%dma_wait3A_541 : memref<!tpu.dma_semaphore, #tpu.memory_space<semaphore_mem>>) src(%dma_wait3A_533 : memref<128x16xf32, #tpu.memory_space<vmem>>) dst(%dma_wait3A_539 : memref<10240x16xf32, #tpu.memory_space<vmem_shared>>)
      %lt3A_542 = arith.constant 9 : i32
      %lt3A_543 = arith.cmpi slt, %scan3A_141, %lt3A_542 : i32
      %convert_element_type3A_544 = arith.extui %lt3A_543 : i1 to i32
      %cond3A_545 = arith.constant 0 : i32
      %cond3A_546 = arith.cmpi ne, %convert_element_type3A_544, %cond3A_545 : i32
      scf.if %cond3A_546 {
        %add3A_548 = arith.constant 1 : i32
        %add3A_549 = arith.addi %scan3A_141, %add3A_548 : i32
        %mul3A_550 = arith.constant 8 : i32
        %mul3A_551 = arith.muli %add3A_549, %mul3A_550 : i32
        %add3A_552 = arith.constant 7 : i32
        %add3A_553 = arith.addi %mul3A_551, %add3A_552 : i32
        %dma_start3A_554 = arith.constant 7 : i32
        %dma_start3A_555 = arith.constant 7 : i32
        %dma_start3A_556 = arith.constant 0 : i32
        %dma_start3A_557 = arith.constant 0 : i32
        %dma_start3A_558 = tpu.memref_slice %arg8[%dma_start3A_554, %dma_start3A_556, %dma_start3A_557] : memref<8x128x16xf32, #tpu.memory_space<vmem>> -> memref<1x128x16xf32, #tpu.memory_space<vmem>>
        %dma_start3A_559 = tpu.memref_squeeze %dma_start3A_558 : memref<1x128x16xf32, #tpu.memory_space<vmem>> -> memref<128x16xf32, #tpu.memory_space<vmem>>
        %dma_start3A_560 = arith.constant 0 : i32
        %dma_start3A_561 = tpu.memref_slice %arg6[%add3A_553, %dma_start3A_560] : memref<80x128xi32, #tpu.memory_space<vmem>> -> memref<1x128xi32, #tpu.memory_space<vmem>>
        %dma_start3A_562 = tpu.memref_squeeze %dma_start3A_561 : memref<1x128xi32, #tpu.memory_space<vmem>> -> memref<128xi32, #tpu.memory_space<vmem>>
        %dma_start3A_563 = arith.constant 0 : i32
        %dma_start3A_564 = arith.constant 0 : i32
        %dma_start3A_565 = tpu.memref_slice %arg2[%dma_start3A_563, %dma_start3A_564] : memref<10240x16xf32, #tpu.memory_space<hbm>> -> memref<10240x16xf32, #tpu.memory_space<hbm>>
        %dma_start3A_566 = tpu.memref_slice %arg11[%dma_start3A_555] : memref<8x!tpu.dma_semaphore, #tpu.memory_space<semaphore_mem>> -> memref<1x!tpu.dma_semaphore, #tpu.memory_space<semaphore_mem>>
        %dma_start3A_567 = tpu.memref_squeeze %dma_start3A_566 : memref<1x!tpu.dma_semaphore, #tpu.memory_space<semaphore_mem>> -> memref<!tpu.dma_semaphore, #tpu.memory_space<semaphore_mem>>
        tpu.enqueue_indirect_dma source(%dma_start3A_565 : memref<10240x16xf32, #tpu.memory_space<hbm>>) target(%dma_start3A_559 : memref<128x16xf32, #tpu.memory_space<vmem>>) offsets(%dma_start3A_562 : memref<128xi32, #tpu.memory_space<vmem>>) semaphore(%dma_start3A_567 : memref<!tpu.dma_semaphore, #tpu.memory_space<semaphore_mem>>)
      } else {
      }
      %scan3A_547 = arith.constant 0 : i32
      scf.yield %scan3A_547 : i32
    }
    %scan3A_135 = arith.constant 10 : i32
    %barrier3A_136 = arith.constant 0 : index
    tpu.barrier barrier_id(%barrier3A_136)
    %mul3A_137 = arith.constant 640 : i32
    %mul3A_138 = arith.muli %arg1, %mul3A_137 : i32
    %mul3A_139 = arith.constant 640 : i32
    %mul3A_140 = arith.muli %arg1, %mul3A_139 : i32
    "tpu.region"() ({
      %run_scoped3A = tpu.sem_alloc : memref<!tpu.dma_semaphore, #tpu.memory_space<semaphore_mem>>
      %dma_start3A_141 = arith.constant 0 : i32
      %dma_start3A_142 = arith.constant 0 : i32
      %dma_start3A_143 = tpu.memref_slice %arg5[%arg0, %dma_start3A_141, %dma_start3A_142] : memref<2x10240x16xf32, #tpu.memory_space<hbm>> -> memref<1x10240x16xf32, #tpu.memory_space<hbm>>
      %dma_start3A_144 = tpu.memref_squeeze %dma_start3A_143 : memref<1x10240x16xf32, #tpu.memory_space<hbm>> -> memref<10240x16xf32, #tpu.memory_space<hbm>>
      %dma_start3A_145 = arith.constant 0 : i32
      %dma_start3A_146 = tpu.memref_slice %dma_start3A_144[%mul3A_140, %dma_start3A_145] : memref<10240x16xf32, #tpu.memory_space<hbm>> -> memref<640x16xf32, #tpu.memory_space<hbm>>
      %dma_start3A_147 = arith.constant 0 : i32
      %dma_start3A_148 = tpu.memref_slice %arg10[%mul3A_138, %dma_start3A_147] : memref<10240x16xf32, #tpu.memory_space<vmem_shared>> -> memref<640x16xf32, #tpu.memory_space<vmem_shared>>
      tpu.enqueue_dma source(%dma_start3A_148 : memref<640x16xf32, #tpu.memory_space<vmem_shared>>) target(%dma_start3A_146 : memref<640x16xf32, #tpu.memory_space<hbm>>) target_semaphore(%run_scoped3A : memref<!tpu.dma_semaphore, #tpu.memory_space<semaphore_mem>>)
      %dma_wait3A = arith.constant 0 : i32
      %dma_wait3A_149 = arith.constant 0 : i32
      %dma_wait3A_150 = tpu.memref_slice %arg5[%arg0, %dma_wait3A, %dma_wait3A_149] : memref<2x10240x16xf32, #tpu.memory_space<hbm>> -> memref<1x10240x16xf32, #tpu.memory_space<hbm>>
      %dma_wait3A_151 = tpu.memref_squeeze %dma_wait3A_150 : memref<1x10240x16xf32, #tpu.memory_space<hbm>> -> memref<10240x16xf32, #tpu.memory_space<hbm>>
      %dma_wait3A_152 = arith.constant 0 : i32
      %dma_wait3A_153 = tpu.memref_slice %dma_wait3A_151[%mul3A_140, %dma_wait3A_152] : memref<10240x16xf32, #tpu.memory_space<hbm>> -> memref<640x16xf32, #tpu.memory_space<hbm>>
      %dma_wait3A_154 = arith.constant 0 : i32
      %dma_wait3A_155 = tpu.memref_slice %arg10[%mul3A_138, %dma_wait3A_154] : memref<10240x16xf32, #tpu.memory_space<vmem_shared>> -> memref<640x16xf32, #tpu.memory_space<vmem_shared>>
      tpu.wait_dma2 semaphore(%run_scoped3A : memref<!tpu.dma_semaphore, #tpu.memory_space<semaphore_mem>>) src(%dma_wait3A_155 : memref<640x16xf32, #tpu.memory_space<vmem_shared>>) dst(%dma_wait3A_153 : memref<640x16xf32, #tpu.memory_space<hbm>>)
      tpu.yield
    }) : () -> ()
    return
  }
}

module attributes {stable_mosaic.version = 14 : i64} {
  func.func @body(%arg0: memref<10000x128xf32, #tpu.memory_space<vmem>>, %arg1: memref<128x16xf32, #tpu.memory_space<vmem>>, %arg2: memref<10240x16xf32, #tpu.memory_space<vmem>>) attributes {dimension_semantics = [], scalar_prefetch = 0 : i64, scratch_operands = 0 : i64, tpu.core_type = #tpu.core_type<tc>} {
    %get3A = arith.constant 0 : index
    %get3A_0 = arith.constant 0 : index
    %get3A_1 = vector.load %arg0[%get3A, %get3A_0] : memref<10000x128xf32, #tpu.memory_space<vmem>>, vector<10000x128xf32>
    %get3A_2 = arith.constant 0 : index
    %get3A_3 = arith.constant 0 : index
    %get3A_4 = vector.load %arg1[%get3A_2, %get3A_3] : memref<128x16xf32, #tpu.memory_space<vmem>>, vector<128x16xf32>
    %dot_general3A = arith.constant dense<0.000000e+00> : vector<10000x16xf32>
    %dot_general3A_5 = tpu.matmul %get3A_1, %get3A_4, %dot_general3A {dimension_numbers = #tpu.dot_dimension_numbers<[1], [0], [0], [1], [0, 0, 1, 1], [], []>, transpose_lhs_hint = false} : vector<10000x128xf32>, vector<128x16xf32>, vector<10000x16xf32> -> vector<10000x16xf32>
    %swap3A = arith.constant 0 : index
    %swap3A_6 = arith.constant 0 : index
    %swap3A_7 = vector.load %arg2[%swap3A, %swap3A_6] : memref<10240x16xf32, #tpu.memory_space<vmem>>, vector<10000x16xf32>
    tpu.vector_store %arg2[%swap3A, %swap3A_6], %dot_general3A_5 {strides = array<i32>} : memref<10240x16xf32, #tpu.memory_space<vmem>>, vector<10000x16xf32>,
    %broadcast_in_dim3A = arith.constant 0.000000e+00 : f32
    %broadcast_in_dim3A_8 = vector.broadcast %broadcast_in_dim3A : f32 to vector<240x16xf32>
    %swap3A_9 = arith.constant 10000 : index
    %swap3A_10 = arith.constant 0 : index
    %swap3A_11 = vector.load %arg2[%swap3A_9, %swap3A_10] : memref<10240x16xf32, #tpu.memory_space<vmem>>, vector<240x16xf32>
    tpu.vector_store %arg2[%swap3A_9, %swap3A_10], %broadcast_in_dim3A_8 {strides = array<i32>} : memref<10240x16xf32, #tpu.memory_space<vmem>>, vector<240x16xf32>,
    return
  }
}

module attributes {stable_mosaic.version = 14 : i64} {
  func.func @body(%arg0: memref<10240x16xf32, #tpu.memory_space<vmem>>, %arg1: memref<2x1280x128xf32, #tpu.memory_space<vmem>>, %arg2: memref<1280x128xf32, #tpu.memory_space<vmem>>, %arg3: memref<1280x128xf32, #tpu.memory_space<vmem>>, %arg4: memref<1280x128xf32, #tpu.memory_space<vmem>>) attributes {dimension_semantics = [], scalar_prefetch = 0 : i64, scratch_operands = 0 : i64, tpu.core_type = #tpu.core_type<tc>} {
    %get3A = arith.constant 0 : index
    %get3A_0 = arith.constant 0 : index
    %get3A_1 = arith.constant 0 : index
    %get3A_2 = vector.load %arg1[%get3A, %get3A_0, %get3A_1] : memref<2x1280x128xf32, #tpu.memory_space<vmem>>, vector<1x1280x128xf32>
    %get3A_3 = vector.shape_cast %get3A_2 : vector<1x1280x128xf32> to vector<1280x128xf32>
    %get3A_4 = arith.constant 1 : index
    %get3A_5 = arith.constant 0 : index
    %get3A_6 = arith.constant 0 : index
    %get3A_7 = vector.load %arg1[%get3A_4, %get3A_5, %get3A_6] : memref<2x1280x128xf32, #tpu.memory_space<vmem>>, vector<1x1280x128xf32>
    %get3A_8 = vector.shape_cast %get3A_7 : vector<1x1280x128xf32> to vector<1280x128xf32>
    %add3A = arith.addf %get3A_3, %get3A_8 : vector<1280x128xf32>
    %add3A_9 = arith.constant 1.000000e+00 : f32
    %add3A_10 = vector.broadcast %add3A_9 : f32 to vector<1280x128xf32>
    %add3A_11 = arith.addf %add3A, %add3A_10 : vector<1280x128xf32>
    %rsqrt3A = math.rsqrt %add3A_11 : vector<1280x128xf32>
    %iota3A = tpu.iota {dimensions = array<i32: 0>} : vector<16x128xi32>
    %iota3A_12 = tpu.iota {dimensions = array<i32: 1>} : vector<16x128xi32>
    %broadcast_in_dim3A = arith.constant 0.000000e+00 : f32
    %broadcast_in_dim3A_13 = vector.broadcast %broadcast_in_dim3A : f32 to vector<1280x128xf32>
    %add3A_14 = arith.constant 0 : i32
    %add3A_15 = vector.broadcast %add3A_14 : i32 to vector<16x128xi32>
    %add3A_16 = arith.addi %iota3A, %add3A_15 : vector<16x128xi32>
    %eq3A = arith.cmpi eq, %iota3A_12, %add3A_16 : vector<16x128xi32>
    %convert_element_type3A = arith.extui %eq3A : vector<16x128xi1> to vector<16x128xi32>
    %convert_element_type3A_17 = arith.sitofp %convert_element_type3A : vector<16x128xi32> to vector<16x128xf32>
    %get3A_18 = arith.constant 0 : index
    %get3A_19 = arith.constant 0 : index
    %get3A_20 = vector.load %arg0[%get3A_18, %get3A_19] : memref<10240x16xf32, #tpu.memory_space<vmem>>, vector<1280x16xf32>
    %dot_general3A = arith.constant dense<0.000000e+00> : vector<1280x128xf32>
    %dot_general3A_21 = tpu.matmul %get3A_20, %convert_element_type3A_17, %dot_general3A {dimension_numbers = #tpu.dot_dimension_numbers<[1], [0], [0], [1], [0, 0, 1, 1], [], []>, transpose_lhs_hint = false} : vector<1280x16xf32>, vector<16x128xf32>, vector<1280x128xf32> -> vector<1280x128xf32>
    %add3A_22 = arith.addf %broadcast_in_dim3A_13, %dot_general3A_21 : vector<1280x128xf32>
    %add3A_23 = arith.constant 16 : i32
    %add3A_24 = vector.broadcast %add3A_23 : i32 to vector<16x128xi32>
    %add3A_25 = arith.addi %iota3A, %add3A_24 : vector<16x128xi32>
    %eq3A_26 = arith.cmpi eq, %iota3A_12, %add3A_25 : vector<16x128xi32>
    %convert_element_type3A_27 = arith.extui %eq3A_26 : vector<16x128xi1> to vector<16x128xi32>
    %convert_element_type3A_28 = arith.sitofp %convert_element_type3A_27 : vector<16x128xi32> to vector<16x128xf32>
    %get3A_29 = arith.constant 1280 : index
    %get3A_30 = arith.constant 0 : index
    %get3A_31 = vector.load %arg0[%get3A_29, %get3A_30] : memref<10240x16xf32, #tpu.memory_space<vmem>>, vector<1280x16xf32>
    %dot_general3A_32 = arith.constant dense<0.000000e+00> : vector<1280x128xf32>
    %dot_general3A_33 = tpu.matmul %get3A_31, %convert_element_type3A_28, %dot_general3A_32 {dimension_numbers = #tpu.dot_dimension_numbers<[1], [0], [0], [1], [0, 0, 1, 1], [], []>, transpose_lhs_hint = false} : vector<1280x16xf32>, vector<16x128xf32>, vector<1280x128xf32> -> vector<1280x128xf32>
    %add3A_34 = arith.addf %add3A_22, %dot_general3A_33 : vector<1280x128xf32>
    %add3A_35 = arith.constant 32 : i32
    %add3A_36 = vector.broadcast %add3A_35 : i32 to vector<16x128xi32>
    %add3A_37 = arith.addi %iota3A, %add3A_36 : vector<16x128xi32>
    %eq3A_38 = arith.cmpi eq, %iota3A_12, %add3A_37 : vector<16x128xi32>
    %convert_element_type3A_39 = arith.extui %eq3A_38 : vector<16x128xi1> to vector<16x128xi32>
    %convert_element_type3A_40 = arith.sitofp %convert_element_type3A_39 : vector<16x128xi32> to vector<16x128xf32>
    %get3A_41 = arith.constant 2560 : index
    %get3A_42 = arith.constant 0 : index
    %get3A_43 = vector.load %arg0[%get3A_41, %get3A_42] : memref<10240x16xf32, #tpu.memory_space<vmem>>, vector<1280x16xf32>
    %dot_general3A_44 = arith.constant dense<0.000000e+00> : vector<1280x128xf32>
    %dot_general3A_45 = tpu.matmul %get3A_43, %convert_element_type3A_40, %dot_general3A_44 {dimension_numbers = #tpu.dot_dimension_numbers<[1], [0], [0], [1], [0, 0, 1, 1], [], []>, transpose_lhs_hint = false} : vector<1280x16xf32>, vector<16x128xf32>, vector<1280x128xf32> -> vector<1280x128xf32>
    %add3A_46 = arith.addf %add3A_34, %dot_general3A_45 : vector<1280x128xf32>
    %add3A_47 = arith.constant 48 : i32
    %add3A_48 = vector.broadcast %add3A_47 : i32 to vector<16x128xi32>
    %add3A_49 = arith.addi %iota3A, %add3A_48 : vector<16x128xi32>
    %eq3A_50 = arith.cmpi eq, %iota3A_12, %add3A_49 : vector<16x128xi32>
    %convert_element_type3A_51 = arith.extui %eq3A_50 : vector<16x128xi1> to vector<16x128xi32>
    %convert_element_type3A_52 = arith.sitofp %convert_element_type3A_51 : vector<16x128xi32> to vector<16x128xf32>
    %get3A_53 = arith.constant 3840 : index
    %get3A_54 = arith.constant 0 : index
    %get3A_55 = vector.load %arg0[%get3A_53, %get3A_54] : memref<10240x16xf32, #tpu.memory_space<vmem>>, vector<1280x16xf32>
    %dot_general3A_56 = arith.constant dense<0.000000e+00> : vector<1280x128xf32>
    %dot_general3A_57 = tpu.matmul %get3A_55, %convert_element_type3A_52, %dot_general3A_56 {dimension_numbers = #tpu.dot_dimension_numbers<[1], [0], [0], [1], [0, 0, 1, 1], [], []>, transpose_lhs_hint = false} : vector<1280x16xf32>, vector<16x128xf32>, vector<1280x128xf32> -> vector<1280x128xf32>
    %add3A_58 = arith.addf %add3A_46, %dot_general3A_57 : vector<1280x128xf32>
    %add3A_59 = arith.constant 64 : i32
    %add3A_60 = vector.broadcast %add3A_59 : i32 to vector<16x128xi32>
    %add3A_61 = arith.addi %iota3A, %add3A_60 : vector<16x128xi32>
    %eq3A_62 = arith.cmpi eq, %iota3A_12, %add3A_61 : vector<16x128xi32>
    %convert_element_type3A_63 = arith.extui %eq3A_62 : vector<16x128xi1> to vector<16x128xi32>
    %convert_element_type3A_64 = arith.sitofp %convert_element_type3A_63 : vector<16x128xi32> to vector<16x128xf32>
    %get3A_65 = arith.constant 5120 : index
    %get3A_66 = arith.constant 0 : index
    %get3A_67 = vector.load %arg0[%get3A_65, %get3A_66] : memref<10240x16xf32, #tpu.memory_space<vmem>>, vector<1280x16xf32>
    %dot_general3A_68 = arith.constant dense<0.000000e+00> : vector<1280x128xf32>
    %dot_general3A_69 = tpu.matmul %get3A_67, %convert_element_type3A_64, %dot_general3A_68 {dimension_numbers = #tpu.dot_dimension_numbers<[1], [0], [0], [1], [0, 0, 1, 1], [], []>, transpose_lhs_hint = false} : vector<1280x16xf32>, vector<16x128xf32>, vector<1280x128xf32> -> vector<1280x128xf32>
    %add3A_70 = arith.addf %add3A_58, %dot_general3A_69 : vector<1280x128xf32>
    %add3A_71 = arith.constant 80 : i32
    %add3A_72 = vector.broadcast %add3A_71 : i32 to vector<16x128xi32>
    %add3A_73 = arith.addi %iota3A, %add3A_72 : vector<16x128xi32>
    %eq3A_74 = arith.cmpi eq, %iota3A_12, %add3A_73 : vector<16x128xi32>
    %convert_element_type3A_75 = arith.extui %eq3A_74 : vector<16x128xi1> to vector<16x128xi32>
    %convert_element_type3A_76 = arith.sitofp %convert_element_type3A_75 : vector<16x128xi32> to vector<16x128xf32>
    %get3A_77 = arith.constant 6400 : index
    %get3A_78 = arith.constant 0 : index
    %get3A_79 = vector.load %arg0[%get3A_77, %get3A_78] : memref<10240x16xf32, #tpu.memory_space<vmem>>, vector<1280x16xf32>
    %dot_general3A_80 = arith.constant dense<0.000000e+00> : vector<1280x128xf32>
    %dot_general3A_81 = tpu.matmul %get3A_79, %convert_element_type3A_76, %dot_general3A_80 {dimension_numbers = #tpu.dot_dimension_numbers<[1], [0], [0], [1], [0, 0, 1, 1], [], []>, transpose_lhs_hint = false} : vector<1280x16xf32>, vector<16x128xf32>, vector<1280x128xf32> -> vector<1280x128xf32>
    %add3A_82 = arith.addf %add3A_70, %dot_general3A_81 : vector<1280x128xf32>
    %add3A_83 = arith.constant 96 : i32
    %add3A_84 = vector.broadcast %add3A_83 : i32 to vector<16x128xi32>
    %add3A_85 = arith.addi %iota3A, %add3A_84 : vector<16x128xi32>
    %eq3A_86 = arith.cmpi eq, %iota3A_12, %add3A_85 : vector<16x128xi32>
    %convert_element_type3A_87 = arith.extui %eq3A_86 : vector<16x128xi1> to vector<16x128xi32>
    %convert_element_type3A_88 = arith.sitofp %convert_element_type3A_87 : vector<16x128xi32> to vector<16x128xf32>
    %get3A_89 = arith.constant 7680 : index
    %get3A_90 = arith.constant 0 : index
    %get3A_91 = vector.load %arg0[%get3A_89, %get3A_90] : memref<10240x16xf32, #tpu.memory_space<vmem>>, vector<1280x16xf32>
    %dot_general3A_92 = arith.constant dense<0.000000e+00> : vector<1280x128xf32>
    %dot_general3A_93 = tpu.matmul %get3A_91, %convert_element_type3A_88, %dot_general3A_92 {dimension_numbers = #tpu.dot_dimension_numbers<[1], [0], [0], [1], [0, 0, 1, 1], [], []>, transpose_lhs_hint = false} : vector<1280x16xf32>, vector<16x128xf32>, vector<1280x128xf32> -> vector<1280x128xf32>
    %add3A_94 = arith.addf %add3A_82, %dot_general3A_93 : vector<1280x128xf32>
    %add3A_95 = arith.constant 112 : i32
    %add3A_96 = vector.broadcast %add3A_95 : i32 to vector<16x128xi32>
    %add3A_97 = arith.addi %iota3A, %add3A_96 : vector<16x128xi32>
    %eq3A_98 = arith.cmpi eq, %iota3A_12, %add3A_97 : vector<16x128xi32>
    %convert_element_type3A_99 = arith.extui %eq3A_98 : vector<16x128xi1> to vector<16x128xi32>
    %convert_element_type3A_100 = arith.sitofp %convert_element_type3A_99 : vector<16x128xi32> to vector<16x128xf32>
    %get3A_101 = arith.constant 8960 : index
    %get3A_102 = arith.constant 0 : index
    %get3A_103 = vector.load %arg0[%get3A_101, %get3A_102] : memref<10240x16xf32, #tpu.memory_space<vmem>>, vector<1280x16xf32>
    %dot_general3A_104 = arith.constant dense<0.000000e+00> : vector<1280x128xf32>
    %dot_general3A_105 = tpu.matmul %get3A_103, %convert_element_type3A_100, %dot_general3A_104 {dimension_numbers = #tpu.dot_dimension_numbers<[1], [0], [0], [1], [0, 0, 1, 1], [], []>, transpose_lhs_hint = false} : vector<1280x16xf32>, vector<16x128xf32>, vector<1280x128xf32> -> vector<1280x128xf32>
    %add3A_106 = arith.addf %add3A_94, %dot_general3A_105 : vector<1280x128xf32>
    %mul3A = arith.mulf %rsqrt3A, %add3A_106 : vector<1280x128xf32>
    %swap3A = arith.constant 0 : index
    %swap3A_107 = arith.constant 0 : index
    %swap3A_108 = vector.load %arg2[%swap3A, %swap3A_107] : memref<1280x128xf32, #tpu.memory_space<vmem>>, vector<1280x128xf32>
    tpu.vector_store %arg2[%swap3A, %swap3A_107], %mul3A {strides = array<i32>} : memref<1280x128xf32, #tpu.memory_space<vmem>>, vector<1280x128xf32>,
    %swap3A_109 = arith.constant 0 : index
    %swap3A_110 = arith.constant 0 : index
    %swap3A_111 = vector.load %arg3[%swap3A_109, %swap3A_110] : memref<1280x128xf32, #tpu.memory_space<vmem>>, vector<1280x128xf32>
    tpu.vector_store %arg3[%swap3A_109, %swap3A_110], %rsqrt3A {strides = array<i32>} : memref<1280x128xf32, #tpu.memory_space<vmem>>, vector<1280x128xf32>,
    %mul3A_112 = arith.mulf %rsqrt3A, %rsqrt3A : vector<1280x128xf32>
    %mul3A_113 = arith.mulf %mul3A_112, %add3A_106 : vector<1280x128xf32>
    %swap3A_114 = arith.constant 0 : index
    %swap3A_115 = arith.constant 0 : index
    %swap3A_116 = vector.load %arg4[%swap3A_114, %swap3A_115] : memref<1280x128xf32, #tpu.memory_space<vmem>>, vector<1280x128xf32>
    tpu.vector_store %arg4[%swap3A_114, %swap3A_115], %mul3A_113 {strides = array<i32>} : memref<1280x128xf32, #tpu.memory_space<vmem>>, vector<1280x128xf32>,
    return
  }
}

module attributes {stable_mosaic.version = 14 : i64} {
  func.func @body(%arg0: memref<2x1280x128xf32, #tpu.memory_space<vmem>>, %arg1: memref<1280x128xf32, #tpu.memory_space<vmem>>, %arg2: memref<1280x128xf32, #tpu.memory_space<vmem>>, %arg3: memref<1x128xf32, #tpu.memory_space<vmem>>, %arg4: memref<1280x128xf32, #tpu.memory_space<vmem>>, %arg5: memref<1280x128xf32, #tpu.memory_space<vmem>>) attributes {dimension_semantics = [], scalar_prefetch = 0 : i64, scratch_operands = 0 : i64, tpu.core_type = #tpu.core_type<tc>} {
    %get3A = arith.constant 0 : index
    %get3A_0 = arith.constant 0 : index
    %get3A_1 = vector.load %arg1[%get3A, %get3A_0] : memref<1280x128xf32, #tpu.memory_space<vmem>>, vector<1280x128xf32>
    %get3A_2 = arith.constant 0 : index
    %get3A_3 = arith.constant 0 : index
    %get3A_4 = arith.constant 0 : index
    %get3A_5 = vector.load %arg0[%get3A_2, %get3A_3, %get3A_4] : memref<2x1280x128xf32, #tpu.memory_space<vmem>>, vector<1x1280x128xf32>
    %get3A_6 = vector.shape_cast %get3A_5 : vector<1x1280x128xf32> to vector<1280x128xf32>
    %get3A_7 = arith.constant 1 : index
    %get3A_8 = arith.constant 0 : index
    %get3A_9 = arith.constant 0 : index
    %get3A_10 = vector.load %arg0[%get3A_7, %get3A_8, %get3A_9] : memref<2x1280x128xf32, #tpu.memory_space<vmem>>, vector<1x1280x128xf32>
    %get3A_11 = vector.shape_cast %get3A_10 : vector<1x1280x128xf32> to vector<1280x128xf32>
    %add3A = arith.addf %get3A_6, %get3A_11 : vector<1280x128xf32>
    %mul3A = arith.mulf %get3A_1, %add3A : vector<1280x128xf32>
    %get3A_12 = arith.constant 0 : index
    %get3A_13 = arith.constant 0 : index
    %get3A_14 = vector.load %arg2[%get3A_12, %get3A_13] : memref<1280x128xf32, #tpu.memory_space<vmem>>, vector<1280x128xf32>
    %add3A_15 = arith.addf %mul3A, %get3A_14 : vector<1280x128xf32>
    %get3A_16 = arith.constant 0 : index
    %get3A_17 = arith.constant 0 : index
    %get3A_18 = vector.load %arg3[%get3A_16, %get3A_17] : memref<1x128xf32, #tpu.memory_space<vmem>>, vector<1x128xf32>
    %add3A_19 = vector.broadcast %get3A_18 : vector<1x128xf32> to vector<1280x128xf32>
    %add3A_20 = arith.addf %add3A_15, %add3A_19 : vector<1280x128xf32>
    %max3A = arith.constant 0.000000e+00 : f32
    %max3A_21 = vector.broadcast %max3A : f32 to vector<1280x128xf32>
    %max3A_22 = arith.maximumf %add3A_20, %max3A_21 : vector<1280x128xf32>
    %mul3A_23 = arith.mulf %get3A_1, %max3A_22 : vector<1280x128xf32>
    %swap3A = arith.constant 0 : index
    %swap3A_24 = arith.constant 0 : index
    %swap3A_25 = vector.load %arg4[%swap3A, %swap3A_24] : memref<1280x128xf32, #tpu.memory_space<vmem>>, vector<1280x128xf32>
    tpu.vector_store %arg4[%swap3A, %swap3A_24], %mul3A_23 {strides = array<i32>} : memref<1280x128xf32, #tpu.memory_space<vmem>>, vector<1280x128xf32>,
    %mul3A_26 = arith.mulf %get3A_1, %get3A_1 : vector<1280x128xf32>
    %mul3A_27 = arith.mulf %mul3A_26, %max3A_22 : vector<1280x128xf32>
    %swap3A_28 = arith.constant 0 : index
    %swap3A_29 = arith.constant 0 : index
    %swap3A_30 = vector.load %arg5[%swap3A_28, %swap3A_29] : memref<1280x128xf32, #tpu.memory_space<vmem>>, vector<1280x128xf32>
    tpu.vector_store %arg5[%swap3A_28, %swap3A_29], %mul3A_27 {strides = array<i32>} : memref<1280x128xf32, #tpu.memory_space<vmem>>, vector<1280x128xf32>,
    return
  }
}

module attributes {stable_mosaic.version = 14 : i64} {
  func.func @body(%arg0: memref<2x1280x128xf32, #tpu.memory_space<vmem>>, %arg1: memref<1280x128xf32, #tpu.memory_space<vmem>>, %arg2: memref<1280x128xf32, #tpu.memory_space<vmem>>, %arg3: memref<128x64xf32, #tpu.memory_space<vmem>>, %arg4: memref<1x64xf32, #tpu.memory_space<vmem>>, %arg5: memref<10000x64xf32, #tpu.memory_space<vmem>>) attributes {dimension_semantics = [], scalar_prefetch = 0 : i64, scratch_operands = 0 : i64, tpu.core_type = #tpu.core_type<tc>} {
    %get3A = arith.constant 0 : index
    %get3A_0 = arith.constant 0 : index
    %get3A_1 = vector.load %arg1[%get3A, %get3A_0] : memref<1280x128xf32, #tpu.memory_space<vmem>>, vector<1280x128xf32>
    %get3A_2 = arith.constant 0 : index
    %get3A_3 = arith.constant 0 : index
    %get3A_4 = arith.constant 0 : index
    %get3A_5 = vector.load %arg0[%get3A_2, %get3A_3, %get3A_4] : memref<2x1280x128xf32, #tpu.memory_space<vmem>>, vector<1x1280x128xf32>
    %get3A_6 = vector.shape_cast %get3A_5 : vector<1x1280x128xf32> to vector<1280x128xf32>
    %get3A_7 = arith.constant 1 : index
    %get3A_8 = arith.constant 0 : index
    %get3A_9 = arith.constant 0 : index
    %get3A_10 = vector.load %arg0[%get3A_7, %get3A_8, %get3A_9] : memref<2x1280x128xf32, #tpu.memory_space<vmem>>, vector<1x1280x128xf32>
    %get3A_11 = vector.shape_cast %get3A_10 : vector<1x1280x128xf32> to vector<1280x128xf32>
    %add3A = arith.addf %get3A_6, %get3A_11 : vector<1280x128xf32>
    %mul3A = arith.mulf %get3A_1, %add3A : vector<1280x128xf32>
    %get3A_12 = arith.constant 0 : index
    %get3A_13 = arith.constant 0 : index
    %get3A_14 = vector.load %arg2[%get3A_12, %get3A_13] : memref<1280x128xf32, #tpu.memory_space<vmem>>, vector<1280x128xf32>
    %add3A_15 = arith.addf %mul3A, %get3A_14 : vector<1280x128xf32>
    %iota3A = tpu.iota {dimensions = array<i32: 0>} : vector<128x64xi32>
    %jit3A = arith.constant 16 : i32
    %div3A = vector.broadcast %jit3A : i32 to vector<128x64xi32>
    %div3A_16 = arith.divsi %iota3A, %div3A : vector<128x64xi32>
    %sign3A = arith.constant 0 : i32
    %sign3A_17 = vector.broadcast %sign3A : i32 to vector<128x64xi32>
    %sign3A_18 = arith.cmpi sgt, %iota3A, %sign3A_17 : vector<128x64xi32>
    %sign3A_19 = arith.extui %sign3A_18 : vector<128x64xi1> to vector<128x64xi32>
    %sign3A_20 = arith.constant 0 : i32
    %sign3A_21 = vector.broadcast %sign3A_20 : i32 to vector<128x64xi32>
    %sign3A_22 = arith.cmpi slt, %iota3A, %sign3A_21 : vector<128x64xi32>
    %sign3A_23 = arith.extui %sign3A_22 : vector<128x64xi1> to vector<128x64xi32>
    %sign3A_24 = arith.subi %sign3A_19, %sign3A_23 : vector<128x64xi32>
    %sign3A_25 = arith.constant 0 : i32
    %sign3A_26 = arith.cmpi sgt, %jit3A, %sign3A_25 : i32
    %sign3A_27 = arith.extui %sign3A_26 : i1 to i32
    %sign3A_28 = arith.constant 0 : i32
    %sign3A_29 = arith.cmpi slt, %jit3A, %sign3A_28 : i32
    %sign3A_30 = arith.extui %sign3A_29 : i1 to i32
    %sign3A_31 = arith.subi %sign3A_27, %sign3A_30 : i32
    %ne3A = vector.broadcast %sign3A_31 : i32 to vector<128x64xi32>
    %ne3A_32 = arith.cmpi ne, %sign3A_24, %ne3A : vector<128x64xi32>
    %rem3A = vector.broadcast %jit3A : i32 to vector<128x64xi32>
    %rem3A_33 = arith.remsi %iota3A, %rem3A : vector<128x64xi32>
    %ne3A_34 = arith.constant 0 : i32
    %ne3A_35 = vector.broadcast %ne3A_34 : i32 to vector<128x64xi32>
    %ne3A_36 = arith.cmpi ne, %rem3A_33, %ne3A_35 : vector<128x64xi32>
    %and3A = arith.andi %ne3A_32, %ne3A_36 : vector<128x64xi1>
    %sub3A = arith.constant 1 : i32
    %sub3A_37 = vector.broadcast %sub3A : i32 to vector<128x64xi32>
    %sub3A_38 = arith.subi %div3A_16, %sub3A_37 : vector<128x64xi32>
    %select_n3A = arith.select %and3A, %sub3A_38, %div3A_16 : vector<128x64xi1>, vector<128x64xi32>
    %get3A_39 = arith.constant 0 : index
    %get3A_40 = arith.constant 0 : index
    %get3A_41 = vector.load %arg3[%get3A_39, %get3A_40] : memref<128x64xf32, #tpu.memory_space<vmem>>, vector<128x64xf32>
    %eq3A = arith.constant 0 : i32
    %eq3A_42 = vector.broadcast %eq3A : i32 to vector<128x64xi32>
    %eq3A_43 = arith.cmpi eq, %select_n3A, %eq3A_42 : vector<128x64xi32>
    %jit3A_44 = arith.constant 0.000000e+00 : f32
    %broadcast_in_dim3A = vector.broadcast %jit3A_44 : f32 to vector<128x64xf32>
    %select_n3A_45 = arith.select %eq3A_43, %get3A_41, %broadcast_in_dim3A : vector<128x64xi1>, vector<128x64xf32>
    %dot_general3A = arith.constant dense<0.000000e+00> : vector<1280x64xf32>
    %dot_general3A_46 = tpu.matmul %add3A_15, %select_n3A_45, %dot_general3A {dimension_numbers = #tpu.dot_dimension_numbers<[1], [0], [0], [1], [0, 0, 1, 1], [], []>, transpose_lhs_hint = false} : vector<1280x128xf32>, vector<128x64xf32>, vector<1280x64xf32> -> vector<1280x64xf32>
    %get3A_47 = arith.constant 0 : index
    %get3A_48 = arith.constant 0 : index
    %get3A_49 = vector.load %arg4[%get3A_47, %get3A_48] : memref<1x64xf32, #tpu.memory_space<vmem>>, vector<1x64xf32>
    %add3A_50 = vector.broadcast %get3A_49 : vector<1x64xf32> to vector<1280x64xf32>
    %add3A_51 = arith.addf %dot_general3A_46, %add3A_50 : vector<1280x64xf32>
    %reduce_max3A = arith.constant dense<0xFF800000> : vector<1280xf32>
    %reduce_max3A_52 = vector.multi_reduction <maximumf>, %add3A_51, %reduce_max3A [1] : vector<1280x64xf32> to vector<1280xf32>
    %broadcast_in_dim3A_53 = vector.shape_cast %reduce_max3A_52 : vector<1280xf32> to vector<1280x1xf32>
    %sub3A_54 = vector.broadcast %broadcast_in_dim3A_53 : vector<1280x1xf32> to vector<1280x64xf32>
    %sub3A_55 = arith.subf %add3A_51, %sub3A_54 : vector<1280x64xf32>
    %exp3A = math.exp %sub3A_55 : vector<1280x64xf32>
    %reduce_sum3A = arith.constant dense<0.000000e+00> : vector<1280xf32>
    %reduce_sum3A_56 = vector.multi_reduction <add>, %exp3A, %reduce_sum3A [1] : vector<1280x64xf32> to vector<1280xf32>
    %broadcast_in_dim3A_57 = vector.shape_cast %reduce_sum3A_56 : vector<1280xf32> to vector<1280x1xf32>
    %log3A = math.log %broadcast_in_dim3A_57 : vector<1280x1xf32>
    %add3A_58 = arith.addf %broadcast_in_dim3A_53, %log3A : vector<1280x1xf32>
    %sub3A_59 = vector.broadcast %add3A_58 : vector<1280x1xf32> to vector<1280x64xf32>
    %sub3A_60 = arith.subf %add3A_51, %sub3A_59 : vector<1280x64xf32>
    %swap3A = arith.constant 0 : index
    %swap3A_61 = arith.constant 0 : index
    %swap3A_62 = vector.load %arg5[%swap3A, %swap3A_61] : memref<10000x64xf32, #tpu.memory_space<vmem>>, vector<1280x64xf32>
    tpu.vector_store %arg5[%swap3A, %swap3A_61], %sub3A_60 {strides = array<i32>} : memref<10000x64xf32, #tpu.memory_space<vmem>>, vector<1280x64xf32>,
    %eq3A_63 = arith.constant 1 : i32
    %eq3A_64 = vector.broadcast %eq3A_63 : i32 to vector<128x64xi32>
    %eq3A_65 = arith.cmpi eq, %select_n3A, %eq3A_64 : vector<128x64xi32>
    %jit3A_66 = arith.constant 0.000000e+00 : f32
    %broadcast_in_dim3A_67 = vector.broadcast %jit3A_66 : f32 to vector<128x64xf32>
    %select_n3A_68 = arith.select %eq3A_65, %get3A_41, %broadcast_in_dim3A_67 : vector<128x64xi1>, vector<128x64xf32>
    %dot_general3A_69 = arith.constant dense<0.000000e+00> : vector<1280x64xf32>
    %dot_general3A_70 = tpu.matmul %add3A_15, %select_n3A_68, %dot_general3A_69 {dimension_numbers = #tpu.dot_dimension_numbers<[1], [0], [0], [1], [0, 0, 1, 1], [], []>, transpose_lhs_hint = false} : vector<1280x128xf32>, vector<128x64xf32>, vector<1280x64xf32> -> vector<1280x64xf32>
    %get3A_71 = arith.constant 0 : index
    %get3A_72 = arith.constant 0 : index
    %get3A_73 = vector.load %arg4[%get3A_71, %get3A_72] : memref<1x64xf32, #tpu.memory_space<vmem>>, vector<1x64xf32>
    %add3A_74 = vector.broadcast %get3A_73 : vector<1x64xf32> to vector<1280x64xf32>
    %add3A_75 = arith.addf %dot_general3A_70, %add3A_74 : vector<1280x64xf32>
    %reduce_max3A_76 = arith.constant dense<0xFF800000> : vector<1280xf32>
    %reduce_max3A_77 = vector.multi_reduction <maximumf>, %add3A_75, %reduce_max3A_76 [1] : vector<1280x64xf32> to vector<1280xf32>
    %broadcast_in_dim3A_78 = vector.shape_cast %reduce_max3A_77 : vector<1280xf32> to vector<1280x1xf32>
    %sub3A_79 = vector.broadcast %broadcast_in_dim3A_78 : vector<1280x1xf32> to vector<1280x64xf32>
    %sub3A_80 = arith.subf %add3A_75, %sub3A_79 : vector<1280x64xf32>
    %exp3A_81 = math.exp %sub3A_80 : vector<1280x64xf32>
    %reduce_sum3A_82 = arith.constant dense<0.000000e+00> : vector<1280xf32>
    %reduce_sum3A_83 = vector.multi_reduction <add>, %exp3A_81, %reduce_sum3A_82 [1] : vector<1280x64xf32> to vector<1280xf32>
    %broadcast_in_dim3A_84 = vector.shape_cast %reduce_sum3A_83 : vector<1280xf32> to vector<1280x1xf32>
    %log3A_85 = math.log %broadcast_in_dim3A_84 : vector<1280x1xf32>
    %add3A_86 = arith.addf %broadcast_in_dim3A_78, %log3A_85 : vector<1280x1xf32>
    %sub3A_87 = vector.broadcast %add3A_86 : vector<1280x1xf32> to vector<1280x64xf32>
    %sub3A_88 = arith.subf %add3A_75, %sub3A_87 : vector<1280x64xf32>
    %swap3A_89 = arith.constant 1280 : index
    %swap3A_90 = arith.constant 0 : index
    %swap3A_91 = vector.load %arg5[%swap3A_89, %swap3A_90] : memref<10000x64xf32, #tpu.memory_space<vmem>>, vector<1280x64xf32>
    tpu.vector_store %arg5[%swap3A_89, %swap3A_90], %sub3A_88 {strides = array<i32>} : memref<10000x64xf32, #tpu.memory_space<vmem>>, vector<1280x64xf32>,
    %eq3A_92 = arith.constant 2 : i32
    %eq3A_93 = vector.broadcast %eq3A_92 : i32 to vector<128x64xi32>
    %eq3A_94 = arith.cmpi eq, %select_n3A, %eq3A_93 : vector<128x64xi32>
    %jit3A_95 = arith.constant 0.000000e+00 : f32
    %broadcast_in_dim3A_96 = vector.broadcast %jit3A_95 : f32 to vector<128x64xf32>
    %select_n3A_97 = arith.select %eq3A_94, %get3A_41, %broadcast_in_dim3A_96 : vector<128x64xi1>, vector<128x64xf32>
    %dot_general3A_98 = arith.constant dense<0.000000e+00> : vector<1280x64xf32>
    %dot_general3A_99 = tpu.matmul %add3A_15, %select_n3A_97, %dot_general3A_98 {dimension_numbers = #tpu.dot_dimension_numbers<[1], [0], [0], [1], [0, 0, 1, 1], [], []>, transpose_lhs_hint = false} : vector<1280x128xf32>, vector<128x64xf32>, vector<1280x64xf32> -> vector<1280x64xf32>
    %get3A_100 = arith.constant 0 : index
    %get3A_101 = arith.constant 0 : index
    %get3A_102 = vector.load %arg4[%get3A_100, %get3A_101] : memref<1x64xf32, #tpu.memory_space<vmem>>, vector<1x64xf32>
    %add3A_103 = vector.broadcast %get3A_102 : vector<1x64xf32> to vector<1280x64xf32>
    %add3A_104 = arith.addf %dot_general3A_99, %add3A_103 : vector<1280x64xf32>
    %reduce_max3A_105 = arith.constant dense<0xFF800000> : vector<1280xf32>
    %reduce_max3A_106 = vector.multi_reduction <maximumf>, %add3A_104, %reduce_max3A_105 [1] : vector<1280x64xf32> to vector<1280xf32>
    %broadcast_in_dim3A_107 = vector.shape_cast %reduce_max3A_106 : vector<1280xf32> to vector<1280x1xf32>
    %sub3A_108 = vector.broadcast %broadcast_in_dim3A_107 : vector<1280x1xf32> to vector<1280x64xf32>
    %sub3A_109 = arith.subf %add3A_104, %sub3A_108 : vector<1280x64xf32>
    %exp3A_110 = math.exp %sub3A_109 : vector<1280x64xf32>
    %reduce_sum3A_111 = arith.constant dense<0.000000e+00> : vector<1280xf32>
    %reduce_sum3A_112 = vector.multi_reduction <add>, %exp3A_110, %reduce_sum3A_111 [1] : vector<1280x64xf32> to vector<1280xf32>
    %broadcast_in_dim3A_113 = vector.shape_cast %reduce_sum3A_112 : vector<1280xf32> to vector<1280x1xf32>
    %log3A_114 = math.log %broadcast_in_dim3A_113 : vector<1280x1xf32>
    %add3A_115 = arith.addf %broadcast_in_dim3A_107, %log3A_114 : vector<1280x1xf32>
    %sub3A_116 = vector.broadcast %add3A_115 : vector<1280x1xf32> to vector<1280x64xf32>
    %sub3A_117 = arith.subf %add3A_104, %sub3A_116 : vector<1280x64xf32>
    %swap3A_118 = arith.constant 2560 : index
    %swap3A_119 = arith.constant 0 : index
    %swap3A_120 = vector.load %arg5[%swap3A_118, %swap3A_119] : memref<10000x64xf32, #tpu.memory_space<vmem>>, vector<1280x64xf32>
    tpu.vector_store %arg5[%swap3A_118, %swap3A_119], %sub3A_117 {strides = array<i32>} : memref<10000x64xf32, #tpu.memory_space<vmem>>, vector<1280x64xf32>,
    %eq3A_121 = arith.constant 3 : i32
    %eq3A_122 = vector.broadcast %eq3A_121 : i32 to vector<128x64xi32>
    %eq3A_123 = arith.cmpi eq, %select_n3A, %eq3A_122 : vector<128x64xi32>
    %jit3A_124 = arith.constant 0.000000e+00 : f32
    %broadcast_in_dim3A_125 = vector.broadcast %jit3A_124 : f32 to vector<128x64xf32>
    %select_n3A_126 = arith.select %eq3A_123, %get3A_41, %broadcast_in_dim3A_125 : vector<128x64xi1>, vector<128x64xf32>
    %dot_general3A_127 = arith.constant dense<0.000000e+00> : vector<1280x64xf32>
    %dot_general3A_128 = tpu.matmul %add3A_15, %select_n3A_126, %dot_general3A_127 {dimension_numbers = #tpu.dot_dimension_numbers<[1], [0], [0], [1], [0, 0, 1, 1], [], []>, transpose_lhs_hint = false} : vector<1280x128xf32>, vector<128x64xf32>, vector<1280x64xf32> -> vector<1280x64xf32>
    %get3A_129 = arith.constant 0 : index
    %get3A_130 = arith.constant 0 : index
    %get3A_131 = vector.load %arg4[%get3A_129, %get3A_130] : memref<1x64xf32, #tpu.memory_space<vmem>>, vector<1x64xf32>
    %add3A_132 = vector.broadcast %get3A_131 : vector<1x64xf32> to vector<1280x64xf32>
    %add3A_133 = arith.addf %dot_general3A_128, %add3A_132 : vector<1280x64xf32>
    %reduce_max3A_134 = arith.constant dense<0xFF800000> : vector<1280xf32>
    %reduce_max3A_135 = vector.multi_reduction <maximumf>, %add3A_133, %reduce_max3A_134 [1] : vector<1280x64xf32> to vector<1280xf32>
    %broadcast_in_dim3A_136 = vector.shape_cast %reduce_max3A_135 : vector<1280xf32> to vector<1280x1xf32>
    %sub3A_137 = vector.broadcast %broadcast_in_dim3A_136 : vector<1280x1xf32> to vector<1280x64xf32>
    %sub3A_138 = arith.subf %add3A_133, %sub3A_137 : vector<1280x64xf32>
    %exp3A_139 = math.exp %sub3A_138 : vector<1280x64xf32>
    %reduce_sum3A_140 = arith.constant dense<0.000000e+00> : vector<1280xf32>
    %reduce_sum3A_141 = vector.multi_reduction <add>, %exp3A_139, %reduce_sum3A_140 [1] : vector<1280x64xf32> to vector<1280xf32>
    %broadcast_in_dim3A_142 = vector.shape_cast %reduce_sum3A_141 : vector<1280xf32> to vector<1280x1xf32>
    %log3A_143 = math.log %broadcast_in_dim3A_142 : vector<1280x1xf32>
    %add3A_144 = arith.addf %broadcast_in_dim3A_136, %log3A_143 : vector<1280x1xf32>
    %sub3A_145 = vector.broadcast %add3A_144 : vector<1280x1xf32> to vector<1280x64xf32>
    %sub3A_146 = arith.subf %add3A_133, %sub3A_145 : vector<1280x64xf32>
    %swap3A_147 = arith.constant 3840 : index
    %swap3A_148 = arith.constant 0 : index
    %swap3A_149 = vector.load %arg5[%swap3A_147, %swap3A_148] : memref<10000x64xf32, #tpu.memory_space<vmem>>, vector<1280x64xf32>
    tpu.vector_store %arg5[%swap3A_147, %swap3A_148], %sub3A_146 {strides = array<i32>} : memref<10000x64xf32, #tpu.memory_space<vmem>>, vector<1280x64xf32>,
    %eq3A_150 = arith.constant 4 : i32
    %eq3A_151 = vector.broadcast %eq3A_150 : i32 to vector<128x64xi32>
    %eq3A_152 = arith.cmpi eq, %select_n3A, %eq3A_151 : vector<128x64xi32>
    %jit3A_153 = arith.constant 0.000000e+00 : f32
    %broadcast_in_dim3A_154 = vector.broadcast %jit3A_153 : f32 to vector<128x64xf32>
    %select_n3A_155 = arith.select %eq3A_152, %get3A_41, %broadcast_in_dim3A_154 : vector<128x64xi1>, vector<128x64xf32>
    %dot_general3A_156 = arith.constant dense<0.000000e+00> : vector<1280x64xf32>
    %dot_general3A_157 = tpu.matmul %add3A_15, %select_n3A_155, %dot_general3A_156 {dimension_numbers = #tpu.dot_dimension_numbers<[1], [0], [0], [1], [0, 0, 1, 1], [], []>, transpose_lhs_hint = false} : vector<1280x128xf32>, vector<128x64xf32>, vector<1280x64xf32> -> vector<1280x64xf32>
    %get3A_158 = arith.constant 0 : index
    %get3A_159 = arith.constant 0 : index
    %get3A_160 = vector.load %arg4[%get3A_158, %get3A_159] : memref<1x64xf32, #tpu.memory_space<vmem>>, vector<1x64xf32>
    %add3A_161 = vector.broadcast %get3A_160 : vector<1x64xf32> to vector<1280x64xf32>
    %add3A_162 = arith.addf %dot_general3A_157, %add3A_161 : vector<1280x64xf32>
    %reduce_max3A_163 = arith.constant dense<0xFF800000> : vector<1280xf32>
    %reduce_max3A_164 = vector.multi_reduction <maximumf>, %add3A_162, %reduce_max3A_163 [1] : vector<1280x64xf32> to vector<1280xf32>
    %broadcast_in_dim3A_165 = vector.shape_cast %reduce_max3A_164 : vector<1280xf32> to vector<1280x1xf32>
    %sub3A_166 = vector.broadcast %broadcast_in_dim3A_165 : vector<1280x1xf32> to vector<1280x64xf32>
    %sub3A_167 = arith.subf %add3A_162, %sub3A_166 : vector<1280x64xf32>
    %exp3A_168 = math.exp %sub3A_167 : vector<1280x64xf32>
    %reduce_sum3A_169 = arith.constant dense<0.000000e+00> : vector<1280xf32>
    %reduce_sum3A_170 = vector.multi_reduction <add>, %exp3A_168, %reduce_sum3A_169 [1] : vector<1280x64xf32> to vector<1280xf32>
    %broadcast_in_dim3A_171 = vector.shape_cast %reduce_sum3A_170 : vector<1280xf32> to vector<1280x1xf32>
    %log3A_172 = math.log %broadcast_in_dim3A_171 : vector<1280x1xf32>
    %add3A_173 = arith.addf %broadcast_in_dim3A_165, %log3A_172 : vector<1280x1xf32>
    %sub3A_174 = vector.broadcast %add3A_173 : vector<1280x1xf32> to vector<1280x64xf32>
    %sub3A_175 = arith.subf %add3A_162, %sub3A_174 : vector<1280x64xf32>
    %swap3A_176 = arith.constant 5120 : index
    %swap3A_177 = arith.constant 0 : index
    %swap3A_178 = vector.load %arg5[%swap3A_176, %swap3A_177] : memref<10000x64xf32, #tpu.memory_space<vmem>>, vector<1280x64xf32>
    tpu.vector_store %arg5[%swap3A_176, %swap3A_177], %sub3A_175 {strides = array<i32>} : memref<10000x64xf32, #tpu.memory_space<vmem>>, vector<1280x64xf32>,
    %eq3A_179 = arith.constant 5 : i32
    %eq3A_180 = vector.broadcast %eq3A_179 : i32 to vector<128x64xi32>
    %eq3A_181 = arith.cmpi eq, %select_n3A, %eq3A_180 : vector<128x64xi32>
    %jit3A_182 = arith.constant 0.000000e+00 : f32
    %broadcast_in_dim3A_183 = vector.broadcast %jit3A_182 : f32 to vector<128x64xf32>
    %select_n3A_184 = arith.select %eq3A_181, %get3A_41, %broadcast_in_dim3A_183 : vector<128x64xi1>, vector<128x64xf32>
    %dot_general3A_185 = arith.constant dense<0.000000e+00> : vector<1280x64xf32>
    %dot_general3A_186 = tpu.matmul %add3A_15, %select_n3A_184, %dot_general3A_185 {dimension_numbers = #tpu.dot_dimension_numbers<[1], [0], [0], [1], [0, 0, 1, 1], [], []>, transpose_lhs_hint = false} : vector<1280x128xf32>, vector<128x64xf32>, vector<1280x64xf32> -> vector<1280x64xf32>
    %get3A_187 = arith.constant 0 : index
    %get3A_188 = arith.constant 0 : index
    %get3A_189 = vector.load %arg4[%get3A_187, %get3A_188] : memref<1x64xf32, #tpu.memory_space<vmem>>, vector<1x64xf32>
    %add3A_190 = vector.broadcast %get3A_189 : vector<1x64xf32> to vector<1280x64xf32>
    %add3A_191 = arith.addf %dot_general3A_186, %add3A_190 : vector<1280x64xf32>
    %reduce_max3A_192 = arith.constant dense<0xFF800000> : vector<1280xf32>
    %reduce_max3A_193 = vector.multi_reduction <maximumf>, %add3A_191, %reduce_max3A_192 [1] : vector<1280x64xf32> to vector<1280xf32>
    %broadcast_in_dim3A_194 = vector.shape_cast %reduce_max3A_193 : vector<1280xf32> to vector<1280x1xf32>
    %sub3A_195 = vector.broadcast %broadcast_in_dim3A_194 : vector<1280x1xf32> to vector<1280x64xf32>
    %sub3A_196 = arith.subf %add3A_191, %sub3A_195 : vector<1280x64xf32>
    %exp3A_197 = math.exp %sub3A_196 : vector<1280x64xf32>
    %reduce_sum3A_198 = arith.constant dense<0.000000e+00> : vector<1280xf32>
    %reduce_sum3A_199 = vector.multi_reduction <add>, %exp3A_197, %reduce_sum3A_198 [1] : vector<1280x64xf32> to vector<1280xf32>
    %broadcast_in_dim3A_200 = vector.shape_cast %reduce_sum3A_199 : vector<1280xf32> to vector<1280x1xf32>
    %log3A_201 = math.log %broadcast_in_dim3A_200 : vector<1280x1xf32>
    %add3A_202 = arith.addf %broadcast_in_dim3A_194, %log3A_201 : vector<1280x1xf32>
    %sub3A_203 = vector.broadcast %add3A_202 : vector<1280x1xf32> to vector<1280x64xf32>
    %sub3A_204 = arith.subf %add3A_191, %sub3A_203 : vector<1280x64xf32>
    %swap3A_205 = arith.constant 6400 : index
    %swap3A_206 = arith.constant 0 : index
    %swap3A_207 = vector.load %arg5[%swap3A_205, %swap3A_206] : memref<10000x64xf32, #tpu.memory_space<vmem>>, vector<1280x64xf32>
    tpu.vector_store %arg5[%swap3A_205, %swap3A_206], %sub3A_204 {strides = array<i32>} : memref<10000x64xf32, #tpu.memory_space<vmem>>, vector<1280x64xf32>,
    %eq3A_208 = arith.constant 6 : i32
    %eq3A_209 = vector.broadcast %eq3A_208 : i32 to vector<128x64xi32>
    %eq3A_210 = arith.cmpi eq, %select_n3A, %eq3A_209 : vector<128x64xi32>
    %jit3A_211 = arith.constant 0.000000e+00 : f32
    %broadcast_in_dim3A_212 = vector.broadcast %jit3A_211 : f32 to vector<128x64xf32>
    %select_n3A_213 = arith.select %eq3A_210, %get3A_41, %broadcast_in_dim3A_212 : vector<128x64xi1>, vector<128x64xf32>
    %dot_general3A_214 = arith.constant dense<0.000000e+00> : vector<1280x64xf32>
    %dot_general3A_215 = tpu.matmul %add3A_15, %select_n3A_213, %dot_general3A_214 {dimension_numbers = #tpu.dot_dimension_numbers<[1], [0], [0], [1], [0, 0, 1, 1], [], []>, transpose_lhs_hint = false} : vector<1280x128xf32>, vector<128x64xf32>, vector<1280x64xf32> -> vector<1280x64xf32>
    %get3A_216 = arith.constant 0 : index
    %get3A_217 = arith.constant 0 : index
    %get3A_218 = vector.load %arg4[%get3A_216, %get3A_217] : memref<1x64xf32, #tpu.memory_space<vmem>>, vector<1x64xf32>
    %add3A_219 = vector.broadcast %get3A_218 : vector<1x64xf32> to vector<1280x64xf32>
    %add3A_220 = arith.addf %dot_general3A_215, %add3A_219 : vector<1280x64xf32>
    %reduce_max3A_221 = arith.constant dense<0xFF800000> : vector<1280xf32>
    %reduce_max3A_222 = vector.multi_reduction <maximumf>, %add3A_220, %reduce_max3A_221 [1] : vector<1280x64xf32> to vector<1280xf32>
    %broadcast_in_dim3A_223 = vector.shape_cast %reduce_max3A_222 : vector<1280xf32> to vector<1280x1xf32>
    %sub3A_224 = vector.broadcast %broadcast_in_dim3A_223 : vector<1280x1xf32> to vector<1280x64xf32>
    %sub3A_225 = arith.subf %add3A_220, %sub3A_224 : vector<1280x64xf32>
    %exp3A_226 = math.exp %sub3A_225 : vector<1280x64xf32>
    %reduce_sum3A_227 = arith.constant dense<0.000000e+00> : vector<1280xf32>
    %reduce_sum3A_228 = vector.multi_reduction <add>, %exp3A_226, %reduce_sum3A_227 [1] : vector<1280x64xf32> to vector<1280xf32>
    %broadcast_in_dim3A_229 = vector.shape_cast %reduce_sum3A_228 : vector<1280xf32> to vector<1280x1xf32>
    %log3A_230 = math.log %broadcast_in_dim3A_229 : vector<1280x1xf32>
    %add3A_231 = arith.addf %broadcast_in_dim3A_223, %log3A_230 : vector<1280x1xf32>
    %sub3A_232 = vector.broadcast %add3A_231 : vector<1280x1xf32> to vector<1280x64xf32>
    %sub3A_233 = arith.subf %add3A_220, %sub3A_232 : vector<1280x64xf32>
    %swap3A_234 = arith.constant 7680 : index
    %swap3A_235 = arith.constant 0 : index
    %swap3A_236 = vector.load %arg5[%swap3A_234, %swap3A_235] : memref<10000x64xf32, #tpu.memory_space<vmem>>, vector<1280x64xf32>
    tpu.vector_store %arg5[%swap3A_234, %swap3A_235], %sub3A_233 {strides = array<i32>} : memref<10000x64xf32, #tpu.memory_space<vmem>>, vector<1280x64xf32>,
    %eq3A_237 = arith.constant 7 : i32
    %eq3A_238 = vector.broadcast %eq3A_237 : i32 to vector<128x64xi32>
    %eq3A_239 = arith.cmpi eq, %select_n3A, %eq3A_238 : vector<128x64xi32>
    %jit3A_240 = arith.constant 0.000000e+00 : f32
    %broadcast_in_dim3A_241 = vector.broadcast %jit3A_240 : f32 to vector<128x64xf32>
    %select_n3A_242 = arith.select %eq3A_239, %get3A_41, %broadcast_in_dim3A_241 : vector<128x64xi1>, vector<128x64xf32>
    %dot_general3A_243 = arith.constant dense<0.000000e+00> : vector<1280x64xf32>
    %dot_general3A_244 = tpu.matmul %add3A_15, %select_n3A_242, %dot_general3A_243 {dimension_numbers = #tpu.dot_dimension_numbers<[1], [0], [0], [1], [0, 0, 1, 1], [], []>, transpose_lhs_hint = false} : vector<1280x128xf32>, vector<128x64xf32>, vector<1280x64xf32> -> vector<1280x64xf32>
    %get3A_245 = arith.constant 0 : index
    %get3A_246 = arith.constant 0 : index
    %get3A_247 = vector.load %arg4[%get3A_245, %get3A_246] : memref<1x64xf32, #tpu.memory_space<vmem>>, vector<1x64xf32>
    %add3A_248 = vector.broadcast %get3A_247 : vector<1x64xf32> to vector<1280x64xf32>
    %add3A_249 = arith.addf %dot_general3A_244, %add3A_248 : vector<1280x64xf32>
    %reduce_max3A_250 = arith.constant dense<0xFF800000> : vector<1280xf32>
    %reduce_max3A_251 = vector.multi_reduction <maximumf>, %add3A_249, %reduce_max3A_250 [1] : vector<1280x64xf32> to vector<1280xf32>
    %broadcast_in_dim3A_252 = vector.shape_cast %reduce_max3A_251 : vector<1280xf32> to vector<1280x1xf32>
    %sub3A_253 = vector.broadcast %broadcast_in_dim3A_252 : vector<1280x1xf32> to vector<1280x64xf32>
    %sub3A_254 = arith.subf %add3A_249, %sub3A_253 : vector<1280x64xf32>
    %exp3A_255 = math.exp %sub3A_254 : vector<1280x64xf32>
    %reduce_sum3A_256 = arith.constant dense<0.000000e+00> : vector<1280xf32>
    %reduce_sum3A_257 = vector.multi_reduction <add>, %exp3A_255, %reduce_sum3A_256 [1] : vector<1280x64xf32> to vector<1280xf32>
    %broadcast_in_dim3A_258 = vector.shape_cast %reduce_sum3A_257 : vector<1280xf32> to vector<1280x1xf32>
    %log3A_259 = math.log %broadcast_in_dim3A_258 : vector<1280x1xf32>
    %add3A_260 = arith.addf %broadcast_in_dim3A_252, %log3A_259 : vector<1280x1xf32>
    %sub3A_261 = vector.broadcast %add3A_260 : vector<1280x1xf32> to vector<1280x64xf32>
    %sub3A_262 = arith.subf %add3A_249, %sub3A_261 : vector<1280x64xf32>
    %slice3A = vector.extract_strided_slice %sub3A_262 {offsets = [0, 0], sizes = [1040, 64], strides = [1, 1]} : vector<1280x64xf32> to vector<1040x64xf32>
    %swap3A_263 = arith.constant 8960 : index
    %swap3A_264 = arith.constant 0 : index
    %swap3A_265 = vector.load %arg5[%swap3A_263, %swap3A_264] : memref<10000x64xf32, #tpu.memory_space<vmem>>, vector<1040x64xf32>
    tpu.vector_store %arg5[%swap3A_263, %swap3A_264], %slice3A {strides = array<i32>} : memref<10000x64xf32, #tpu.memory_space<vmem>>, vector<1040x64xf32>,
    return
  }
}

</mosaic_0001>

<sc_bundles>
// kernel: kernel.12.cloned.1.call-start
scs
__scs_entry_jumppad:
0x0: {  	(pc) =	sbr.rel $0x88, $3  }
0x1: {  	(tag) =	ssettag $0x0;
	lr =	simm.s32 $0x1  }
0x2: {  	[smem:$0x3F9B] =	sst lr;
	_ =	strace $0xD0000000  }
0x3: {  	_ = 	snop  }
0x4: {  	_ = 	snop  }
0x5: {  	_ = 	snop  }
0x6: {  	_ = 	snop  }
0x7: {  	_ = 	snop  }
__scs_overlays_trampoline_lowered:
0x8: {  	[smem:$0x3FAA] =	sst s0  }
0x9: {  	[smem:$0x3FAB] =	sst s1  }
0xa: {  	[smem:$0x3FAC] =	sst s2  }
0xb: {  	[smem:$0x3FAD] =	sst s3  }
0xc: {  	[smem:$0x3FAE] =	sst s4  }
0xd: {  	[smem:$0x3FAF] =	sst s5  }
0xe: {  	[smem:$0x3FB0] =	sst s6  }
0xf: {  	[smem:$0x3FB1] =	sst s7  }
0x10: {  	[smem:$0x3FB2] =	sst s8  }
0x11: {  	[smem:$0x3FB3] =	sst s9;
	s0 =	simm.s32 @!p0 $0x0  }
0x12: {  	s1 =	sld [smem:$0x3F99];
	s0 =	simm.s32 @p0 $0x1  }
0x13: {  	[smem:$0x3FB4] =	sst s0;
	s0 =	simm.s32 @!p1 $0x0  }
0x14: {  	s2 =	sld [smem:$0x3F98];
	s0 =	simm.s32 @p1 $0x1  }
0x15: {  	[smem:$0x3FB5] =	sst s0;
	s0 =	simm.s32 @!p2 $0x0  }
0x16: {  	s3 =	sld [smem:$0x3FDB];
	s0 =	simm.s32 @p2 $0x1  }
0x17: {  	s4 =	simm.s32 $0x1BF5;
	[smem:$0x3FB7] =	sst s0  }
0x18: {  	s0 =	sld [smem:$0x3F9A];
	_ =	swait.ge [sflag:s4], $0x0  }
0x19: {  	s7 =	sld [smem:$0x3F9B]  }
0x1a: {  	s8 =	sadd.s32 $0xFFFFE003, lr  }
0x1b: {  	s9 =	sadd.s32 $0xFFFFFEF7, lr;
	s5 =	simm.s32 $0xFFFFFFFF;
	p2 =	slt.u32 s8, $0xFFFFF086  }
0x1c: {  	p1 =	slt.u32 s9, $0xF7A;
	s5 =	simm.s32 @!p2 $0x0  }
0x1d: {  	s5 =	simm.s32 @p1 $0x1;
	p0 =	seq.s32 s7, s2  }
0x1e: {  	s7 =	smul.u32 @!p0 $0xF7A, s2;
	p2 =	seq.s32 @!p0 s5, $0x0  }
0x1f: {  	s9 =	smul.u32 $0xF7A, s1;
	s8 =	simm.s32 @!p0 $0x1BF5;
	p2 =	por !p2, p0  }
0x20: {  	[sflag:s8] =	ssyncset.s32 @!p0 $0xFFFFF086;
	s6 =	sadd.s32 @!p0 s3, s7;
	s7 =	simm.s32 @!p0 $0x108  }
0x21: {  	s3 =	sadd.s32 s3, s9;
	s6 =	sadd.s32 @!p0 $0x88, s6;
	s7 =	simm.s32 @p2 $0x1082  }
0x22: {  	[simem:s7], [sflag:s8] =	dma.local @!p0 [hbm:s6], $0xF7A  }
0x23: {  	s9 =	sor.u32 $0xD0000000, s2;
	s6 =	simm.s32 $0x108;
	_ =	swait.ge @!p0 [sflag:s8], $0x0  }
0x24: {  	s3 =	sadd.s32 $0x88, s3;
	s6 =	simm.s32 @!p1 $0x1082;
	[sflag:s4] =	ssyncset.s32 $0xFFFFF086  }
0x25: {  	[simem:s6], [sflag:s4] =	dma.local [hbm:s3], $0xF7A  }
0x26: {  	[smem:$0x3F9B] =	sst s1;
	(tag) =	ssettag s2;
	_ =	strace s9  }
0x27: {  	s1 =	sld [smem:$0x3FAB]  }
0x28: {  	s2 =	sld [smem:$0x3FAC]  }
0x29: {  	s4 =	sld [smem:$0x3FAE]  }
0x2a: {  	p0 =	seq.s32 s5, $0x0;
	s5 =	sld [smem:$0x3FAF]  }
0x2b: {  	s6 =	sld [smem:$0x3FB0]  }
0x2c: {  	s7 =	sld [smem:$0x3FB1]  }
0x2d: {  	s3 =	simm.s32 $0x108;
	s8 =	sld [smem:$0x3FB2]  }
0x2e: {  	s3 =	simm.s32 @!p0 $0x1082;
	s9 =	sld [smem:$0x3FB3]  }
0x2f: {  	lr =	sadd.s32 s0, s3;
	s0 =	sld [smem:$0x3FAA]  }
0x30: {  	s3 =	sld [smem:$0x3FAD]  }
0x31: {  	[smem:$0x3FB6] =	sst s10  }
0x32: {  	s10 =	sld [smem:$0x3FB4];
	_ =	sdelay $0x3  }
0x33: {  	p0 =	seq.s32 s10, $0x1;
	s10 =	sld [smem:$0x3FB6];
	_ =	sdelay $0x3  }
0x34: {  	[smem:$0x3FB6] =	sst s10  }
0x35: {  	s10 =	sld [smem:$0x3FB5];
	_ =	sdelay $0x3  }
0x36: {  	p1 =	seq.s32 s10, $0x1;
	s10 =	sld [smem:$0x3FB6];
	_ =	sdelay $0x3  }
0x37: {  	[smem:$0x3FB6] =	sst s10  }
0x38: {  	s10 =	sld [smem:$0x3FB7]  }
0x39: {  	_ = 	snop;
	(pc) =	sbr.ind lr, $3  }
0x3a: {  	_ = 	snop  }
0x3b: {  	_ = 	snop  }
0x3c: {  	p2 =	seq.s32 s10, $0x1;
	s10 =	sld [smem:$0x3FB6]  }
0x3d: {  	_ =	shalt  }
0x3e: {  	_ =	shalt  }
0x3f: {  	_ =	shalt  }
0x40: {  	_ =	shalt  }
0x41: {  	_ =	shalt  }
0x42: {  	_ =	shalt  }
0x43: {  	_ =	shalt  }
0x44: {  	_ =	shalt  }
0x45: {  	_ =	shalt  }
0x46: {  	_ =	shalt  }
0x47: {  	_ =	shalt  }
0x48: {  	_ =	shalt  }
0x49: {  	_ =	shalt  }
0x4a: {  	_ =	shalt  }
0x4b: {  	_ =	shalt  }
0x4c: {  	_ =	shalt  }
0x4d: {  	_ =	shalt  }
0x4e: {  	_ =	shalt  }
0x4f: {  	_ =	shalt  }
0x50: {  	_ =	shalt  }
0x51: {  	_ =	shalt  }
0x52: {  	_ =	shalt  }
0x53: {  	_ =	shalt  }
0x54: {  	_ =	shalt  }
0x55: {  	_ =	shalt  }
0x56: {  	_ =	shalt  }
0x57: {  	_ =	shalt  }
0x58: {  	_ =	shalt  }
0x59: {  	_ =	shalt  }
0x5a: {  	_ =	shalt  }
0x5b: {  	_ =	shalt  }
0x5c: {  	_ =	shalt  }
0x5d: {  	_ =	shalt  }
0x5e: {  	_ =	shalt  }
0x5f: {  	_ =	shalt  }
0x60: {  	_ =	shalt  }
0x61: {  	_ =	shalt  }
0x62: {  	_ =	shalt  }
0x63: {  	_ =	shalt  }
0x64: {  	_ =	shalt  }
0x65: {  	_ =	shalt  }
0x66: {  	_ =	shalt  }
0x67: {  	_ =	shalt  }
0x68: {  	_ =	shalt  }
0x69: {  	_ =	shalt  }
0x6a: {  	_ =	shalt  }
0x6b: {  	_ =	shalt  }
0x6c: {  	_ =	shalt  }
0x6d: {  	_ =	shalt  }
0x6e: {  	_ =	shalt  }
0x6f: {  	_ =	shalt  }
0x70: {  	_ =	shalt  }
0x71: {  	_ =	shalt  }
0x72: {  	_ =	shalt  }
0x73: {  	_ =	shalt  }
0x74: {  	_ =	shalt  }
0x75: {  	_ =	shalt  }
0x76: {  	_ =	shalt  }
0x77: {  	_ =	shalt  }
0x78: {  	_ =	shalt  }
0x79: {  	_ =	shalt  }
0x7a: {  	_ =	shalt  }
0x7b: {  	_ =	shalt  }
0x7c: {  	_ =	shalt  }
0x7d: {  	_ =	shalt  }
0x7e: {  	_ =	shalt  }
0x7f: {  	_ =	shalt  }
0x80: {  	_ =	shalt  }
0x81: {  	_ =	shalt  }
0x82: {  	_ =	shalt  }
0x83: {  	_ =	shalt  }
0x84: {  	_ =	shalt  }
0x85: {  	_ =	shalt  }
0x86: {  	_ =	shalt  }
0x87: {  	_ =	shalt  }
.Lfunc_end0:
.L_simem_size_0:
called_computation.1_lowered:
.L_overlay_start_0:
0x88: {  	s2 =	sld [smem:$0x3FD9]  }
0x89: {  	s3 =	sld [smem:$0x3FFE];
	_ =	sdelay $0x1  }
0x8a: {  	s1 =	srdreg.scid  }
0x8b: {  	s0 =	sand.u32 $0x1, s1  }
0x8c: {  	s17 =	sshll.u32 s0, $0xA;
	s2 =	sadd.s32 s3, s2  }
0x8d: {  	s2 =	sadd.s32 s2, s17  }
0x8e: {  	[smem:$0x3FC2] =	sst s2  }
0x8f: {  	_ = 	snop  }
0x90: {  	s2 =	sld [smem:$0x3FD0];
	(tm) =	ssettm $0x1  }
0x91: {  	s18 =	sld [smem:$0x3FFB];
	_ =	sdelay $0x3  }
0x92: {  	_ =	strace s18  }
0x93: {  	s3 =	sld [smem:$0x3FFC];
	_ =	sdelay $0x3  }
0x94: {  	_ =	strace s3  }
0x95: {  	s3 =	sld [smem:$0x3FFD];
	_ =	sdelay $0x3  }
0x96: {  	_ =	strace s3  }
0x97: {  	_ =	strace $0x8FFFFFFF  }
0x98: {  	s19 =	sld [smem:$0x3FDB];
	_ =	sdelay $0x1  }
0x99: {  	s4 =	simm.s32 $_scs_section_size  }
0x9a: {  	s5 =	simm.s32 $_size__tile_overlayer_lowered;
	s6 =	simm.s32 $_tile_overlayer_lowered  }
0x9b: {  	s22 =	simm.s32 $0x1BFF;
	s21 =	sshll.u32 s6, $0x1;
	s3 =	sadd.s32 s4, s19  }
0x9c: {  	s7 =	simm.s32 $0x0;
	s20 =	sshll.u32 s5, $0x1;
	s5 =	sadd.s32 s21, s3  }
0x9d: {  	[timem:s7], [sflag:s22] =	dma.local [hbm:s5], s20  }
0x9e: {  	_ =	swait.ge [sflag:s22], s20  }
0x9f: {  	s4 =	ssub.s32 $0x0, s20;
	[sflag:s22] =	ssyncset.done $0x0  }
0xa0: {  	[sflag:s22] =	ssyncadd.s32 s4;
	_ =	sdelay $0x1  }
0xa1: {  	s23 =	simm.s32 $0x1B8B  }
0xa2: {  	_ =	swait.ge [sflag:s23], $0x1  }
0xa3: {  	[sflag:s23] =	ssyncset.done $0x0  }
0xa4: {  	s25 =	simm.s32 $0x1B8E;
	s24 =	sld [smem:$0x3FFE];
	[sflag:s23] =	ssyncadd.s32 $0xFFFFFFFF  }
0xa5: {  	s26 =	simm.s32 $execute0_lowered;
	[smem:$0x3FD2] =	sst s25  }
0xa6: {  	s5 =	sshll.u32 s26, $0x1;
	_ =	strace $0x80000049;
	[dreg:$0x1] =	wrdreg $0xFFFFFFFF  }
0xa7: {  	s28 =	simm.s32 $_size_execute0_lowered;
	s3 =	sadd.s32 s3, s5;
	[dreg:$0x0] =	wrdreg $0x0  }
0xa8: {  	s5 =	sshll.u32 s28, $0x1;
	[dreg:$0x2] =	wrdreg s3  }
0xa9: {  	[dreg:$0x3] =	wrdreg s5  }
0xaa: {  	[dreg:$0x4] =	wrdreg $0xC0  }
0xab: {  	_ =	task [dreg:s7], $0x5FFFF  }
0xac: {  	[dreg:$0x1] =	wrdreg $0xFFFFFFFF  }
0xad: {  	[dreg:$0x0] =	wrdreg $0x60  }
0xae: {  	[dreg:$0x2] =	wrdreg s24  }
0xaf: {  	[dreg:$0x3] =	wrdreg s2  }
0xb0: {  	[dreg:$0x4] =	wrdreg $0xB8000  }
0xb1: {  	[dreg:$0x5] =	wrdreg $0x9  }
0xb2: {  	_ =	task.clear_ibuf [dreg:s7], $0x6FFFF;
	_ =	strace $0x90000049  }
0xb3: {  	s29 =	simm.s32 $0x9;
	_ =	strace $0x8000004B  }
0xb4: {  	_ =	swait.ge [sflag:s29], $0x1  }
0xb5: {  	[sflag:s29] =	ssyncadd.s32 $0xFFFFFFFF  }
0xb6: {  	_ =	strace $0x9000004B  }
0xb7: {  	_ =	sfence  }
0xb8: {  	s30 =	sld [smem:$0x0];
	_ =	sdelay $0x2  }
0xb9: {  	s31 =	sshll.u32 s1, $0xD;
	s1 =	sshrl.u32 s1, $0x2  }
0xba: {  	s3 =	sand.u32 $0x4000, s31;
	s1 =	sadd.s32 s1, s30  }
0xbb: {  	s0 =	sor.u32 s3, s0;
	s1 =	sshll.u32 s1, $0x11  }
0xbc: {  	s0 =	sor.u32 s1, s0  }
0xbd: {  	s0 =	sadd.s32 $0x8F2B, s0  }
0xbe: {  	[sflag:s0] =	ssyncadd.remote.s32 $0x1  }
0xbf: {  	_ =	sfence.sel $0xFFFF  }
0xc0: {  	[dreg:$0x0] =	wrdreg $0xFFFFFFFF;
	(pc) =	sbr.abs _section_cstart, $3  }
0xc1: {  	[dreg:$0x1] =	wrdreg $0xFFFFFFFF  }
0xc2: {  	_ =	task.clear_ibuf [dreg:s7], $0x2FFFF;
	_ =	strace $0x9FFFFFFF  }
0xc3: {  	(tm) =	ssettm $0x7FFFFFFF  }
tec
execute0_lowered:
.L_overlay_start_1:
0x0: {  	(tag) =	ssettag $0x1  }
0x1: {  	s0 =	rddreg [dreg:$0x0]  }
0x2: {  	s5 =	rddreg [dreg:$0x1]  }
0x3: {  	s1 =	srdreg.scid;
	s2 =	rddreg [dreg:$0x2]  }
0x4: {  	s8 =	stileid.u32;
	s3 =	simm.s32 $0x0;
	s12 =	simm.s32 $0x80  }
0x5: {  	s13 =	simm.s32 $0x5000;
	s14 =	simm.s32 $0x5800;
	s16 =	simm.s32 $0x6000  }
0x6: {  	s18 =	simm.s32 $0x6800;
	s20 =	simm.s32 $0x7000;
	s22 =	simm.s32 $0x7800  }
0x7: {  	s28 =	simm.s32 $0x8800;
	s29 =	simm.s32 $0x1;
	s30 =	simm.s32 $0x2  }
0x8: {  	s31 =	simm.s32 $0x3;
	s11 =	simm.s32 $0x7;
	s15 =	simm.s32 $0x8  }
0x9: {  	s17 =	simm.s32 $0x9;
	s19 =	simm.s32 $0xA;
	s1 =	sand.u32 $0x1, s1  }
0xa: {  	s21 =	simm.s32 $0xB;
	[smem:$0x7FF] =	sst s3;
	s4 =	sshll.u32 s1, $0x4  }
0xb: {  	_ =	strace $0x8000004A;
	s7 =	smul.u32 $0x5000, s1;
	s1 =	ssub.s32 $0x2, s1  }
0xc: {  	s4 =	sor.u32 s8, s4;
	s8 =	smul.u32 $0x2800, s8;
	s23 =	sshrl.u32 s1, $0x1  }
0xd: {  	s6 =	smul.u32 $0x500, s4;
	s4 =	sadd.s32 $0x1000, s0;
	s1 =	ssub.s32 s1, s23  }
0xe: {  	s23 =	simm.s32 $0xC;
	s24 =	sadd.s32 s8, s2;
	s26 =	sshrl.u32 s8, $0x3  }
0xf: {  	s1 =	smax.u32 s1, $0x1;
	s8 =	simm.s32 $0x10;
	s9 =	sadd.s32 s6, s0  }
0x10: {  	s0 =	sadd.s32 s7, s0;
	[dreg:$0x4] =	wrdreg s24;
	s5 =	sadd.s32 s5, s6  }
.Ltmp0:
0x11: {  	[dreg:$0x7] =	wrdreg s1;
	s1 =	simm.s32 $0x5;
	(pc) =	sbr.rel .LBB2_1-.Ltmp0, $4  }
0x12: {  	s6 =	simm.s32 $0xE;
	s7 =	simm.s32 $0xF;
	s25 =	sadd.s32 $0xB000, s9  }
0x13: {  	[dreg:$0x6] =	wrdreg s5;
	s0 =	sadd.s32 $0x15000, s0;
	s9 =	simm.s32 $0x6  }
0x14: {  	[dreg:$0x5] =	wrdreg s25;
	s0 =	sadd.s32 s26, s0;
	s25 =	simm.s32 $0x8000  }
0x15: {  	v0 =	vimm.f32 $0.0e+00;
	s26 =	simm.s32 $0xD;
	[dreg:$0x9] =	wrdreg s0;
	s0 =	simm.s32 $0x4  }
.LBB2_6:
0x16: {  	_ =	swait.ge [sflag:s19], $0x800  }
0x17: {  	[sflag:s19] =	ssyncset.done $0x0  }
0x18: {  	[sflag:s19] =	ssyncadd.s32 $0xFFFFF800  }
0x19: {  	_ =	swait.ge [sflag:s21], $0x800  }
0x1a: {  	[sflag:s21] =	ssyncset.done $0x0  }
0x1b: {  	[sflag:s21] =	ssyncadd.s32 $0xFFFFF800  }
0x1c: {  	_ =	swait.ge [sflag:s23], $0x800  }
0x1d: {  	[sflag:s23] =	ssyncset.done $0x0  }
0x1e: {  	[sflag:s23] =	ssyncadd.s32 $0xFFFFF800  }
0x1f: {  	_ =	swait.ge [sflag:s26], $0x800  }
0x20: {  	[sflag:s26] =	ssyncset.done $0x0  }
0x21: {  	[sflag:s26] =	ssyncadd.s32 $0xFFFFF800  }
0x22: {  	_ =	swait.ge [sflag:s6], $0x800  }
0x23: {  	[sflag:s6] =	ssyncset.done $0x0  }
0x24: {  	[sflag:s6] =	ssyncadd.s32 $0xFFFFF800  }
0x25: {  	_ =	swait.ge [sflag:s7], $0x800  }
0x26: {  	[sflag:s7] =	ssyncset.done $0x0  }
0x27: {  	[sflag:s7] =	ssyncadd.s32 $0xFFFFF800  }
0x28: {  	_ =	swait.ge [sflag:s8], $0x800  }
0x29: {  	[sflag:s8] =	ssyncset.done $0x0  }
0x2a: {  	[sflag:s8] =	ssyncadd.s32 $0xFFFFF800  }
0x2b: {  	s5 =	stileid.u32;
	[bflag:$0x0] =	sbarrier.arrive $0xFFFF  }
0x2c: {  	s5 =	sshll.u32 s5, $0x6;
	s10 =	rddreg [dreg:$0x4]  }
0x2d: {  	s5 =	sor.u32 $0x1C11, s5;
	s24 =	rddreg [dreg:$0x9];
	s10 =	sshrl.u32 s10, $0x3  }
0x2e: {  	[hbm:s24], [sflag:s5] =	dma.local [spmem:s10], $0x500  }
0x2f: {  	s10 =	simm.s32 $0x11  }
0x30: {  	_ =	swait.ge [sflag:s10], $0x500  }
0x31: {  	s3 =	sadd.s32 $0x1, s3;
	s24 =	rddreg [dreg:$0x7]  }
0x32: {  	p0 =	sne.s32 s3, s24  }
.Ltmp1:
0x33: {  	_ = 	snop;
	(pc) =	sbr.rel @!p0 .LBB2_7-.Ltmp1, $3  }
0x34: {  	_ =	sdelay $0x1  }
0x35: {  	[sflag:s10] =	ssyncset.done $0x0  }
0x36: {  	[sflag:s10] =	ssyncadd.s32 $0xFFFFFB00  }
.LBB2_1:
0x37: {  	[dreg:$0x8] =	wrdreg s3;
	s5 =	simm.s32 $0x40;
	s24 =	simm.s32 $0x0  }
.LBB2_2:
0x38: {  	p0 =	sne.s32 s5, $0x9FC0;
	[tilespmem:s24+$0x9000] =	vst v0;
	s24 =	smov.u32 s5;
	s5 =	sadd.s32 $0x40, s5  }
.Ltmp2:
0x39: {  	(pc) =	sbr.rel @p0 .LBB2_2-.Ltmp2, $2  }
0x3a: {  	_ =	sdelay $0x2  }
0x3b: {  	s24 =	sshra.s32 s24, $0x2  }
0x3c: {  	[tilespmem:s24+$0x9000] =	vst v0;
	s5 =	rddreg [dreg:$0x4];
	s10 =	simm.s32 $0x9000  }
0x3d: {  	[spmem:s5] =	stream.linear.scatter [tilespmem:s10], [sflag:$0x11], $0x2800, $0x38;
	[tilespmem:$0xE000] =	vst v63  }
0x3e: {  	s10 =	simm.s32 $0x11  }
0x3f: {  	_ =	swait.ge [sflag:s10], $0x2800  }
0x40: {  	[sflag:s10] =	ssyncset.done $0x0  }
0x41: {  	s24 =	simm.s32 $0x0;
	s3 =	rddreg [dreg:$0x5];
	[sflag:s10] =	ssyncadd.s32 $0xFFFFD800  }
0x42: {  	[tilespmem:s24], [sflag:$0x11] =	stream.linear.gather [hbm4b:s3+s24], $0x2800, $0x38;
	[tilespmem:$0xE000] =	vst v63  }
0x43: {  	_ =	swait.ge [sflag:s10], $0x2800  }
0x44: {  	[sflag:s10] =	ssyncset.done $0x0  }
0x45: {  	s3 =	simm.s32 $0x2800;
	s5 =	rddreg [dreg:$0x6];
	[sflag:s10] =	ssyncadd.s32 $0xFFFFD800  }
0x46: {  	[tilespmem:s3], [sflag:$0x11] =	stream.linear.gather [hbm4b:s5+s24], $0x2800, $0x38;
	[tilespmem:$0xE000] =	vst v63  }
0x47: {  	_ =	swait.ge [sflag:s10], $0x2800  }
0x48: {  	[sflag:s10] =	ssyncset.done $0x0  }
0x49: {  	[sflag:s10] =	ssyncadd.s32 $0xFFFFD800  }
0x4a: {  	[bflag:$0x0] =	sbarrier.arrive $0xFFFF  }
0x4b: {  	[tilespmem:s13], [sflag:$0x1] =	stream.indirect.gather [hbm4b:s4+s12], $0x10, s24, s12, $0xb8;
	[tilespmem:$0xE000] =	vst v63  }
0x4c: {  	_ = 	snop  }
0x4d: {  	[tilespmem:s14], [sflag:$0x2] =	stream.indirect.gather [hbm4b:s4+s12], $0x10, s12, s12, $0xb8;
	[tilespmem:$0xE000] =	vst v63  }
0x4e: {  	s5 =	simm.s32 $0x100  }
0x4f: {  	[tilespmem:s16], [sflag:$0x3] =	stream.indirect.gather [hbm4b:s4+s12], $0x10, s5, s12, $0xb8;
	[tilespmem:$0xE000] =	vst v63  }
0x50: {  	s10 =	simm.s32 $0x180  }
0x51: {  	[tilespmem:s18], [sflag:$0x4] =	stream.indirect.gather [hbm4b:s4+s12], $0x10, s10, s12, $0xb8;
	[tilespmem:$0xE000] =	vst v63  }
0x52: {  	s5 =	simm.s32 $0x200  }
0x53: {  	[tilespmem:s20], [sflag:$0x5] =	stream.indirect.gather [hbm4b:s4+s12], $0x10, s5, s12, $0xb8;
	[tilespmem:$0xE000] =	vst v63  }
0x54: {  	s10 =	simm.s32 $0x280  }
0x55: {  	[tilespmem:s22], [sflag:$0x6] =	stream.indirect.gather [hbm4b:s4+s12], $0x10, s10, s12, $0xb8;
	[tilespmem:$0xE000] =	vst v63  }
0x56: {  	s5 =	simm.s32 $0x300  }
0x57: {  	[tilespmem:s25], [sflag:$0x7] =	stream.indirect.gather [hbm4b:s4+s12], $0x10, s5, s12, $0xb8;
	[tilespmem:$0xE000] =	vst v63  }
0x58: {  	s3 =	rddreg [dreg:$0x8];
	s10 =	simm.s32 $0x380  }
0x59: {  	[tilespmem:s28], [sflag:$0x8] =	stream.indirect.gather [hbm4b:s4+s12], $0x10, s10, s12, $0xb8;
	[tilespmem:$0xE000] =	vst v63  }
.LBB2_4:
0x5a: {  	_ =	swait.ge [sflag:s29], $0x800  }
0x5b: {  	s5 =	sshra.s32 s24, $0x2;
	[sflag:s29] =	ssyncset.done $0x0  }
0x5c: {  	s10 =	sadd.s32 $0x2800, s5;
	[sflag:s29] =	ssyncadd.s32 $0xFFFFF800  }
0x5d: {  	[spmem:s2] =	stream.indirect.scatter.add.f32 [tilespmem:s13], [sflag:$0x9], $0x10, s10, s12, $0xb8;
	[tilespmem:$0xE000] =	vst v63  }
0x5e: {  	_ =	swait.ge [sflag:s30], $0x800  }
0x5f: {  	[sflag:s30] =	ssyncset.done $0x0  }
0x60: {  	s10 =	sadd.s32 $0x2880, s5;
	[sflag:s30] =	ssyncadd.s32 $0xFFFFF800  }
0x61: {  	[spmem:s2] =	stream.indirect.scatter.add.f32 [tilespmem:s14], [sflag:$0xA], $0x10, s10, s12, $0xb8;
	[tilespmem:$0xE000] =	vst v63  }
0x62: {  	_ =	swait.ge [sflag:s31], $0x800  }
0x63: {  	[sflag:s31] =	ssyncset.done $0x0  }
0x64: {  	s10 =	sadd.s32 $0x2900, s5;
	[sflag:s31] =	ssyncadd.s32 $0xFFFFF800  }
0x65: {  	[spmem:s2] =	stream.indirect.scatter.add.f32 [tilespmem:s16], [sflag:$0xB], $0x10, s10, s12, $0xb8;
	[tilespmem:$0xE000] =	vst v63  }
0x66: {  	_ =	swait.ge [sflag:s0], $0x800  }
0x67: {  	[sflag:s0] =	ssyncset.done $0x0  }
0x68: {  	s10 =	sadd.s32 $0x2980, s5;
	[sflag:s0] =	ssyncadd.s32 $0xFFFFF800  }
0x69: {  	[spmem:s2] =	stream.indirect.scatter.add.f32 [tilespmem:s18], [sflag:$0xC], $0x10, s10, s12, $0xb8;
	[tilespmem:$0xE000] =	vst v63  }
0x6a: {  	_ =	swait.ge [sflag:s1], $0x800  }
0x6b: {  	[sflag:s1] =	ssyncset.done $0x0  }
0x6c: {  	s10 =	sadd.s32 $0x2A00, s5;
	[sflag:s1] =	ssyncadd.s32 $0xFFFFF800  }
0x6d: {  	[spmem:s2] =	stream.indirect.scatter.add.f32 [tilespmem:s20], [sflag:$0xD], $0x10, s10, s12, $0xb8;
	[tilespmem:$0xE000] =	vst v63  }
0x6e: {  	_ =	swait.ge [sflag:s9], $0x800  }
0x6f: {  	[sflag:s9] =	ssyncset.done $0x0  }
0x70: {  	s10 =	sadd.s32 $0x2A80, s5;
	[sflag:s9] =	ssyncadd.s32 $0xFFFFF800  }
0x71: {  	[spmem:s2] =	stream.indirect.scatter.add.f32 [tilespmem:s22], [sflag:$0xE], $0x10, s10, s12, $0xb8;
	[tilespmem:$0xE000] =	vst v63  }
0x72: {  	_ =	swait.ge [sflag:s11], $0x800  }
0x73: {  	[sflag:s11] =	ssyncset.done $0x0  }
0x74: {  	s10 =	sadd.s32 $0x2B00, s5;
	[sflag:s11] =	ssyncadd.s32 $0xFFFFF800  }
0x75: {  	[spmem:s2] =	stream.indirect.scatter.add.f32 [tilespmem:s25], [sflag:$0xF], $0x10, s10, s12, $0xb8;
	[tilespmem:$0xE000] =	vst v63  }
0x76: {  	_ =	swait.ge [sflag:s15], $0x800  }
0x77: {  	p0 =	seq.s32 s24, $0x9000;
	[sflag:s15] =	ssyncset.done $0x0  }
.Ltmp3:
0x78: {  	s10 =	sadd.s32 $0x2B80, s5;
	[sflag:s15] =	ssyncadd.s32 $0xFFFFF800;
	(pc) =	sbr.rel @p0 .LBB2_6-.Ltmp3, $4  }
0x79: {  	[spmem:s2] =	stream.indirect.scatter.add.f32 [tilespmem:s28], [sflag:$0x10], $0x10, s10, s12, $0xb8;
	[tilespmem:$0xE000] =	vst v63  }
0x7a: {  	_ =	swait.ge [sflag:s17], $0x800  }
0x7b: {  	[sflag:s17] =	ssyncset.done $0x0  }
0x7c: {  	[sflag:s17] =	ssyncadd.s32 $0xFFFFF800  }
0x7d: {  	s10 =	sadd.s32 $0x400, s5  }
0x7e: {  	[tilespmem:s13], [sflag:$0x1] =	stream.indirect.gather [hbm4b:s4+s12], $0x10, s10, s12, $0xb8;
	[tilespmem:$0xE000] =	vst v63  }
0x7f: {  	_ =	swait.ge [sflag:s19], $0x800  }
0x80: {  	[sflag:s19] =	ssyncset.done $0x0  }
0x81: {  	s10 =	sadd.s32 $0x480, s5;
	[sflag:s19] =	ssyncadd.s32 $0xFFFFF800  }
0x82: {  	[tilespmem:s14], [sflag:$0x2] =	stream.indirect.gather [hbm4b:s4+s12], $0x10, s10, s12, $0xb8;
	[tilespmem:$0xE000] =	vst v63  }
0x83: {  	_ =	swait.ge [sflag:s21], $0x800  }
0x84: {  	[sflag:s21] =	ssyncset.done $0x0  }
0x85: {  	s10 =	sadd.s32 $0x500, s5;
	[sflag:s21] =	ssyncadd.s32 $0xFFFFF800  }
0x86: {  	[tilespmem:s16], [sflag:$0x3] =	stream.indirect.gather [hbm4b:s4+s12], $0x10, s10, s12, $0xb8;
	[tilespmem:$0xE000] =	vst v63  }
0x87: {  	_ =	swait.ge [sflag:s23], $0x800  }
0x88: {  	[sflag:s23] =	ssyncset.done $0x0  }
0x89: {  	s10 =	sadd.s32 $0x580, s5;
	[sflag:s23] =	ssyncadd.s32 $0xFFFFF800  }
0x8a: {  	[tilespmem:s18], [sflag:$0x4] =	stream.indirect.gather [hbm4b:s4+s12], $0x10, s10, s12, $0xb8;
	[tilespmem:$0xE000] =	vst v63  }
0x8b: {  	_ =	swait.ge [sflag:s26], $0x800  }
0x8c: {  	[sflag:s26] =	ssyncset.done $0x0  }
0x8d: {  	s10 =	sadd.s32 $0x600, s5;
	[sflag:s26] =	ssyncadd.s32 $0xFFFFF800  }
0x8e: {  	[tilespmem:s20], [sflag:$0x5] =	stream.indirect.gather [hbm4b:s4+s12], $0x10, s10, s12, $0xb8;
	[tilespmem:$0xE000] =	vst v63  }
0x8f: {  	_ =	swait.ge [sflag:s6], $0x800  }
0x90: {  	[sflag:s6] =	ssyncset.done $0x0  }
0x91: {  	s10 =	sadd.s32 $0x680, s5;
	[sflag:s6] =	ssyncadd.s32 $0xFFFFF800  }
0x92: {  	[tilespmem:s22], [sflag:$0x6] =	stream.indirect.gather [hbm4b:s4+s12], $0x10, s10, s12, $0xb8;
	[tilespmem:$0xE000] =	vst v63  }
0x93: {  	_ =	swait.ge [sflag:s7], $0x800  }
0x94: {  	[sflag:s7] =	ssyncset.done $0x0  }
0x95: {  	s10 =	sadd.s32 $0x700, s5;
	[sflag:s7] =	ssyncadd.s32 $0xFFFFF800  }
0x96: {  	[tilespmem:s25], [sflag:$0x7] =	stream.indirect.gather [hbm4b:s4+s12], $0x10, s10, s12, $0xb8;
	[tilespmem:$0xE000] =	vst v63  }
.Ltmp4:
0x97: {  	_ = 	snop;
	(pc) =	sbr.rel .LBB2_4-.Ltmp4, $4  }
0x98: {  	_ =	swait.ge [sflag:s8], $0x800  }
0x99: {  	[sflag:s8] =	ssyncset.done $0x0  }
0x9a: {  	s24 =	sadd.s32 $0x1000, s24;
	s10 =	sadd.s32 $0x780, s5;
	[sflag:s8] =	ssyncadd.s32 $0xFFFFF800  }
0x9b: {  	[tilespmem:s28], [sflag:$0x8] =	stream.indirect.gather [hbm4b:s4+s12], $0x10, s10, s12, $0xb8;
	[tilespmem:$0xE000] =	vst v63  }
.LBB2_7:
0x9c: {  	_ =	sfence.sel $0x180000  }
0x9d: {  	[bflag:$0x0] =	sbarrier.arrive $0xFFFF  }
0x9e: {  	_ =	strace $0x9000004A  }
0x9f: {  	s0 =	stileid.u32;
	[bflag:$0x2] =	sbarrier.arrive $0xFFFF  }
0xa0: {  	p0 =	sne.s32 s0, $0x0;
	s0 =	rddreg [dreg:$0x3]  }
0xa1: {  	s0 =	sadd.s32 @!p0 $0x100000, s0  }
0xa2: {  	[sflag:s0] =	ssyncadd.tile.s32 @!p0 $0x1;
	_ =	shalt  }
.Lfunc_end2:
_tile_overlayer_lowered:
.L_overlay_start_2:
0xa3: {  	(tag) =	ssettag $0x2  }
0xa4: {  	s0 =	rddreg [dreg:$0x0];
	s2 =	stileid.u32  }
0xa5: {  	s1 =	rddreg [dreg:$0x1];
	p0 =	sne.s32 s2, $0x0  }
0xa6: {  	s3 =	rddreg [dreg:$0x2];
	[bflag:$0x3] =	sbarrier.arrive $0xFFFF;
	s2 =	simm.s32 @!p0 $0x1C11  }
0xa7: {  	[timem:s3], [sflag:s2] =	dma.local @!p0 [hbm:s0], s1  }
0xa8: {  	s0 =	simm.s32 @!p0 $0x11  }
0xa9: {  	_ =	swait.ge @!p0 [sflag:s0], s1  }
0xaa: {  	s1 =	ssub.s32 @!p0 $0x0, s1;
	[sflag:s0] =	ssyncset.done @!p0 $0x0  }
0xab: {  	[sflag:s0] =	ssyncadd.s32 @!p0 s1  }
0xac: {  	[bflag:$0x3] =	sbarrier.arrive $0xFFFF  }
0xad: {  	_ =	shalt  }

// kernel: kernel.15.cloned.1.call-start
scs
__scs_entry_jumppad:
0x0: {  	(pc) =	sbr.rel $0x88, $3  }
0x1: {  	(tag) =	ssettag $0x0;
	lr =	simm.s32 $0x1  }
0x2: {  	[smem:$0x3F9B] =	sst lr;
	_ =	strace $0xD0000000  }
0x3: {  	_ = 	snop  }
0x4: {  	_ = 	snop  }
0x5: {  	_ = 	snop  }
0x6: {  	_ = 	snop  }
0x7: {  	_ = 	snop  }
__scs_overlays_trampoline_lowered:
0x8: {  	[smem:$0x3FAA] =	sst s0  }
0x9: {  	[smem:$0x3FAB] =	sst s1  }
0xa: {  	[smem:$0x3FAC] =	sst s2  }
0xb: {  	[smem:$0x3FAD] =	sst s3  }
0xc: {  	[smem:$0x3FAE] =	sst s4  }
0xd: {  	[smem:$0x3FAF] =	sst s5  }
0xe: {  	[smem:$0x3FB0] =	sst s6  }
0xf: {  	[smem:$0x3FB1] =	sst s7  }
0x10: {  	[smem:$0x3FB2] =	sst s8  }
0x11: {  	[smem:$0x3FB3] =	sst s9;
	s0 =	simm.s32 @!p0 $0x0  }
0x12: {  	s1 =	sld [smem:$0x3F99];
	s0 =	simm.s32 @p0 $0x1  }
0x13: {  	[smem:$0x3FB4] =	sst s0;
	s0 =	simm.s32 @!p1 $0x0  }
0x14: {  	s2 =	sld [smem:$0x3F98];
	s0 =	simm.s32 @p1 $0x1  }
0x15: {  	[smem:$0x3FB5] =	sst s0;
	s0 =	simm.s32 @!p2 $0x0  }
0x16: {  	s3 =	sld [smem:$0x3FDB];
	s0 =	simm.s32 @p2 $0x1  }
0x17: {  	s4 =	simm.s32 $0x1BF5;
	[smem:$0x3FB7] =	sst s0  }
0x18: {  	s0 =	sld [smem:$0x3F9A];
	_ =	swait.ge [sflag:s4], $0x0  }
0x19: {  	s7 =	sld [smem:$0x3F9B]  }
0x1a: {  	s8 =	sadd.s32 $0xFFFFE003, lr  }
0x1b: {  	s9 =	sadd.s32 $0xFFFFFEF7, lr;
	s5 =	simm.s32 $0xFFFFFFFF;
	p2 =	slt.u32 s8, $0xFFFFF086  }
0x1c: {  	p1 =	slt.u32 s9, $0xF7A;
	s5 =	simm.s32 @!p2 $0x0  }
0x1d: {  	s5 =	simm.s32 @p1 $0x1;
	p0 =	seq.s32 s7, s2  }
0x1e: {  	s7 =	smul.u32 @!p0 $0xF7A, s2;
	p2 =	seq.s32 @!p0 s5, $0x0  }
0x1f: {  	s9 =	smul.u32 $0xF7A, s1;
	s8 =	simm.s32 @!p0 $0x1BF5;
	p2 =	por !p2, p0  }
0x20: {  	[sflag:s8] =	ssyncset.s32 @!p0 $0xFFFFF086;
	s6 =	sadd.s32 @!p0 s3, s7;
	s7 =	simm.s32 @!p0 $0x108  }
0x21: {  	s3 =	sadd.s32 s3, s9;
	s6 =	sadd.s32 @!p0 $0x88, s6;
	s7 =	simm.s32 @p2 $0x1082  }
0x22: {  	[simem:s7], [sflag:s8] =	dma.local @!p0 [hbm:s6], $0xF7A  }
0x23: {  	s9 =	sor.u32 $0xD0000000, s2;
	s6 =	simm.s32 $0x108;
	_ =	swait.ge @!p0 [sflag:s8], $0x0  }
0x24: {  	s3 =	sadd.s32 $0x88, s3;
	s6 =	simm.s32 @!p1 $0x1082;
	[sflag:s4] =	ssyncset.s32 $0xFFFFF086  }
0x25: {  	[simem:s6], [sflag:s4] =	dma.local [hbm:s3], $0xF7A  }
0x26: {  	[smem:$0x3F9B] =	sst s1;
	(tag) =	ssettag s2;
	_ =	strace s9  }
0x27: {  	s1 =	sld [smem:$0x3FAB]  }
0x28: {  	s2 =	sld [smem:$0x3FAC]  }
0x29: {  	s4 =	sld [smem:$0x3FAE]  }
0x2a: {  	p0 =	seq.s32 s5, $0x0;
	s5 =	sld [smem:$0x3FAF]  }
0x2b: {  	s6 =	sld [smem:$0x3FB0]  }
0x2c: {  	s7 =	sld [smem:$0x3FB1]  }
0x2d: {  	s3 =	simm.s32 $0x108;
	s8 =	sld [smem:$0x3FB2]  }
0x2e: {  	s3 =	simm.s32 @!p0 $0x1082;
	s9 =	sld [smem:$0x3FB3]  }
0x2f: {  	lr =	sadd.s32 s0, s3;
	s0 =	sld [smem:$0x3FAA]  }
0x30: {  	s3 =	sld [smem:$0x3FAD]  }
0x31: {  	[smem:$0x3FB6] =	sst s10  }
0x32: {  	s10 =	sld [smem:$0x3FB4];
	_ =	sdelay $0x3  }
0x33: {  	p0 =	seq.s32 s10, $0x1;
	s10 =	sld [smem:$0x3FB6];
	_ =	sdelay $0x3  }
0x34: {  	[smem:$0x3FB6] =	sst s10  }
0x35: {  	s10 =	sld [smem:$0x3FB5];
	_ =	sdelay $0x3  }
0x36: {  	p1 =	seq.s32 s10, $0x1;
	s10 =	sld [smem:$0x3FB6];
	_ =	sdelay $0x3  }
0x37: {  	[smem:$0x3FB6] =	sst s10  }
0x38: {  	s10 =	sld [smem:$0x3FB7]  }
0x39: {  	_ = 	snop;
	(pc) =	sbr.ind lr, $3  }
0x3a: {  	_ = 	snop  }
0x3b: {  	_ = 	snop  }
0x3c: {  	p2 =	seq.s32 s10, $0x1;
	s10 =	sld [smem:$0x3FB6]  }
0x3d: {  	_ =	shalt  }
0x3e: {  	_ =	shalt  }
0x3f: {  	_ =	shalt  }
0x40: {  	_ =	shalt  }
0x41: {  	_ =	shalt  }
0x42: {  	_ =	shalt  }
0x43: {  	_ =	shalt  }
0x44: {  	_ =	shalt  }
0x45: {  	_ =	shalt  }
0x46: {  	_ =	shalt  }
0x47: {  	_ =	shalt  }
0x48: {  	_ =	shalt  }
0x49: {  	_ =	shalt  }
0x4a: {  	_ =	shalt  }
0x4b: {  	_ =	shalt  }
0x4c: {  	_ =	shalt  }
0x4d: {  	_ =	shalt  }
0x4e: {  	_ =	shalt  }
0x4f: {  	_ =	shalt  }
0x50: {  	_ =	shalt  }
0x51: {  	_ =	shalt  }
0x52: {  	_ =	shalt  }
0x53: {  	_ =	shalt  }
0x54: {  	_ =	shalt  }
0x55: {  	_ =	shalt  }
0x56: {  	_ =	shalt  }
0x57: {  	_ =	shalt  }
0x58: {  	_ =	shalt  }
0x59: {  	_ =	shalt  }
0x5a: {  	_ =	shalt  }
0x5b: {  	_ =	shalt  }
0x5c: {  	_ =	shalt  }
0x5d: {  	_ =	shalt  }
0x5e: {  	_ =	shalt  }
0x5f: {  	_ =	shalt  }
0x60: {  	_ =	shalt  }
0x61: {  	_ =	shalt  }
0x62: {  	_ =	shalt  }
0x63: {  	_ =	shalt  }
0x64: {  	_ =	shalt  }
0x65: {  	_ =	shalt  }
0x66: {  	_ =	shalt  }
0x67: {  	_ =	shalt  }
0x68: {  	_ =	shalt  }
0x69: {  	_ =	shalt  }
0x6a: {  	_ =	shalt  }
0x6b: {  	_ =	shalt  }
0x6c: {  	_ =	shalt  }
0x6d: {  	_ =	shalt  }
0x6e: {  	_ =	shalt  }
0x6f: {  	_ =	shalt  }
0x70: {  	_ =	shalt  }
0x71: {  	_ =	shalt  }
0x72: {  	_ =	shalt  }
0x73: {  	_ =	shalt  }
0x74: {  	_ =	shalt  }
0x75: {  	_ =	shalt  }
0x76: {  	_ =	shalt  }
0x77: {  	_ =	shalt  }
0x78: {  	_ =	shalt  }
0x79: {  	_ =	shalt  }
0x7a: {  	_ =	shalt  }
0x7b: {  	_ =	shalt  }
0x7c: {  	_ =	shalt  }
0x7d: {  	_ =	shalt  }
0x7e: {  	_ =	shalt  }
0x7f: {  	_ =	shalt  }
0x80: {  	_ =	shalt  }
0x81: {  	_ =	shalt  }
0x82: {  	_ =	shalt  }
0x83: {  	_ =	shalt  }
0x84: {  	_ =	shalt  }
0x85: {  	_ =	shalt  }
0x86: {  	_ =	shalt  }
0x87: {  	_ =	shalt  }
.Lfunc_end0:
.L_simem_size_0:
called_computation.2_lowered:
.L_overlay_start_0:
0x88: {  	s2 =	sld [smem:$0x3FD9]  }
0x89: {  	s3 =	sld [smem:$0x3FFE];
	_ =	sdelay $0x1  }
0x8a: {  	s1 =	srdreg.scid  }
0x8b: {  	s0 =	sand.u32 $0x1, s1  }
0x8c: {  	s17 =	sshll.u32 s0, $0xA;
	s2 =	sadd.s32 s3, s2  }
0x8d: {  	s2 =	sadd.s32 s2, s17  }
0x8e: {  	[smem:$0x3FC2] =	sst s2  }
0x8f: {  	_ = 	snop  }
0x90: {  	s2 =	sld [smem:$0x3FD0];
	(tm) =	ssettm $0x1  }
0x91: {  	s18 =	sld [smem:$0x3FFB];
	_ =	sdelay $0x3  }
0x92: {  	_ =	strace s18  }
0x93: {  	s3 =	sld [smem:$0x3FFC];
	_ =	sdelay $0x3  }
0x94: {  	_ =	strace s3  }
0x95: {  	s3 =	sld [smem:$0x3FFD];
	_ =	sdelay $0x3  }
0x96: {  	_ =	strace s3  }
0x97: {  	_ =	strace $0x8FFFFFFF  }
0x98: {  	s19 =	sld [smem:$0x3FDB];
	_ =	sdelay $0x1  }
0x99: {  	s4 =	simm.s32 $_scs_section_size  }
0x9a: {  	s5 =	simm.s32 $_size__tile_overlayer_lowered;
	s6 =	simm.s32 $_tile_overlayer_lowered  }
0x9b: {  	s22 =	simm.s32 $0x1BFF;
	s21 =	sshll.u32 s6, $0x1;
	s3 =	sadd.s32 s4, s19  }
0x9c: {  	s7 =	simm.s32 $0x0;
	s20 =	sshll.u32 s5, $0x1;
	s5 =	sadd.s32 s21, s3  }
0x9d: {  	[timem:s7], [sflag:s22] =	dma.local [hbm:s5], s20  }
0x9e: {  	_ =	swait.ge [sflag:s22], s20  }
0x9f: {  	s4 =	ssub.s32 $0x0, s20;
	[sflag:s22] =	ssyncset.done $0x0  }
0xa0: {  	[sflag:s22] =	ssyncadd.s32 s4;
	_ =	sdelay $0x1  }
0xa1: {  	s23 =	simm.s32 $0x1B8B  }
0xa2: {  	_ =	swait.ge [sflag:s23], $0x1  }
0xa3: {  	[sflag:s23] =	ssyncset.done $0x0  }
0xa4: {  	s25 =	simm.s32 $0x1B8E;
	s24 =	sld [smem:$0x3FFE];
	[sflag:s23] =	ssyncadd.s32 $0xFFFFFFFF  }
0xa5: {  	s26 =	simm.s32 $execute0_lowered;
	[smem:$0x3FD2] =	sst s25  }
0xa6: {  	s5 =	sshll.u32 s26, $0x1;
	_ =	strace $0x8000004C;
	[dreg:$0x1] =	wrdreg $0xFFFFFFFF  }
0xa7: {  	s28 =	simm.s32 $_size_execute0_lowered;
	s3 =	sadd.s32 s3, s5;
	[dreg:$0x0] =	wrdreg $0x0  }
0xa8: {  	s5 =	sshll.u32 s28, $0x1;
	[dreg:$0x2] =	wrdreg s3  }
0xa9: {  	[dreg:$0x3] =	wrdreg s5  }
0xaa: {  	[dreg:$0x4] =	wrdreg $0xC0  }
0xab: {  	_ =	task [dreg:s7], $0x5FFFF  }
0xac: {  	[dreg:$0x1] =	wrdreg $0xFFFFFFFF  }
0xad: {  	[dreg:$0x0] =	wrdreg $0x60  }
0xae: {  	[dreg:$0x2] =	wrdreg s24  }
0xaf: {  	[dreg:$0x3] =	wrdreg s2  }
0xb0: {  	[dreg:$0x4] =	wrdreg $0xB8000  }
0xb1: {  	[dreg:$0x5] =	wrdreg $0x9  }
0xb2: {  	_ =	task.clear_ibuf [dreg:s7], $0x6FFFF;
	_ =	strace $0x9000004C  }
0xb3: {  	s29 =	simm.s32 $0x9;
	_ =	strace $0x8000004E  }
0xb4: {  	_ =	swait.ge [sflag:s29], $0x1  }
0xb5: {  	[sflag:s29] =	ssyncadd.s32 $0xFFFFFFFF  }
0xb6: {  	_ =	strace $0x9000004E  }
0xb7: {  	_ =	sfence  }
0xb8: {  	s30 =	sld [smem:$0x0];
	_ =	sdelay $0x2  }
0xb9: {  	s31 =	sshll.u32 s1, $0xD;
	s1 =	sshrl.u32 s1, $0x2  }
0xba: {  	s3 =	sand.u32 $0x4000, s31;
	s1 =	sadd.s32 s1, s30  }
0xbb: {  	s0 =	sor.u32 s3, s0;
	s1 =	sshll.u32 s1, $0x11  }
0xbc: {  	s0 =	sor.u32 s1, s0  }
0xbd: {  	s0 =	sadd.s32 $0x8F2B, s0  }
0xbe: {  	[sflag:s0] =	ssyncadd.remote.s32 $0x1  }
0xbf: {  	_ =	sfence.sel $0xFFFF  }
0xc0: {  	[dreg:$0x0] =	wrdreg $0xFFFFFFFF;
	(pc) =	sbr.abs _section_cstart, $3  }
0xc1: {  	[dreg:$0x1] =	wrdreg $0xFFFFFFFF  }
0xc2: {  	_ =	task.clear_ibuf [dreg:s7], $0x2FFFF;
	_ =	strace $0x9FFFFFFF  }
0xc3: {  	(tm) =	ssettm $0x7FFFFFFF  }
tec
execute0_lowered:
.L_overlay_start_1:
0x0: {  	(tag) =	ssettag $0x1  }
0x1: {  	s0 =	rddreg [dreg:$0x0]  }
0x2: {  	s5 =	rddreg [dreg:$0x1]  }
0x3: {  	s1 =	srdreg.scid;
	s2 =	rddreg [dreg:$0x2]  }
0x4: {  	s8 =	stileid.u32;
	s3 =	simm.s32 $0x0;
	s12 =	simm.s32 $0x80  }
0x5: {  	s13 =	simm.s32 $0x5000;
	s14 =	simm.s32 $0x5800;
	s16 =	simm.s32 $0x6000  }
0x6: {  	s18 =	simm.s32 $0x6800;
	s20 =	simm.s32 $0x7000;
	s22 =	simm.s32 $0x7800  }
0x7: {  	s28 =	simm.s32 $0x8800;
	s29 =	simm.s32 $0x1;
	s30 =	simm.s32 $0x2  }
0x8: {  	s31 =	simm.s32 $0x3;
	s11 =	simm.s32 $0x7;
	s15 =	simm.s32 $0x8  }
0x9: {  	s17 =	simm.s32 $0x9;
	s19 =	simm.s32 $0xA;
	s1 =	sand.u32 $0x1, s1  }
0xa: {  	s21 =	simm.s32 $0xB;
	[smem:$0x7FF] =	sst s3;
	s4 =	sshll.u32 s1, $0x4  }
0xb: {  	_ =	strace $0x8000004D;
	s7 =	smul.u32 $0x5000, s1;
	s1 =	ssub.s32 $0x2, s1  }
0xc: {  	s4 =	sor.u32 s8, s4;
	s8 =	smul.u32 $0x2800, s8;
	s23 =	sshrl.u32 s1, $0x1  }
0xd: {  	s6 =	smul.u32 $0x500, s4;
	s4 =	sadd.s32 $0x1000, s0;
	s1 =	ssub.s32 s1, s23  }
0xe: {  	s23 =	simm.s32 $0xC;
	s24 =	sadd.s32 s8, s2;
	s26 =	sshrl.u32 s8, $0x3  }
0xf: {  	s1 =	smax.u32 s1, $0x1;
	s8 =	simm.s32 $0x10;
	s9 =	sadd.s32 s6, s0  }
0x10: {  	s0 =	sadd.s32 s7, s0;
	[dreg:$0x4] =	wrdreg s24;
	s5 =	sadd.s32 s5, s6  }
.Ltmp0:
0x11: {  	[dreg:$0x7] =	wrdreg s1;
	s1 =	simm.s32 $0x5;
	(pc) =	sbr.rel .LBB2_1-.Ltmp0, $4  }
0x12: {  	s6 =	simm.s32 $0xE;
	s7 =	simm.s32 $0xF;
	s25 =	sadd.s32 $0xB000, s9  }
0x13: {  	[dreg:$0x6] =	wrdreg s5;
	s0 =	sadd.s32 $0x15000, s0;
	s9 =	simm.s32 $0x6  }
0x14: {  	[dreg:$0x5] =	wrdreg s25;
	s0 =	sadd.s32 s26, s0;
	s25 =	simm.s32 $0x8000  }
0x15: {  	v0 =	vimm.f32 $0.0e+00;
	s26 =	simm.s32 $0xD;
	[dreg:$0x9] =	wrdreg s0;
	s0 =	simm.s32 $0x4  }
.LBB2_6:
0x16: {  	_ =	swait.ge [sflag:s19], $0x800  }
0x17: {  	[sflag:s19] =	ssyncset.done $0x0  }
0x18: {  	[sflag:s19] =	ssyncadd.s32 $0xFFFFF800  }
0x19: {  	_ =	swait.ge [sflag:s21], $0x800  }
0x1a: {  	[sflag:s21] =	ssyncset.done $0x0  }
0x1b: {  	[sflag:s21] =	ssyncadd.s32 $0xFFFFF800  }
0x1c: {  	_ =	swait.ge [sflag:s23], $0x800  }
0x1d: {  	[sflag:s23] =	ssyncset.done $0x0  }
0x1e: {  	[sflag:s23] =	ssyncadd.s32 $0xFFFFF800  }
0x1f: {  	_ =	swait.ge [sflag:s26], $0x800  }
0x20: {  	[sflag:s26] =	ssyncset.done $0x0  }
0x21: {  	[sflag:s26] =	ssyncadd.s32 $0xFFFFF800  }
0x22: {  	_ =	swait.ge [sflag:s6], $0x800  }
0x23: {  	[sflag:s6] =	ssyncset.done $0x0  }
0x24: {  	[sflag:s6] =	ssyncadd.s32 $0xFFFFF800  }
0x25: {  	_ =	swait.ge [sflag:s7], $0x800  }
0x26: {  	[sflag:s7] =	ssyncset.done $0x0  }
0x27: {  	[sflag:s7] =	ssyncadd.s32 $0xFFFFF800  }
0x28: {  	_ =	swait.ge [sflag:s8], $0x800  }
0x29: {  	[sflag:s8] =	ssyncset.done $0x0  }
0x2a: {  	[sflag:s8] =	ssyncadd.s32 $0xFFFFF800  }
0x2b: {  	s5 =	stileid.u32;
	[bflag:$0x0] =	sbarrier.arrive $0xFFFF  }
0x2c: {  	s5 =	sshll.u32 s5, $0x6;
	s10 =	rddreg [dreg:$0x4]  }
0x2d: {  	s5 =	sor.u32 $0x1C11, s5;
	s24 =	rddreg [dreg:$0x9];
	s10 =	sshrl.u32 s10, $0x3  }
0x2e: {  	[hbm:s24], [sflag:s5] =	dma.local [spmem:s10], $0x500  }
0x2f: {  	s10 =	simm.s32 $0x11  }
0x30: {  	_ =	swait.ge [sflag:s10], $0x500  }
0x31: {  	s3 =	sadd.s32 $0x1, s3;
	s24 =	rddreg [dreg:$0x7]  }
0x32: {  	p0 =	sne.s32 s3, s24  }
.Ltmp1:
0x33: {  	_ = 	snop;
	(pc) =	sbr.rel @!p0 .LBB2_7-.Ltmp1, $3  }
0x34: {  	_ =	sdelay $0x1  }
0x35: {  	[sflag:s10] =	ssyncset.done $0x0  }
0x36: {  	[sflag:s10] =	ssyncadd.s32 $0xFFFFFB00  }
.LBB2_1:
0x37: {  	[dreg:$0x8] =	wrdreg s3;
	s5 =	simm.s32 $0x40;
	s24 =	simm.s32 $0x0  }
.LBB2_2:
0x38: {  	p0 =	sne.s32 s5, $0x9FC0;
	[tilespmem:s24+$0x9000] =	vst v0;
	s24 =	smov.u32 s5;
	s5 =	sadd.s32 $0x40, s5  }
.Ltmp2:
0x39: {  	(pc) =	sbr.rel @p0 .LBB2_2-.Ltmp2, $2  }
0x3a: {  	_ =	sdelay $0x2  }
0x3b: {  	s24 =	sshra.s32 s24, $0x2  }
0x3c: {  	[tilespmem:s24+$0x9000] =	vst v0;
	s5 =	rddreg [dreg:$0x4];
	s10 =	simm.s32 $0x9000  }
0x3d: {  	[spmem:s5] =	stream.linear.scatter [tilespmem:s10], [sflag:$0x11], $0x2800, $0x38;
	[tilespmem:$0xE000] =	vst v63  }
0x3e: {  	s10 =	simm.s32 $0x11  }
0x3f: {  	_ =	swait.ge [sflag:s10], $0x2800  }
0x40: {  	[sflag:s10] =	ssyncset.done $0x0  }
0x41: {  	s24 =	simm.s32 $0x0;
	s3 =	rddreg [dreg:$0x5];
	[sflag:s10] =	ssyncadd.s32 $0xFFFFD800  }
0x42: {  	[tilespmem:s24], [sflag:$0x11] =	stream.linear.gather [hbm4b:s3+s24], $0x2800, $0x38;
	[tilespmem:$0xE000] =	vst v63  }
0x43: {  	_ =	swait.ge [sflag:s10], $0x2800  }
0x44: {  	[sflag:s10] =	ssyncset.done $0x0  }
0x45: {  	s3 =	simm.s32 $0x2800;
	s5 =	rddreg [dreg:$0x6];
	[sflag:s10] =	ssyncadd.s32 $0xFFFFD800  }
0x46: {  	[tilespmem:s3], [sflag:$0x11] =	stream.linear.gather [hbm4b:s5+s24], $0x2800, $0x38;
	[tilespmem:$0xE000] =	vst v63  }
0x47: {  	_ =	swait.ge [sflag:s10], $0x2800  }
0x48: {  	[sflag:s10] =	ssyncset.done $0x0  }
0x49: {  	[sflag:s10] =	ssyncadd.s32 $0xFFFFD800  }
0x4a: {  	[bflag:$0x0] =	sbarrier.arrive $0xFFFF  }
0x4b: {  	[tilespmem:s13], [sflag:$0x1] =	stream.indirect.gather [hbm4b:s4+s12], $0x10, s24, s12, $0xb8;
	[tilespmem:$0xE000] =	vst v63  }
0x4c: {  	_ = 	snop  }
0x4d: {  	[tilespmem:s14], [sflag:$0x2] =	stream.indirect.gather [hbm4b:s4+s12], $0x10, s12, s12, $0xb8;
	[tilespmem:$0xE000] =	vst v63  }
0x4e: {  	s5 =	simm.s32 $0x100  }
0x4f: {  	[tilespmem:s16], [sflag:$0x3] =	stream.indirect.gather [hbm4b:s4+s12], $0x10, s5, s12, $0xb8;
	[tilespmem:$0xE000] =	vst v63  }
0x50: {  	s10 =	simm.s32 $0x180  }
0x51: {  	[tilespmem:s18], [sflag:$0x4] =	stream.indirect.gather [hbm4b:s4+s12], $0x10, s10, s12, $0xb8;
	[tilespmem:$0xE000] =	vst v63  }
0x52: {  	s5 =	simm.s32 $0x200  }
0x53: {  	[tilespmem:s20], [sflag:$0x5] =	stream.indirect.gather [hbm4b:s4+s12], $0x10, s5, s12, $0xb8;
	[tilespmem:$0xE000] =	vst v63  }
0x54: {  	s10 =	simm.s32 $0x280  }
0x55: {  	[tilespmem:s22], [sflag:$0x6] =	stream.indirect.gather [hbm4b:s4+s12], $0x10, s10, s12, $0xb8;
	[tilespmem:$0xE000] =	vst v63  }
0x56: {  	s5 =	simm.s32 $0x300  }
0x57: {  	[tilespmem:s25], [sflag:$0x7] =	stream.indirect.gather [hbm4b:s4+s12], $0x10, s5, s12, $0xb8;
	[tilespmem:$0xE000] =	vst v63  }
0x58: {  	s3 =	rddreg [dreg:$0x8];
	s10 =	simm.s32 $0x380  }
0x59: {  	[tilespmem:s28], [sflag:$0x8] =	stream.indirect.gather [hbm4b:s4+s12], $0x10, s10, s12, $0xb8;
	[tilespmem:$0xE000] =	vst v63  }
.LBB2_4:
0x5a: {  	_ =	swait.ge [sflag:s29], $0x800  }
0x5b: {  	s5 =	sshra.s32 s24, $0x2;
	[sflag:s29] =	ssyncset.done $0x0  }
0x5c: {  	s10 =	sadd.s32 $0x2800, s5;
	[sflag:s29] =	ssyncadd.s32 $0xFFFFF800  }
0x5d: {  	[spmem:s2] =	stream.indirect.scatter.add.f32 [tilespmem:s13], [sflag:$0x9], $0x10, s10, s12, $0xb8;
	[tilespmem:$0xE000] =	vst v63  }
0x5e: {  	_ =	swait.ge [sflag:s30], $0x800  }
0x5f: {  	[sflag:s30] =	ssyncset.done $0x0  }
0x60: {  	s10 =	sadd.s32 $0x2880, s5;
	[sflag:s30] =	ssyncadd.s32 $0xFFFFF800  }
0x61: {  	[spmem:s2] =	stream.indirect.scatter.add.f32 [tilespmem:s14], [sflag:$0xA], $0x10, s10, s12, $0xb8;
	[tilespmem:$0xE000] =	vst v63  }
0x62: {  	_ =	swait.ge [sflag:s31], $0x800  }
0x63: {  	[sflag:s31] =	ssyncset.done $0x0  }
0x64: {  	s10 =	sadd.s32 $0x2900, s5;
	[sflag:s31] =	ssyncadd.s32 $0xFFFFF800  }
0x65: {  	[spmem:s2] =	stream.indirect.scatter.add.f32 [tilespmem:s16], [sflag:$0xB], $0x10, s10, s12, $0xb8;
	[tilespmem:$0xE000] =	vst v63  }
0x66: {  	_ =	swait.ge [sflag:s0], $0x800  }
0x67: {  	[sflag:s0] =	ssyncset.done $0x0  }
0x68: {  	s10 =	sadd.s32 $0x2980, s5;
	[sflag:s0] =	ssyncadd.s32 $0xFFFFF800  }
0x69: {  	[spmem:s2] =	stream.indirect.scatter.add.f32 [tilespmem:s18], [sflag:$0xC], $0x10, s10, s12, $0xb8;
	[tilespmem:$0xE000] =	vst v63  }
0x6a: {  	_ =	swait.ge [sflag:s1], $0x800  }
0x6b: {  	[sflag:s1] =	ssyncset.done $0x0  }
0x6c: {  	s10 =	sadd.s32 $0x2A00, s5;
	[sflag:s1] =	ssyncadd.s32 $0xFFFFF800  }
0x6d: {  	[spmem:s2] =	stream.indirect.scatter.add.f32 [tilespmem:s20], [sflag:$0xD], $0x10, s10, s12, $0xb8;
	[tilespmem:$0xE000] =	vst v63  }
0x6e: {  	_ =	swait.ge [sflag:s9], $0x800  }
0x6f: {  	[sflag:s9] =	ssyncset.done $0x0  }
0x70: {  	s10 =	sadd.s32 $0x2A80, s5;
	[sflag:s9] =	ssyncadd.s32 $0xFFFFF800  }
0x71: {  	[spmem:s2] =	stream.indirect.scatter.add.f32 [tilespmem:s22], [sflag:$0xE], $0x10, s10, s12, $0xb8;
	[tilespmem:$0xE000] =	vst v63  }
0x72: {  	_ =	swait.ge [sflag:s11], $0x800  }
0x73: {  	[sflag:s11] =	ssyncset.done $0x0  }
0x74: {  	s10 =	sadd.s32 $0x2B00, s5;
	[sflag:s11] =	ssyncadd.s32 $0xFFFFF800  }
0x75: {  	[spmem:s2] =	stream.indirect.scatter.add.f32 [tilespmem:s25], [sflag:$0xF], $0x10, s10, s12, $0xb8;
	[tilespmem:$0xE000] =	vst v63  }
0x76: {  	_ =	swait.ge [sflag:s15], $0x800  }
0x77: {  	p0 =	seq.s32 s24, $0x9000;
	[sflag:s15] =	ssyncset.done $0x0  }
.Ltmp3:
0x78: {  	s10 =	sadd.s32 $0x2B80, s5;
	[sflag:s15] =	ssyncadd.s32 $0xFFFFF800;
	(pc) =	sbr.rel @p0 .LBB2_6-.Ltmp3, $4  }
0x79: {  	[spmem:s2] =	stream.indirect.scatter.add.f32 [tilespmem:s28], [sflag:$0x10], $0x10, s10, s12, $0xb8;
	[tilespmem:$0xE000] =	vst v63  }
0x7a: {  	_ =	swait.ge [sflag:s17], $0x800  }
0x7b: {  	[sflag:s17] =	ssyncset.done $0x0  }
0x7c: {  	[sflag:s17] =	ssyncadd.s32 $0xFFFFF800  }
0x7d: {  	s10 =	sadd.s32 $0x400, s5  }
0x7e: {  	[tilespmem:s13], [sflag:$0x1] =	stream.indirect.gather [hbm4b:s4+s12], $0x10, s10, s12, $0xb8;
	[tilespmem:$0xE000] =	vst v63  }
0x7f: {  	_ =	swait.ge [sflag:s19], $0x800  }
0x80: {  	[sflag:s19] =	ssyncset.done $0x0  }
0x81: {  	s10 =	sadd.s32 $0x480, s5;
	[sflag:s19] =	ssyncadd.s32 $0xFFFFF800  }
0x82: {  	[tilespmem:s14], [sflag:$0x2] =	stream.indirect.gather [hbm4b:s4+s12], $0x10, s10, s12, $0xb8;
	[tilespmem:$0xE000] =	vst v63  }
0x83: {  	_ =	swait.ge [sflag:s21], $0x800  }
0x84: {  	[sflag:s21] =	ssyncset.done $0x0  }
0x85: {  	s10 =	sadd.s32 $0x500, s5;
	[sflag:s21] =	ssyncadd.s32 $0xFFFFF800  }
0x86: {  	[tilespmem:s16], [sflag:$0x3] =	stream.indirect.gather [hbm4b:s4+s12], $0x10, s10, s12, $0xb8;
	[tilespmem:$0xE000] =	vst v63  }
0x87: {  	_ =	swait.ge [sflag:s23], $0x800  }
0x88: {  	[sflag:s23] =	ssyncset.done $0x0  }
0x89: {  	s10 =	sadd.s32 $0x580, s5;
	[sflag:s23] =	ssyncadd.s32 $0xFFFFF800  }
0x8a: {  	[tilespmem:s18], [sflag:$0x4] =	stream.indirect.gather [hbm4b:s4+s12], $0x10, s10, s12, $0xb8;
	[tilespmem:$0xE000] =	vst v63  }
0x8b: {  	_ =	swait.ge [sflag:s26], $0x800  }
0x8c: {  	[sflag:s26] =	ssyncset.done $0x0  }
0x8d: {  	s10 =	sadd.s32 $0x600, s5;
	[sflag:s26] =	ssyncadd.s32 $0xFFFFF800  }
0x8e: {  	[tilespmem:s20], [sflag:$0x5] =	stream.indirect.gather [hbm4b:s4+s12], $0x10, s10, s12, $0xb8;
	[tilespmem:$0xE000] =	vst v63  }
0x8f: {  	_ =	swait.ge [sflag:s6], $0x800  }
0x90: {  	[sflag:s6] =	ssyncset.done $0x0  }
0x91: {  	s10 =	sadd.s32 $0x680, s5;
	[sflag:s6] =	ssyncadd.s32 $0xFFFFF800  }
0x92: {  	[tilespmem:s22], [sflag:$0x6] =	stream.indirect.gather [hbm4b:s4+s12], $0x10, s10, s12, $0xb8;
	[tilespmem:$0xE000] =	vst v63  }
0x93: {  	_ =	swait.ge [sflag:s7], $0x800  }
0x94: {  	[sflag:s7] =	ssyncset.done $0x0  }
0x95: {  	s10 =	sadd.s32 $0x700, s5;
	[sflag:s7] =	ssyncadd.s32 $0xFFFFF800  }
0x96: {  	[tilespmem:s25], [sflag:$0x7] =	stream.indirect.gather [hbm4b:s4+s12], $0x10, s10, s12, $0xb8;
	[tilespmem:$0xE000] =	vst v63  }
.Ltmp4:
0x97: {  	_ = 	snop;
	(pc) =	sbr.rel .LBB2_4-.Ltmp4, $4  }
0x98: {  	_ =	swait.ge [sflag:s8], $0x800  }
0x99: {  	[sflag:s8] =	ssyncset.done $0x0  }
0x9a: {  	s24 =	sadd.s32 $0x1000, s24;
	s10 =	sadd.s32 $0x780, s5;
	[sflag:s8] =	ssyncadd.s32 $0xFFFFF800  }
0x9b: {  	[tilespmem:s28], [sflag:$0x8] =	stream.indirect.gather [hbm4b:s4+s12], $0x10, s10, s12, $0xb8;
	[tilespmem:$0xE000] =	vst v63  }
.LBB2_7:
0x9c: {  	_ =	sfence.sel $0x180000  }
0x9d: {  	[bflag:$0x0] =	sbarrier.arrive $0xFFFF  }
0x9e: {  	_ =	strace $0x9000004D  }
0x9f: {  	s0 =	stileid.u32;
	[bflag:$0x2] =	sbarrier.arrive $0xFFFF  }
0xa0: {  	p0 =	sne.s32 s0, $0x0;
	s0 =	rddreg [dreg:$0x3]  }
0xa1: {  	s0 =	sadd.s32 @!p0 $0x100000, s0  }
0xa2: {  	[sflag:s0] =	ssyncadd.tile.s32 @!p0 $0x1;
	_ =	shalt  }
.Lfunc_end2:
_tile_overlayer_lowered:
.L_overlay_start_2:
0xa3: {  	(tag) =	ssettag $0x2  }
0xa4: {  	s0 =	rddreg [dreg:$0x0];
	s2 =	stileid.u32  }
0xa5: {  	s1 =	rddreg [dreg:$0x1];
	p0 =	sne.s32 s2, $0x0  }
0xa6: {  	s3 =	rddreg [dreg:$0x2];
	[bflag:$0x3] =	sbarrier.arrive $0xFFFF;
	s2 =	simm.s32 @!p0 $0x1C11  }
0xa7: {  	[timem:s3], [sflag:s2] =	dma.local @!p0 [hbm:s0], s1  }
0xa8: {  	s0 =	simm.s32 @!p0 $0x11  }
0xa9: {  	_ =	swait.ge @!p0 [sflag:s0], s1  }
0xaa: {  	s1 =	ssub.s32 @!p0 $0x0, s1;
	[sflag:s0] =	ssyncset.done @!p0 $0x0  }
0xab: {  	[sflag:s0] =	ssyncadd.s32 @!p0 s1  }
0xac: {  	[bflag:$0x3] =	sbarrier.arrive $0xFFFF  }
0xad: {  	_ =	shalt  }

// kernel: kernel.9.cloned.1.call-start
scs
__scs_entry_jumppad:
0x0: {  	(pc) =	sbr.rel $0x88, $3  }
0x1: {  	(tag) =	ssettag $0x0;
	lr =	simm.s32 $0x1  }
0x2: {  	[smem:$0x3F9B] =	sst lr;
	_ =	strace $0xD0000000  }
0x3: {  	_ = 	snop  }
0x4: {  	_ = 	snop  }
0x5: {  	_ = 	snop  }
0x6: {  	_ = 	snop  }
0x7: {  	_ = 	snop  }
__scs_overlays_trampoline_lowered:
0x8: {  	[smem:$0x3FAA] =	sst s0  }
0x9: {  	[smem:$0x3FAB] =	sst s1  }
0xa: {  	[smem:$0x3FAC] =	sst s2  }
0xb: {  	[smem:$0x3FAD] =	sst s3  }
0xc: {  	[smem:$0x3FAE] =	sst s4  }
0xd: {  	[smem:$0x3FAF] =	sst s5  }
0xe: {  	[smem:$0x3FB0] =	sst s6  }
0xf: {  	[smem:$0x3FB1] =	sst s7  }
0x10: {  	[smem:$0x3FB2] =	sst s8  }
0x11: {  	[smem:$0x3FB3] =	sst s9;
	s0 =	simm.s32 @!p0 $0x0  }
0x12: {  	s1 =	sld [smem:$0x3F99];
	s0 =	simm.s32 @p0 $0x1  }
0x13: {  	[smem:$0x3FB4] =	sst s0;
	s0 =	simm.s32 @!p1 $0x0  }
0x14: {  	s2 =	sld [smem:$0x3F98];
	s0 =	simm.s32 @p1 $0x1  }
0x15: {  	[smem:$0x3FB5] =	sst s0;
	s0 =	simm.s32 @!p2 $0x0  }
0x16: {  	s3 =	sld [smem:$0x3FDB];
	s0 =	simm.s32 @p2 $0x1  }
0x17: {  	s4 =	simm.s32 $0x1BF5;
	[smem:$0x3FB7] =	sst s0  }
0x18: {  	s0 =	sld [smem:$0x3F9A];
	_ =	swait.ge [sflag:s4], $0x0  }
0x19: {  	s7 =	sld [smem:$0x3F9B]  }
0x1a: {  	s8 =	sadd.s32 $0xFFFFE003, lr  }
0x1b: {  	s9 =	sadd.s32 $0xFFFFFEF7, lr;
	s5 =	simm.s32 $0xFFFFFFFF;
	p2 =	slt.u32 s8, $0xFFFFF086  }
0x1c: {  	p1 =	slt.u32 s9, $0xF7A;
	s5 =	simm.s32 @!p2 $0x0  }
0x1d: {  	s5 =	simm.s32 @p1 $0x1;
	p0 =	seq.s32 s7, s2  }
0x1e: {  	s7 =	smul.u32 @!p0 $0xF7A, s2;
	p2 =	seq.s32 @!p0 s5, $0x0  }
0x1f: {  	s9 =	smul.u32 $0xF7A, s1;
	s8 =	simm.s32 @!p0 $0x1BF5;
	p2 =	por !p2, p0  }
0x20: {  	[sflag:s8] =	ssyncset.s32 @!p0 $0xFFFFF086;
	s6 =	sadd.s32 @!p0 s3, s7;
	s7 =	simm.s32 @!p0 $0x108  }
0x21: {  	s3 =	sadd.s32 s3, s9;
	s6 =	sadd.s32 @!p0 $0x88, s6;
	s7 =	simm.s32 @p2 $0x1082  }
0x22: {  	[simem:s7], [sflag:s8] =	dma.local @!p0 [hbm:s6], $0xF7A  }
0x23: {  	s9 =	sor.u32 $0xD0000000, s2;
	s6 =	simm.s32 $0x108;
	_ =	swait.ge @!p0 [sflag:s8], $0x0  }
0x24: {  	s3 =	sadd.s32 $0x88, s3;
	s6 =	simm.s32 @!p1 $0x1082;
	[sflag:s4] =	ssyncset.s32 $0xFFFFF086  }
0x25: {  	[simem:s6], [sflag:s4] =	dma.local [hbm:s3], $0xF7A  }
0x26: {  	[smem:$0x3F9B] =	sst s1;
	(tag) =	ssettag s2;
	_ =	strace s9  }
0x27: {  	s1 =	sld [smem:$0x3FAB]  }
0x28: {  	s2 =	sld [smem:$0x3FAC]  }
0x29: {  	s4 =	sld [smem:$0x3FAE]  }
0x2a: {  	p0 =	seq.s32 s5, $0x0;
	s5 =	sld [smem:$0x3FAF]  }
0x2b: {  	s6 =	sld [smem:$0x3FB0]  }
0x2c: {  	s7 =	sld [smem:$0x3FB1]  }
0x2d: {  	s3 =	simm.s32 $0x108;
	s8 =	sld [smem:$0x3FB2]  }
0x2e: {  	s3 =	simm.s32 @!p0 $0x1082;
	s9 =	sld [smem:$0x3FB3]  }
0x2f: {  	lr =	sadd.s32 s0, s3;
	s0 =	sld [smem:$0x3FAA]  }
0x30: {  	s3 =	sld [smem:$0x3FAD]  }
0x31: {  	[smem:$0x3FB6] =	sst s10  }
0x32: {  	s10 =	sld [smem:$0x3FB4];
	_ =	sdelay $0x3  }
0x33: {  	p0 =	seq.s32 s10, $0x1;
	s10 =	sld [smem:$0x3FB6];
	_ =	sdelay $0x3  }
0x34: {  	[smem:$0x3FB6] =	sst s10  }
0x35: {  	s10 =	sld [smem:$0x3FB5];
	_ =	sdelay $0x3  }
0x36: {  	p1 =	seq.s32 s10, $0x1;
	s10 =	sld [smem:$0x3FB6];
	_ =	sdelay $0x3  }
0x37: {  	[smem:$0x3FB6] =	sst s10  }
0x38: {  	s10 =	sld [smem:$0x3FB7]  }
0x39: {  	_ = 	snop;
	(pc) =	sbr.ind lr, $3  }
0x3a: {  	_ = 	snop  }
0x3b: {  	_ = 	snop  }
0x3c: {  	p2 =	seq.s32 s10, $0x1;
	s10 =	sld [smem:$0x3FB6]  }
0x3d: {  	_ =	shalt  }
0x3e: {  	_ =	shalt  }
0x3f: {  	_ =	shalt  }
0x40: {  	_ =	shalt  }
0x41: {  	_ =	shalt  }
0x42: {  	_ =	shalt  }
0x43: {  	_ =	shalt  }
0x44: {  	_ =	shalt  }
0x45: {  	_ =	shalt  }
0x46: {  	_ =	shalt  }
0x47: {  	_ =	shalt  }
0x48: {  	_ =	shalt  }
0x49: {  	_ =	shalt  }
0x4a: {  	_ =	shalt  }
0x4b: {  	_ =	shalt  }
0x4c: {  	_ =	shalt  }
0x4d: {  	_ =	shalt  }
0x4e: {  	_ =	shalt  }
0x4f: {  	_ =	shalt  }
0x50: {  	_ =	shalt  }
0x51: {  	_ =	shalt  }
0x52: {  	_ =	shalt  }
0x53: {  	_ =	shalt  }
0x54: {  	_ =	shalt  }
0x55: {  	_ =	shalt  }
0x56: {  	_ =	shalt  }
0x57: {  	_ =	shalt  }
0x58: {  	_ =	shalt  }
0x59: {  	_ =	shalt  }
0x5a: {  	_ =	shalt  }
0x5b: {  	_ =	shalt  }
0x5c: {  	_ =	shalt  }
0x5d: {  	_ =	shalt  }
0x5e: {  	_ =	shalt  }
0x5f: {  	_ =	shalt  }
0x60: {  	_ =	shalt  }
0x61: {  	_ =	shalt  }
0x62: {  	_ =	shalt  }
0x63: {  	_ =	shalt  }
0x64: {  	_ =	shalt  }
0x65: {  	_ =	shalt  }
0x66: {  	_ =	shalt  }
0x67: {  	_ =	shalt  }
0x68: {  	_ =	shalt  }
0x69: {  	_ =	shalt  }
0x6a: {  	_ =	shalt  }
0x6b: {  	_ =	shalt  }
0x6c: {  	_ =	shalt  }
0x6d: {  	_ =	shalt  }
0x6e: {  	_ =	shalt  }
0x6f: {  	_ =	shalt  }
0x70: {  	_ =	shalt  }
0x71: {  	_ =	shalt  }
0x72: {  	_ =	shalt  }
0x73: {  	_ =	shalt  }
0x74: {  	_ =	shalt  }
0x75: {  	_ =	shalt  }
0x76: {  	_ =	shalt  }
0x77: {  	_ =	shalt  }
0x78: {  	_ =	shalt  }
0x79: {  	_ =	shalt  }
0x7a: {  	_ =	shalt  }
0x7b: {  	_ =	shalt  }
0x7c: {  	_ =	shalt  }
0x7d: {  	_ =	shalt  }
0x7e: {  	_ =	shalt  }
0x7f: {  	_ =	shalt  }
0x80: {  	_ =	shalt  }
0x81: {  	_ =	shalt  }
0x82: {  	_ =	shalt  }
0x83: {  	_ =	shalt  }
0x84: {  	_ =	shalt  }
0x85: {  	_ =	shalt  }
0x86: {  	_ =	shalt  }
0x87: {  	_ =	shalt  }
.Lfunc_end0:
.L_simem_size_0:
called_computation_lowered:
.L_overlay_start_0:
0x88: {  	s2 =	sld [smem:$0x3FD9]  }
0x89: {  	s3 =	sld [smem:$0x3FFE];
	_ =	sdelay $0x1  }
0x8a: {  	s1 =	srdreg.scid  }
0x8b: {  	s0 =	sand.u32 $0x1, s1  }
0x8c: {  	s17 =	sshll.u32 s0, $0xA;
	s2 =	sadd.s32 s3, s2  }
0x8d: {  	s2 =	sadd.s32 s2, s17  }
0x8e: {  	[smem:$0x3FC2] =	sst s2  }
0x8f: {  	_ = 	snop  }
0x90: {  	s2 =	sld [smem:$0x3FD0];
	(tm) =	ssettm $0x1  }
0x91: {  	s18 =	sld [smem:$0x3FFB];
	_ =	sdelay $0x3  }
0x92: {  	_ =	strace s18  }
0x93: {  	s3 =	sld [smem:$0x3FFC];
	_ =	sdelay $0x3  }
0x94: {  	_ =	strace s3  }
0x95: {  	s3 =	sld [smem:$0x3FFD];
	_ =	sdelay $0x3  }
0x96: {  	_ =	strace s3  }
0x97: {  	_ =	strace $0x8FFFFFFF  }
0x98: {  	s19 =	sld [smem:$0x3FDB];
	_ =	sdelay $0x1  }
0x99: {  	s4 =	simm.s32 $_scs_section_size  }
0x9a: {  	s5 =	simm.s32 $_size__tile_overlayer_lowered;
	s6 =	simm.s32 $_tile_overlayer_lowered  }
0x9b: {  	s22 =	simm.s32 $0x1BFF;
	s21 =	sshll.u32 s6, $0x1;
	s3 =	sadd.s32 s4, s19  }
0x9c: {  	s7 =	simm.s32 $0x0;
	s20 =	sshll.u32 s5, $0x1;
	s5 =	sadd.s32 s21, s3  }
0x9d: {  	[timem:s7], [sflag:s22] =	dma.local [hbm:s5], s20  }
0x9e: {  	_ =	swait.ge [sflag:s22], s20  }
0x9f: {  	s4 =	ssub.s32 $0x0, s20;
	[sflag:s22] =	ssyncset.done $0x0  }
0xa0: {  	[sflag:s22] =	ssyncadd.s32 s4;
	_ =	sdelay $0x1  }
0xa1: {  	s23 =	simm.s32 $0x1B8B  }
0xa2: {  	_ =	swait.ge [sflag:s23], $0x1  }
0xa3: {  	[sflag:s23] =	ssyncset.done $0x0  }
0xa4: {  	s25 =	simm.s32 $0x1B8E;
	s24 =	sld [smem:$0x3FFE];
	[sflag:s23] =	ssyncadd.s32 $0xFFFFFFFF  }
0xa5: {  	s26 =	simm.s32 $execute0_lowered;
	[smem:$0x3FD2] =	sst s25  }
0xa6: {  	s5 =	sshll.u32 s26, $0x1;
	_ =	strace $0x80000046;
	[dreg:$0x1] =	wrdreg $0xFFFFFFFF  }
0xa7: {  	s28 =	simm.s32 $_size_execute0_lowered;
	s3 =	sadd.s32 s3, s5;
	[dreg:$0x0] =	wrdreg $0x0  }
0xa8: {  	s5 =	sshll.u32 s28, $0x1;
	[dreg:$0x2] =	wrdreg s3  }
0xa9: {  	[dreg:$0x3] =	wrdreg s5  }
0xaa: {  	[dreg:$0x4] =	wrdreg $0xC0  }
0xab: {  	_ =	task [dreg:s7], $0x5FFFF  }
0xac: {  	[dreg:$0x1] =	wrdreg $0xFFFFFFFF  }
0xad: {  	[dreg:$0x0] =	wrdreg $0x60  }
0xae: {  	[dreg:$0x2] =	wrdreg s2  }
0xaf: {  	[dreg:$0x3] =	wrdreg s24  }
0xb0: {  	[dreg:$0x4] =	wrdreg $0x58000  }
0xb1: {  	[dreg:$0x5] =	wrdreg $0x9  }
0xb2: {  	_ =	task.clear_ibuf [dreg:s7], $0x6FFFF;
	_ =	strace $0x90000046  }
0xb3: {  	s29 =	simm.s32 $0x9;
	_ =	strace $0x80000048  }
0xb4: {  	_ =	swait.ge [sflag:s29], $0x1  }
0xb5: {  	[sflag:s29] =	ssyncadd.s32 $0xFFFFFFFF  }
0xb6: {  	_ =	strace $0x90000048  }
0xb7: {  	_ =	sfence  }
0xb8: {  	s30 =	sld [smem:$0x0];
	_ =	sdelay $0x2  }
0xb9: {  	s31 =	sshll.u32 s1, $0xD;
	s1 =	sshrl.u32 s1, $0x2  }
0xba: {  	s3 =	sand.u32 $0x4000, s31;
	s1 =	sadd.s32 s1, s30  }
0xbb: {  	s0 =	sor.u32 s3, s0;
	s1 =	sshll.u32 s1, $0x11  }
0xbc: {  	s0 =	sor.u32 s1, s0  }
0xbd: {  	s0 =	sadd.s32 $0x8F2B, s0  }
0xbe: {  	[sflag:s0] =	ssyncadd.remote.s32 $0x1  }
0xbf: {  	_ =	sfence.sel $0xFFFF  }
0xc0: {  	[dreg:$0x0] =	wrdreg $0xFFFFFFFF;
	(pc) =	sbr.abs _section_cstart, $3  }
0xc1: {  	[dreg:$0x1] =	wrdreg $0xFFFFFFFF  }
0xc2: {  	_ =	task.clear_ibuf [dreg:s7], $0x2FFFF;
	_ =	strace $0x9FFFFFFF  }
0xc3: {  	(tm) =	ssettm $0x7FFFFFFF  }
tec
execute0_lowered:
.L_overlay_start_1:
0x0: {  	(tag) =	ssettag $0x1  }
0x1: {  	s5 =	rddreg [dreg:$0x0]  }
0x2: {  	s4 =	rddreg [dreg:$0x1]  }
0x3: {  	s1 =	rddreg [dreg:$0x2];
	s2 =	srdreg.scid  }
0x4: {  	s0 =	rddreg [dreg:$0x3];
	s3 =	simm.s32 $0x0;
	s11 =	simm.s32 $0x1  }
0x5: {  	s15 =	simm.s32 $0x0;
	s6 =	sand.u32 $0x1, s2;
	s2 =	stileid.u32  }
0x6: {  	[smem:$0x7FF] =	sst s3;
	s7 =	smul.u32 $0x5000, s6;
	s8 =	sshll.u32 s6, $0x4  }
0x7: {  	s6 =	ssub.s32 $0x2, s6;
	s9 =	smul.u32 $0x2800, s2;
	_ =	strace $0x80000047  }
0x8: {  	s31 =	sshll.u32 s2, $0x6;
	s8 =	sor.u32 s2, s8;
	s10 =	sshrl.u32 s6, $0x1  }
0x9: {  	s8 =	smul.u32 $0x500, s8;
	s7 =	sadd.s32 s7, s4;
	s6 =	ssub.s32 s6, s10  }
0xa: {  	s4 =	sadd.s32 s9, s1;
	s13 =	sshrl.u32 s9, $0x3;
	s9 =	simm.s32 $0x800  }
0xb: {  	s10 =	simm.s32 $0x80;
	s12 =	sadd.s32 $0x1000, s7;
	s6 =	smax.u32 s6, $0x1  }
0xc: {  	s7 =	simm.s32 $0x3000;
	s14 =	sshrl.u32 s4, $0x3;
	s5 =	sadd.s32 s5, s8  }
0xd: {  	v0 =	vimm.f32 $1.000000000e+00;
	v1 =	vimm.f32 $0.0e+00;
	s8 =	simm.s32 $0x2;
	s12 =	sadd.s32 s13, s12;
	s13 =	sor.u32 $0x1C02, s31  }
.LBB2_1:
0xe: {  	s16 =	simm.s32 $0x0  }
.LBB2_2:
0xf: {  	p0 =	sne.s32 s16, $0x1FC0  }
.Ltmp0:
0x10: {  	_ = 	snop;
	(pc) =	sbr.rel @p0 .LBB2_2-.Ltmp0, $4  }
0x11: {  	_ = 	snop  }
0x12: {  	s17 =	sshra.s32 s16, $0x2  }
0x13: {  	[tilespmem:s17+$0x0] =	vst v0  }
0x14: {  	s16 =	sadd.s32 $0x40, s16;
	[tilespmem:s17+$0x3000] =	vst v1  }
0x15: {  	s16 =	simm.s32 $0x40;
	s17 =	simm.s32 $0x0  }
.LBB2_4:
0x16: {  	p0 =	sne.s32 s16, $0x7FC0;
	[tilespmem:s17+$0x3800] =	vst v1;
	s17 =	smov.u32 s16;
	s16 =	sadd.s32 $0x40, s16  }
.Ltmp1:
0x17: {  	(pc) =	sbr.rel @p0 .LBB2_4-.Ltmp1, $2  }
0x18: {  	_ =	sdelay $0x2  }
0x19: {  	s17 =	sshra.s32 s17, $0x2  }
0x1a: {  	[tilespmem:s17+$0x3800] =	vst v1  }
0x1b: {  	[spmem:s4] =	stream.linear.scatter [tilespmem:s7], [sflag:$0x2], $0x2800, $0x38;
	[tilespmem:$0x8000] =	vst v63  }
0x1c: {  	_ =	swait.ge [sflag:s8], $0x2800  }
0x1d: {  	[sflag:s8] =	ssyncset.done $0x0  }
0x1e: {  	s16 =	simm.s32 $0x0;
	[sflag:s8] =	ssyncadd.s32 $0xFFFFD800  }
0x1f: {  	[tilespmem:s9], [sflag:$0x2] =	stream.linear.gather [hbm4b:s5+s16], $0x2800, $0x38;
	[tilespmem:$0x8000] =	vst v63  }
0x20: {  	_ =	swait.ge [sflag:s8], $0x2800  }
0x21: {  	[sflag:s8] =	ssyncset.done $0x0  }
0x22: {  	[sflag:s8] =	ssyncadd.s32 $0xFFFFD800  }
0x23: {  	[bflag:$0x0] =	sbarrier.arrive $0xFFFF  }
.LBB2_6:
0x24: {  	p0 =	sne.s32 s16, $0x9E00  }
.Ltmp2:
0x25: {  	_ = 	snop;
	(pc) =	sbr.rel @p0 .LBB2_6-.Ltmp2, $4  }
0x26: {  	_ = 	snop  }
0x27: {  	s17 =	sshra.s32 s16, $0x2  }
0x28: {  	s16 =	sadd.s32 $0x200, s16;
	s17 =	sadd.s32 $0x800, s17  }
0x29: {  	[spmem:s1] =	stream.indirect.scatter.add.f32 [tilespmem:s3], [sflag:$0x1], $0x10, s17, s10, $0xb8;
	[tilespmem:$0x8000] =	vst v63  }
0x2a: {  	_ =	swait.ge [sflag:s11], $0x800  }
0x2b: {  	s16 =	simm.s32 $0x4F;
	[sflag:s11] =	ssyncset.done $0x0  }
.LBB2_8:
0x2c: {  	p0 =	sne.s32 s16, $0x1;
	s16 =	sadd.s32 $0xFFFFFFFF, s16;
	[sflag:s11] =	ssyncadd.s32 $0xFFFFF800  }
.Ltmp3:
0x2d: {  	(pc) =	sbr.rel @p0 .LBB2_8-.Ltmp3, $3  }
0x2e: {  	_ =	sdelay $0x1  }
0x2f: {  	_ =	swait.ge [sflag:s11], $0x800  }
0x30: {  	[sflag:s11] =	ssyncset.done $0x0  }
0x31: {  	s15 =	sadd.s32 $0x1, s15  }
0x32: {  	[sflag:s11] =	ssyncadd.s32 $0xFFFFF800;
	p0 =	sne.s32 s15, s6  }
.Ltmp4:
0x33: {  	[bflag:$0x0] =	sbarrier.arrive $0xFFFF;
	(pc) =	sbr.rel @p0 .LBB2_1-.Ltmp4, $4  }
0x34: {  	[hbm:s12], [sflag:s13] =	dma.local [spmem:s14], $0x500  }
0x35: {  	_ =	swait.ge [sflag:s8], $0x500  }
0x36: {  	[sflag:s8] =	ssyncset.done $0x0  }
0x37: {  	[sflag:s8] =	ssyncadd.s32 $0xFFFFFB00  }
0x38: {  	_ =	sfence.sel $0x180000  }
0x39: {  	[bflag:$0x0] =	sbarrier.arrive $0xFFFF  }
0x3a: {  	p0 =	sne.s32 s2, $0x0;
	_ =	strace $0x90000047  }
0x3b: {  	s0 =	sadd.s32 @!p0 $0x100000, s0;
	[bflag:$0x2] =	sbarrier.arrive $0xFFFF  }
0x3c: {  	[sflag:s0] =	ssyncadd.tile.s32 @!p0 $0x1;
	_ =	shalt  }
.Lfunc_end2:
_tile_overlayer_lowered:
.L_overlay_start_2:
0x3d: {  	(tag) =	ssettag $0x2  }
0x3e: {  	s0 =	rddreg [dreg:$0x0];
	s2 =	stileid.u32  }
0x3f: {  	s1 =	rddreg [dreg:$0x1];
	p0 =	sne.s32 s2, $0x0  }
0x40: {  	s3 =	rddreg [dreg:$0x2];
	[bflag:$0x3] =	sbarrier.arrive $0xFFFF;
	s2 =	simm.s32 @!p0 $0x1C02  }
0x41: {  	[timem:s3], [sflag:s2] =	dma.local @!p0 [hbm:s0], s1  }
0x42: {  	s0 =	simm.s32 @!p0 $0x2  }
0x43: {  	_ =	swait.ge @!p0 [sflag:s0], s1  }
0x44: {  	s1 =	ssub.s32 @!p0 $0x0, s1;
	[sflag:s0] =	ssyncset.done @!p0 $0x0  }
0x45: {  	[sflag:s0] =	ssyncadd.s32 @!p0 s1  }
0x46: {  	[bflag:$0x3] =	sbarrier.arrive $0xFFFF  }
0x47: {  	_ =	shalt  }

</sc_bundles>
